<compile_context>
chip_gen: v7x
topology: tpu7x:2x2x1
jax: 0.10.2.dev20260603
libtpu: 0.0.44.dev20260713+nightly
codegen_flags: <defaults>
</compile_context>

<pallas_src>
import functools

import jax
import jax.numpy as jnp
from jax import lax
from jax.experimental import pallas as pl
from jax.experimental.pallas import tpu as pltpu
from jax.experimental.pallas import tpu_sc as plsc

B = 16384
D = 128
L = 1000
TAB = 3072
NC = 2
NS = 16
NW = NC * NS
BPW = B // NW
C = 128
NCHUNK = BPW // C
LANES = 16
STG = TAB // NS


def kernel(row, col, dir, row_emb, col_emb, dir_emb):
    coldir = (dir_emb[:, None, :] + col_emb[None, :, :]).reshape(2 * L, D)
    tab = jnp.concatenate(
        [row_emb, coldir, jnp.zeros((TAB - 3 * L, D), jnp.float32)], axis=0)
    row2 = row.astype(jnp.int32).reshape(B // C, C)
    col2 = col.astype(jnp.int32).reshape(B // C, C)
    dir2 = dir.astype(jnp.int32).reshape(B // C, C)

    mesh = plsc.VectorSubcoreMesh(core_axis_name="c", subcore_axis_name="s")

    @functools.partial(
        pl.kernel,
        mesh=mesh,
        out_type=jax.ShapeDtypeStruct((B, D), jnp.float32),
        scratch_types=[
            pltpu.VMEM((NCHUNK, C), jnp.int32),
            pltpu.VMEM((NCHUNK, C), jnp.int32),
            pltpu.VMEM((NCHUNK, C), jnp.int32),
            pltpu.VMEM((NCHUNK, C), jnp.int32),
            pltpu.VMEM((C, D), jnp.float32),
            pltpu.VMEM((C, D), jnp.float32),
            pltpu.VMEM((C, D), jnp.float32),
            pltpu.VMEM((C, D), jnp.float32),
            pltpu.VMEM((C, D), jnp.float32),
            pltpu.VMEM((C, D), jnp.float32),
            pltpu.VMEM_SHARED((TAB, D), jnp.float32),
            pltpu.SemaphoreType.DMA,
            pltpu.SemaphoreType.DMA,
            pltpu.SemaphoreType.DMA,
        ],
    )
    def k(row_hbm, col_hbm, dir_hbm, tab_hbm, out_hbm,
          ri_v, ci_v, di_v, cd_v, a0_v, a1_v, b0_v, b1_v, o0_v, o1_v,
          sh_tab, gsem, wsem, ssem):
        cid = lax.axis_index("c")
        sid = lax.axis_index("s")
        wid = sid * NC + cid
        chunk0 = wid * NCHUNK

        scp = pltpu.async_copy(tab_hbm.at[pl.ds(sid * STG, STG)],
                               sh_tab.at[pl.ds(sid * STG, STG)], ssem)

        pltpu.sync_copy(row_hbm.at[pl.ds(chunk0, NCHUNK)], ri_v)
        pltpu.sync_copy(col_hbm.at[pl.ds(chunk0, NCHUNK)], ci_v)
        pltpu.sync_copy(dir_hbm.at[pl.ds(chunk0, NCHUNK)], di_v)

        @pl.loop(0, NCHUNK)
        def _(r):
            for j in range(0, C, LANES):
                s = pl.ds(j, LANES)
                cd_v[r, s] = (di_v[r, s] + 1) * L + ci_v[r, s]

        scp.wait()
        plsc.subcore_barrier()

        abufs = (a0_v, a1_v)
        bbufs = (b0_v, b1_v)
        obufs = (o0_v, o1_v)

        def fire(ch):
            a = pltpu.async_copy(sh_tab.at[ri_v.at[ch]], abufs[ch % 2], gsem)
            b = pltpu.async_copy(sh_tab.at[cd_v.at[ch]], bbufs[ch % 2], gsem)
            return a, b

        H = C // 2
        gcp = [fire(0), fire(1)]
        wcp = [None, None]
        for ch in range(NCHUNK):
            gcp[ch % 2][0].wait()
            gcp[ch % 2][1].wait()
            if wcp[ch % 2] is not None:
                wcp[ch % 2][0].wait()
                wcp[ch % 2][1].wait()
            a_v, b_v, o_v = abufs[ch % 2], bbufs[ch % 2], obufs[ch % 2]

            @pl.loop(0, H)
            def _(r):
                for j in range(0, D, LANES):
                    s = pl.ds(j, LANES)
                    o_v[r, s] = a_v[r, s] + b_v[r, s]

            w1 = pltpu.async_copy(
                o_v.at[pl.ds(0, H)],
                out_hbm.at[pl.ds((chunk0 + ch) * C, H)], wsem)

            @pl.loop(H, C)
            def _(r):
                for j in range(0, D, LANES):
                    s = pl.ds(j, LANES)
                    o_v[r, s] = a_v[r, s] + b_v[r, s]

            w2 = pltpu.async_copy(
                o_v.at[pl.ds(H, H)],
                out_hbm.at[pl.ds((chunk0 + ch) * C + H, H)], wsem)
            if ch + 2 < NCHUNK:
                gcp[ch % 2] = fire(ch + 2)
            wcp[ch % 2] = (w1, w2)
        wcp[0][0].wait()
        wcp[0][1].wait()
        wcp[1][0].wait()
        wcp[1][1].wait()

    return k(row2, col2, dir2, tab)

# --- scband reference (transcript-rebuilt; emitter-appended) ---
"""Pipeline reference for scband-vector-encoder-24154896073282 (READ-ONLY COPY).

The authoritative reference and input builder live on the scoring server;
editing this copy changes nothing except your own understanding.
"""

import jax, jax.numpy as jnp
import numpy as np

LENGTH = 1000
IN_SZ = 128
BATCH = 16384

def setup_inputs(seed: int = 0) -> dict:
    key = jax.random.key(seed)
    k1, k2, k3, k4, k5, k6 = jax.random.split(key, 6)
    row = jax.random.randint(k1, (BATCH,), 0, LENGTH, dtype=jnp.int64 if jax.config.jax_enable_x64 else jnp.int32)
    col = jax.random.randint(k2, (BATCH,), 0, LENGTH, dtype=jnp.int64 if jax.config.jax_enable_x64 else jnp.int32)
    dir_idx = jax.random.randint(k3, (BATCH,), 0, 2, dtype=jnp.int64 if jax.config.jax_enable_x64 else jnp.int32)
    row_emb = jax.random.normal(k4, (LENGTH, IN_SZ), dtype=jnp.float32)
    col_emb = jax.random.normal(k5, (LENGTH, IN_SZ), dtype=jnp.float32)
    dir_emb = jax.random.normal(k6, (2, IN_SZ), dtype=jnp.float32)
    return {"row": row, "col": col, "dir": dir_idx, "row_emb": row_emb, "col_emb": col_emb, "dir_emb": dir_emb}

def reference(row, col, dir, row_emb, col_emb, dir_emb):
    # Faithful translation of VectorEncoder.forward, batched over moves:
    # out = row_emb[move.row] + col_emb[move.column] + dir_emb[move.dir]
    r = jnp.take(row_emb, row, axis=0)
    c = jnp.take(col_emb, col, axis=0)
    d = jnp.take(dir_emb, dir, axis=0)
    return r + c + d

if __name__ == "__main__":
    import jax
    _d = setup_inputs()
    print(jax.jit(kernel)(*tuple(_d.values())))

</pallas_src>

<mosaic_0001>
#map = affine_map<(d0, d1) -> (0, 0)>
module attributes {stable_mosaic.version = 14 : i64} {
  func.func @k(%arg0: i32, %arg1: i32, %arg2: memref<128x128xi32, #tpu.memory_space<hbm>>, %arg3: memref<128x128xi32, #tpu.memory_space<hbm>>, %arg4: memref<128x128xi32, #tpu.memory_space<hbm>>, %arg5: memref<3072x128xf32, #tpu.memory_space<hbm>>, %arg6: memref<16384x128xf32, #tpu.memory_space<hbm>>, %arg7: memref<4x128xi32, #tpu.memory_space<vmem>>, %arg8: memref<4x128xi32, #tpu.memory_space<vmem>>, %arg9: memref<4x128xi32, #tpu.memory_space<vmem>>, %arg10: memref<4x128xi32, #tpu.memory_space<vmem>>, %arg11: memref<128x128xf32, #tpu.memory_space<vmem>>, %arg12: memref<128x128xf32, #tpu.memory_space<vmem>>, %arg13: memref<128x128xf32, #tpu.memory_space<vmem>>, %arg14: memref<128x128xf32, #tpu.memory_space<vmem>>, %arg15: memref<128x128xf32, #tpu.memory_space<vmem>>, %arg16: memref<128x128xf32, #tpu.memory_space<vmem>>, %arg17: memref<3072x128xf32, #tpu.memory_space<vmem_shared>>, %arg18: memref<!tpu.dma_semaphore, #tpu.memory_space<semaphore_mem>>, %arg19: memref<!tpu.dma_semaphore, #tpu.memory_space<semaphore_mem>>, %arg20: memref<!tpu.dma_semaphore, #tpu.memory_space<semaphore_mem>>) attributes {dimension_semantics = [#tpu.dimension_semantics<core_parallel>, #tpu.dimension_semantics<subcore_parallel>], iteration_bounds = array<i64: 2, 16>, scalar_prefetch = 0 : i64, scratch_operands = 14 : i64, tpu.core_type = #tpu.core_type<sc_vector_subcore>, window_params = [{transform_indices = #map}, {transform_indices = #map}, {transform_indices = #map}, {transform_indices = #map}, {transform_indices = #map}]} {
    %mul3A = arith.constant 2 : i32
    %mul3A_0 = arith.muli %arg1, %mul3A : i32
    %add3A = arith.addi %mul3A_0, %arg0 : i32
    %mul3A_1 = arith.constant 4 : i32
    %mul3A_2 = arith.muli %add3A, %mul3A_1 : i32
    %mul3A_3 = arith.constant 192 : i32
    %mul3A_4 = arith.muli %arg1, %mul3A_3 : i32
    %mul3A_5 = arith.constant 192 : i32
    %mul3A_6 = arith.muli %arg1, %mul3A_5 : i32
    %dma_start3A = arith.constant 0 : i32
    %dma_start3A_7 = tpu.memref_slice %arg17[%mul3A_6, %dma_start3A] : memref<3072x128xf32, #tpu.memory_space<vmem_shared>> -> memref<192x128xf32, #tpu.memory_space<vmem_shared>>
    %dma_start3A_8 = arith.constant 0 : i32
    %dma_start3A_9 = tpu.memref_slice %arg5[%mul3A_4, %dma_start3A_8] : memref<3072x128xf32, #tpu.memory_space<hbm>> -> memref<192x128xf32, #tpu.memory_space<hbm>>
    tpu.enqueue_dma source(%dma_start3A_9 : memref<192x128xf32, #tpu.memory_space<hbm>>) target(%dma_start3A_7 : memref<192x128xf32, #tpu.memory_space<vmem_shared>>) target_semaphore(%arg20 : memref<!tpu.dma_semaphore, #tpu.memory_space<semaphore_mem>>)
    "tpu.region"() ({
      %run_scoped3A = tpu.sem_alloc : memref<!tpu.dma_semaphore, #tpu.memory_space<semaphore_mem>>
      %dma_start3A_369 = arith.constant 0 : i32
      %dma_start3A_370 = tpu.memref_slice %arg2[%mul3A_2, %dma_start3A_369] : memref<128x128xi32, #tpu.memory_space<hbm>> -> memref<4x128xi32, #tpu.memory_space<hbm>>
      %dma_start3A_371 = arith.constant 0 : i32
      %dma_start3A_372 = tpu.memref_slice %arg2[%mul3A_2, %dma_start3A_371] : memref<128x128xi32, #tpu.memory_space<hbm>> -> memref<4x128xi32, #tpu.memory_space<hbm>>
      tpu.enqueue_dma source(%dma_start3A_372 : memref<4x128xi32, #tpu.memory_space<hbm>>) target(%arg7 : memref<4x128xi32, #tpu.memory_space<vmem>>) target_semaphore(%run_scoped3A : memref<!tpu.dma_semaphore, #tpu.memory_space<semaphore_mem>>)
      %dma_wait3A_373 = arith.constant 0 : i32
      %dma_wait3A_374 = tpu.memref_slice %arg2[%mul3A_2, %dma_wait3A_373] : memref<128x128xi32, #tpu.memory_space<hbm>> -> memref<4x128xi32, #tpu.memory_space<hbm>>
      %dma_wait3A_375 = arith.constant 0 : i32
      %dma_wait3A_376 = tpu.memref_slice %arg2[%mul3A_2, %dma_wait3A_375] : memref<128x128xi32, #tpu.memory_space<hbm>> -> memref<4x128xi32, #tpu.memory_space<hbm>>
      tpu.wait_dma2 semaphore(%run_scoped3A : memref<!tpu.dma_semaphore, #tpu.memory_space<semaphore_mem>>) src(%dma_wait3A_376 : memref<4x128xi32, #tpu.memory_space<hbm>>) dst(%arg7 : memref<4x128xi32, #tpu.memory_space<vmem>>)
      tpu.yield
    }) : () -> ()
    "tpu.region"() ({
      %run_scoped3A = tpu.sem_alloc : memref<!tpu.dma_semaphore, #tpu.memory_space<semaphore_mem>>
      %dma_start3A_369 = arith.constant 0 : i32
      %dma_start3A_370 = tpu.memref_slice %arg3[%mul3A_2, %dma_start3A_369] : memref<128x128xi32, #tpu.memory_space<hbm>> -> memref<4x128xi32, #tpu.memory_space<hbm>>
      %dma_start3A_371 = arith.constant 0 : i32
      %dma_start3A_372 = tpu.memref_slice %arg3[%mul3A_2, %dma_start3A_371] : memref<128x128xi32, #tpu.memory_space<hbm>> -> memref<4x128xi32, #tpu.memory_space<hbm>>
      tpu.enqueue_dma source(%dma_start3A_372 : memref<4x128xi32, #tpu.memory_space<hbm>>) target(%arg8 : memref<4x128xi32, #tpu.memory_space<vmem>>) target_semaphore(%run_scoped3A : memref<!tpu.dma_semaphore, #tpu.memory_space<semaphore_mem>>)
      %dma_wait3A_373 = arith.constant 0 : i32
      %dma_wait3A_374 = tpu.memref_slice %arg3[%mul3A_2, %dma_wait3A_373] : memref<128x128xi32, #tpu.memory_space<hbm>> -> memref<4x128xi32, #tpu.memory_space<hbm>>
      %dma_wait3A_375 = arith.constant 0 : i32
      %dma_wait3A_376 = tpu.memref_slice %arg3[%mul3A_2, %dma_wait3A_375] : memref<128x128xi32, #tpu.memory_space<hbm>> -> memref<4x128xi32, #tpu.memory_space<hbm>>
      tpu.wait_dma2 semaphore(%run_scoped3A : memref<!tpu.dma_semaphore, #tpu.memory_space<semaphore_mem>>) src(%dma_wait3A_376 : memref<4x128xi32, #tpu.memory_space<hbm>>) dst(%arg8 : memref<4x128xi32, #tpu.memory_space<vmem>>)
      tpu.yield
    }) : () -> ()
    "tpu.region"() ({
      %run_scoped3A = tpu.sem_alloc : memref<!tpu.dma_semaphore, #tpu.memory_space<semaphore_mem>>
      %dma_start3A_369 = arith.constant 0 : i32
      %dma_start3A_370 = tpu.memref_slice %arg4[%mul3A_2, %dma_start3A_369] : memref<128x128xi32, #tpu.memory_space<hbm>> -> memref<4x128xi32, #tpu.memory_space<hbm>>
      %dma_start3A_371 = arith.constant 0 : i32
      %dma_start3A_372 = tpu.memref_slice %arg4[%mul3A_2, %dma_start3A_371] : memref<128x128xi32, #tpu.memory_space<hbm>> -> memref<4x128xi32, #tpu.memory_space<hbm>>
      tpu.enqueue_dma source(%dma_start3A_372 : memref<4x128xi32, #tpu.memory_space<hbm>>) target(%arg9 : memref<4x128xi32, #tpu.memory_space<vmem>>) target_semaphore(%run_scoped3A : memref<!tpu.dma_semaphore, #tpu.memory_space<semaphore_mem>>)
      %dma_wait3A_373 = arith.constant 0 : i32
      %dma_wait3A_374 = tpu.memref_slice %arg4[%mul3A_2, %dma_wait3A_373] : memref<128x128xi32, #tpu.memory_space<hbm>> -> memref<4x128xi32, #tpu.memory_space<hbm>>
      %dma_wait3A_375 = arith.constant 0 : i32
      %dma_wait3A_376 = tpu.memref_slice %arg4[%mul3A_2, %dma_wait3A_375] : memref<128x128xi32, #tpu.memory_space<hbm>> -> memref<4x128xi32, #tpu.memory_space<hbm>>
      tpu.wait_dma2 semaphore(%run_scoped3A : memref<!tpu.dma_semaphore, #tpu.memory_space<semaphore_mem>>) src(%dma_wait3A_376 : memref<4x128xi32, #tpu.memory_space<hbm>>) dst(%arg9 : memref<4x128xi32, #tpu.memory_space<vmem>>)
      tpu.yield
    }) : () -> ()
    %scan3A = arith.constant 0 : i32
    %scan3A_10 = arith.constant 4 : i32
    %scan3A_11 = arith.addi %scan3A, %scan3A_10 : i32
    %scan3A_12 = arith.constant 1 : i32
    scf.for %scan3A_369 = %scan3A to %scan3A_11 step %scan3A_12  : i32 {
      %mul3A_370 = arith.constant 1 : i32
      %mul3A_371 = arith.muli %scan3A_369, %mul3A_370 : i32
      %add3A_372 = arith.constant 0 : i32
      %add3A_373 = arith.addi %add3A_372, %mul3A_371 : i32
      %get3A = arith.index_cast %add3A_373 : i32 to index
      %get3A_374 = arith.constant 0 : index
      %get3A_375 = tpu.vector_load %arg9[%get3A, %get3A_374] {strides = array<i32>} : memref<4x128xi32, #tpu.memory_space<vmem>>, vector<1x16xi32>,
      %get3A_376 = vector.shape_cast %get3A_375 : vector<1x16xi32> to vector<16xi32>
      %add3A_377 = arith.constant 1 : i32
      %add3A_378 = vector.broadcast %add3A_377 : i32 to vector<16xi32>
      %add3A_379 = arith.addi %get3A_376, %add3A_378 : vector<16xi32>
      %mul3A_380 = arith.constant 1000 : i32
      %mul3A_381 = vector.broadcast %mul3A_380 : i32 to vector<16xi32>
      %mul3A_382 = arith.muli %add3A_379, %mul3A_381 : vector<16xi32>
      %get3A_383 = arith.index_cast %add3A_373 : i32 to index
      %get3A_384 = arith.constant 0 : index
      %get3A_385 = tpu.vector_load %arg8[%get3A_383, %get3A_384] {strides = array<i32>} : memref<4x128xi32, #tpu.memory_space<vmem>>, vector<1x16xi32>,
      %get3A_386 = vector.shape_cast %get3A_385 : vector<1x16xi32> to vector<16xi32>
      %add3A_387 = arith.addi %mul3A_382, %get3A_386 : vector<16xi32>
      %swap3A = arith.index_cast %add3A_373 : i32 to index
      %swap3A_388 = arith.constant 0 : index
      %swap3A_389 = tpu.vector_load %arg10[%swap3A, %swap3A_388] {strides = array<i32>} : memref<4x128xi32, #tpu.memory_space<vmem>>, vector<1x16xi32>,
      %swap3A_390 = vector.shape_cast %swap3A_389 : vector<1x16xi32> to vector<16xi32>
      %swap3A_391 = vector.shape_cast %add3A_387 : vector<16xi32> to vector<1x16xi32>
      tpu.vector_store %arg10[%swap3A, %swap3A_388], %swap3A_391 {strides = array<i32>} : memref<4x128xi32, #tpu.memory_space<vmem>>, vector<1x16xi32>,
      %get3A_392 = arith.index_cast %add3A_373 : i32 to index
      %get3A_393 = arith.constant 16 : index
      %get3A_394 = tpu.vector_load %arg9[%get3A_392, %get3A_393] {strides = array<i32>} : memref<4x128xi32, #tpu.memory_space<vmem>>, vector<1x16xi32>,
      %get3A_395 = vector.shape_cast %get3A_394 : vector<1x16xi32> to vector<16xi32>
      %add3A_396 = arith.constant 1 : i32
      %add3A_397 = vector.broadcast %add3A_396 : i32 to vector<16xi32>
      %add3A_398 = arith.addi %get3A_395, %add3A_397 : vector<16xi32>
      %mul3A_399 = arith.constant 1000 : i32
      %mul3A_400 = vector.broadcast %mul3A_399 : i32 to vector<16xi32>
      %mul3A_401 = arith.muli %add3A_398, %mul3A_400 : vector<16xi32>
      %get3A_402 = arith.index_cast %add3A_373 : i32 to index
      %get3A_403 = arith.constant 16 : index
      %get3A_404 = tpu.vector_load %arg8[%get3A_402, %get3A_403] {strides = array<i32>} : memref<4x128xi32, #tpu.memory_space<vmem>>, vector<1x16xi32>,
      %get3A_405 = vector.shape_cast %get3A_404 : vector<1x16xi32> to vector<16xi32>
      %add3A_406 = arith.addi %mul3A_401, %get3A_405 : vector<16xi32>
      %swap3A_407 = arith.index_cast %add3A_373 : i32 to index
      %swap3A_408 = arith.constant 16 : index
      %swap3A_409 = tpu.vector_load %arg10[%swap3A_407, %swap3A_408] {strides = array<i32>} : memref<4x128xi32, #tpu.memory_space<vmem>>, vector<1x16xi32>,
      %swap3A_410 = vector.shape_cast %swap3A_409 : vector<1x16xi32> to vector<16xi32>
      %swap3A_411 = vector.shape_cast %add3A_406 : vector<16xi32> to vector<1x16xi32>
      tpu.vector_store %arg10[%swap3A_407, %swap3A_408], %swap3A_411 {strides = array<i32>} : memref<4x128xi32, #tpu.memory_space<vmem>>, vector<1x16xi32>,
      %get3A_412 = arith.index_cast %add3A_373 : i32 to index
      %get3A_413 = arith.constant 32 : index
      %get3A_414 = tpu.vector_load %arg9[%get3A_412, %get3A_413] {strides = array<i32>} : memref<4x128xi32, #tpu.memory_space<vmem>>, vector<1x16xi32>,
      %get3A_415 = vector.shape_cast %get3A_414 : vector<1x16xi32> to vector<16xi32>
      %add3A_416 = arith.constant 1 : i32
      %add3A_417 = vector.broadcast %add3A_416 : i32 to vector<16xi32>
      %add3A_418 = arith.addi %get3A_415, %add3A_417 : vector<16xi32>
      %mul3A_419 = arith.constant 1000 : i32
      %mul3A_420 = vector.broadcast %mul3A_419 : i32 to vector<16xi32>
      %mul3A_421 = arith.muli %add3A_418, %mul3A_420 : vector<16xi32>
      %get3A_422 = arith.index_cast %add3A_373 : i32 to index
      %get3A_423 = arith.constant 32 : index
      %get3A_424 = tpu.vector_load %arg8[%get3A_422, %get3A_423] {strides = array<i32>} : memref<4x128xi32, #tpu.memory_space<vmem>>, vector<1x16xi32>,
      %get3A_425 = vector.shape_cast %get3A_424 : vector<1x16xi32> to vector<16xi32>
      %add3A_426 = arith.addi %mul3A_421, %get3A_425 : vector<16xi32>
      %swap3A_427 = arith.index_cast %add3A_373 : i32 to index
      %swap3A_428 = arith.constant 32 : index
      %swap3A_429 = tpu.vector_load %arg10[%swap3A_427, %swap3A_428] {strides = array<i32>} : memref<4x128xi32, #tpu.memory_space<vmem>>, vector<1x16xi32>,
      %swap3A_430 = vector.shape_cast %swap3A_429 : vector<1x16xi32> to vector<16xi32>
      %swap3A_431 = vector.shape_cast %add3A_426 : vector<16xi32> to vector<1x16xi32>
      tpu.vector_store %arg10[%swap3A_427, %swap3A_428], %swap3A_431 {strides = array<i32>} : memref<4x128xi32, #tpu.memory_space<vmem>>, vector<1x16xi32>,
      %get3A_432 = arith.index_cast %add3A_373 : i32 to index
      %get3A_433 = arith.constant 48 : index
      %get3A_434 = tpu.vector_load %arg9[%get3A_432, %get3A_433] {strides = array<i32>} : memref<4x128xi32, #tpu.memory_space<vmem>>, vector<1x16xi32>,
      %get3A_435 = vector.shape_cast %get3A_434 : vector<1x16xi32> to vector<16xi32>
      %add3A_436 = arith.constant 1 : i32
      %add3A_437 = vector.broadcast %add3A_436 : i32 to vector<16xi32>
      %add3A_438 = arith.addi %get3A_435, %add3A_437 : vector<16xi32>
      %mul3A_439 = arith.constant 1000 : i32
      %mul3A_440 = vector.broadcast %mul3A_439 : i32 to vector<16xi32>
      %mul3A_441 = arith.muli %add3A_438, %mul3A_440 : vector<16xi32>
      %get3A_442 = arith.index_cast %add3A_373 : i32 to index
      %get3A_443 = arith.constant 48 : index
      %get3A_444 = tpu.vector_load %arg8[%get3A_442, %get3A_443] {strides = array<i32>} : memref<4x128xi32, #tpu.memory_space<vmem>>, vector<1x16xi32>,
      %get3A_445 = vector.shape_cast %get3A_444 : vector<1x16xi32> to vector<16xi32>
      %add3A_446 = arith.addi %mul3A_441, %get3A_445 : vector<16xi32>
      %swap3A_447 = arith.index_cast %add3A_373 : i32 to index
      %swap3A_448 = arith.constant 48 : index
      %swap3A_449 = tpu.vector_load %arg10[%swap3A_447, %swap3A_448] {strides = array<i32>} : memref<4x128xi32, #tpu.memory_space<vmem>>, vector<1x16xi32>,
      %swap3A_450 = vector.shape_cast %swap3A_449 : vector<1x16xi32> to vector<16xi32>
      %swap3A_451 = vector.shape_cast %add3A_446 : vector<16xi32> to vector<1x16xi32>
      tpu.vector_store %arg10[%swap3A_447, %swap3A_448], %swap3A_451 {strides = array<i32>} : memref<4x128xi32, #tpu.memory_space<vmem>>, vector<1x16xi32>,
      %get3A_452 = arith.index_cast %add3A_373 : i32 to index
      %get3A_453 = arith.constant 64 : index
      %get3A_454 = tpu.vector_load %arg9[%get3A_452, %get3A_453] {strides = array<i32>} : memref<4x128xi32, #tpu.memory_space<vmem>>, vector<1x16xi32>,
      %get3A_455 = vector.shape_cast %get3A_454 : vector<1x16xi32> to vector<16xi32>
      %add3A_456 = arith.constant 1 : i32
      %add3A_457 = vector.broadcast %add3A_456 : i32 to vector<16xi32>
      %add3A_458 = arith.addi %get3A_455, %add3A_457 : vector<16xi32>
      %mul3A_459 = arith.constant 1000 : i32
      %mul3A_460 = vector.broadcast %mul3A_459 : i32 to vector<16xi32>
      %mul3A_461 = arith.muli %add3A_458, %mul3A_460 : vector<16xi32>
      %get3A_462 = arith.index_cast %add3A_373 : i32 to index
      %get3A_463 = arith.constant 64 : index
      %get3A_464 = tpu.vector_load %arg8[%get3A_462, %get3A_463] {strides = array<i32>} : memref<4x128xi32, #tpu.memory_space<vmem>>, vector<1x16xi32>,
      %get3A_465 = vector.shape_cast %get3A_464 : vector<1x16xi32> to vector<16xi32>
      %add3A_466 = arith.addi %mul3A_461, %get3A_465 : vector<16xi32>
      %swap3A_467 = arith.index_cast %add3A_373 : i32 to index
      %swap3A_468 = arith.constant 64 : index
      %swap3A_469 = tpu.vector_load %arg10[%swap3A_467, %swap3A_468] {strides = array<i32>} : memref<4x128xi32, #tpu.memory_space<vmem>>, vector<1x16xi32>,
      %swap3A_470 = vector.shape_cast %swap3A_469 : vector<1x16xi32> to vector<16xi32>
      %swap3A_471 = vector.shape_cast %add3A_466 : vector<16xi32> to vector<1x16xi32>
      tpu.vector_store %arg10[%swap3A_467, %swap3A_468], %swap3A_471 {strides = array<i32>} : memref<4x128xi32, #tpu.memory_space<vmem>>, vector<1x16xi32>,
      %get3A_472 = arith.index_cast %add3A_373 : i32 to index
      %get3A_473 = arith.constant 80 : index
      %get3A_474 = tpu.vector_load %arg9[%get3A_472, %get3A_473] {strides = array<i32>} : memref<4x128xi32, #tpu.memory_space<vmem>>, vector<1x16xi32>,
      %get3A_475 = vector.shape_cast %get3A_474 : vector<1x16xi32> to vector<16xi32>
      %add3A_476 = arith.constant 1 : i32
      %add3A_477 = vector.broadcast %add3A_476 : i32 to vector<16xi32>
      %add3A_478 = arith.addi %get3A_475, %add3A_477 : vector<16xi32>
      %mul3A_479 = arith.constant 1000 : i32
      %mul3A_480 = vector.broadcast %mul3A_479 : i32 to vector<16xi32>
      %mul3A_481 = arith.muli %add3A_478, %mul3A_480 : vector<16xi32>
      %get3A_482 = arith.index_cast %add3A_373 : i32 to index
      %get3A_483 = arith.constant 80 : index
      %get3A_484 = tpu.vector_load %arg8[%get3A_482, %get3A_483] {strides = array<i32>} : memref<4x128xi32, #tpu.memory_space<vmem>>, vector<1x16xi32>,
      %get3A_485 = vector.shape_cast %get3A_484 : vector<1x16xi32> to vector<16xi32>
      %add3A_486 = arith.addi %mul3A_481, %get3A_485 : vector<16xi32>
      %swap3A_487 = arith.index_cast %add3A_373 : i32 to index
      %swap3A_488 = arith.constant 80 : index
      %swap3A_489 = tpu.vector_load %arg10[%swap3A_487, %swap3A_488] {strides = array<i32>} : memref<4x128xi32, #tpu.memory_space<vmem>>, vector<1x16xi32>,
      %swap3A_490 = vector.shape_cast %swap3A_489 : vector<1x16xi32> to vector<16xi32>
      %swap3A_491 = vector.shape_cast %add3A_486 : vector<16xi32> to vector<1x16xi32>
      tpu.vector_store %arg10[%swap3A_487, %swap3A_488], %swap3A_491 {strides = array<i32>} : memref<4x128xi32, #tpu.memory_space<vmem>>, vector<1x16xi32>,
      %get3A_492 = arith.index_cast %add3A_373 : i32 to index
      %get3A_493 = arith.constant 96 : index
      %get3A_494 = tpu.vector_load %arg9[%get3A_492, %get3A_493] {strides = array<i32>} : memref<4x128xi32, #tpu.memory_space<vmem>>, vector<1x16xi32>,
      %get3A_495 = vector.shape_cast %get3A_494 : vector<1x16xi32> to vector<16xi32>
      %add3A_496 = arith.constant 1 : i32
      %add3A_497 = vector.broadcast %add3A_496 : i32 to vector<16xi32>
      %add3A_498 = arith.addi %get3A_495, %add3A_497 : vector<16xi32>
      %mul3A_499 = arith.constant 1000 : i32
      %mul3A_500 = vector.broadcast %mul3A_499 : i32 to vector<16xi32>
      %mul3A_501 = arith.muli %add3A_498, %mul3A_500 : vector<16xi32>
      %get3A_502 = arith.index_cast %add3A_373 : i32 to index
      %get3A_503 = arith.constant 96 : index
      %get3A_504 = tpu.vector_load %arg8[%get3A_502, %get3A_503] {strides = array<i32>} : memref<4x128xi32, #tpu.memory_space<vmem>>, vector<1x16xi32>,
      %get3A_505 = vector.shape_cast %get3A_504 : vector<1x16xi32> to vector<16xi32>
      %add3A_506 = arith.addi %mul3A_501, %get3A_505 : vector<16xi32>
      %swap3A_507 = arith.index_cast %add3A_373 : i32 to index
      %swap3A_508 = arith.constant 96 : index
      %swap3A_509 = tpu.vector_load %arg10[%swap3A_507, %swap3A_508] {strides = array<i32>} : memref<4x128xi32, #tpu.memory_space<vmem>>, vector<1x16xi32>,
      %swap3A_510 = vector.shape_cast %swap3A_509 : vector<1x16xi32> to vector<16xi32>
      %swap3A_511 = vector.shape_cast %add3A_506 : vector<16xi32> to vector<1x16xi32>
      tpu.vector_store %arg10[%swap3A_507, %swap3A_508], %swap3A_511 {strides = array<i32>} : memref<4x128xi32, #tpu.memory_space<vmem>>, vector<1x16xi32>,
      %get3A_512 = arith.index_cast %add3A_373 : i32 to index
      %get3A_513 = arith.constant 112 : index
      %get3A_514 = tpu.vector_load %arg9[%get3A_512, %get3A_513] {strides = array<i32>} : memref<4x128xi32, #tpu.memory_space<vmem>>, vector<1x16xi32>,
      %get3A_515 = vector.shape_cast %get3A_514 : vector<1x16xi32> to vector<16xi32>
      %add3A_516 = arith.constant 1 : i32
      %add3A_517 = vector.broadcast %add3A_516 : i32 to vector<16xi32>
      %add3A_518 = arith.addi %get3A_515, %add3A_517 : vector<16xi32>
      %mul3A_519 = arith.constant 1000 : i32
      %mul3A_520 = vector.broadcast %mul3A_519 : i32 to vector<16xi32>
      %mul3A_521 = arith.muli %add3A_518, %mul3A_520 : vector<16xi32>
      %get3A_522 = arith.index_cast %add3A_373 : i32 to index
      %get3A_523 = arith.constant 112 : index
      %get3A_524 = tpu.vector_load %arg8[%get3A_522, %get3A_523] {strides = array<i32>} : memref<4x128xi32, #tpu.memory_space<vmem>>, vector<1x16xi32>,
      %get3A_525 = vector.shape_cast %get3A_524 : vector<1x16xi32> to vector<16xi32>
      %add3A_526 = arith.addi %mul3A_521, %get3A_525 : vector<16xi32>
      %swap3A_527 = arith.index_cast %add3A_373 : i32 to index
      %swap3A_528 = arith.constant 112 : index
      %swap3A_529 = tpu.vector_load %arg10[%swap3A_527, %swap3A_528] {strides = array<i32>} : memref<4x128xi32, #tpu.memory_space<vmem>>, vector<1x16xi32>,
      %swap3A_530 = vector.shape_cast %swap3A_529 : vector<1x16xi32> to vector<16xi32>
      %swap3A_531 = vector.shape_cast %add3A_526 : vector<16xi32> to vector<1x16xi32>
      tpu.vector_store %arg10[%swap3A_527, %swap3A_528], %swap3A_531 {strides = array<i32>} : memref<4x128xi32, #tpu.memory_space<vmem>>, vector<1x16xi32>,
    }
    %scan3A_13 = arith.constant 4 : i32
    %dma_wait3A = arith.constant 0 : i32
    %dma_wait3A_14 = tpu.memref_slice %arg17[%mul3A_6, %dma_wait3A] : memref<3072x128xf32, #tpu.memory_space<vmem_shared>> -> memref<192x128xf32, #tpu.memory_space<vmem_shared>>
    %dma_wait3A_15 = arith.constant 0 : i32
    %dma_wait3A_16 = tpu.memref_slice %arg5[%mul3A_4, %dma_wait3A_15] : memref<3072x128xf32, #tpu.memory_space<hbm>> -> memref<192x128xf32, #tpu.memory_space<hbm>>
    tpu.wait_dma2 semaphore(%arg20 : memref<!tpu.dma_semaphore, #tpu.memory_space<semaphore_mem>>) src(%dma_wait3A_16 : memref<192x128xf32, #tpu.memory_space<hbm>>) dst(%dma_wait3A_14 : memref<192x128xf32, #tpu.memory_space<vmem_shared>>)
    %barrier3A = arith.constant 0 : index
    tpu.barrier barrier_id(%barrier3A)
    %dma_start3A_17 = arith.constant 0 : i32
    %dma_start3A_18 = arith.constant 0 : i32
    %dma_start3A_19 = tpu.memref_slice %arg7[%dma_start3A_17, %dma_start3A_18] : memref<4x128xi32, #tpu.memory_space<vmem>> -> memref<1x128xi32, #tpu.memory_space<vmem>>
    %dma_start3A_20 = tpu.memref_squeeze %dma_start3A_19 : memref<1x128xi32, #tpu.memory_space<vmem>> -> memref<128xi32, #tpu.memory_space<vmem>>
    %dma_start3A_21 = arith.constant 0 : i32
    %dma_start3A_22 = arith.constant 0 : i32
    %dma_start3A_23 = tpu.memref_slice %arg17[%dma_start3A_21, %dma_start3A_22] : memref<3072x128xf32, #tpu.memory_space<vmem_shared>> -> memref<3072x128xf32, #tpu.memory_space<vmem_shared>>
    tpu.enqueue_indirect_dma source(%dma_start3A_23 : memref<3072x128xf32, #tpu.memory_space<vmem_shared>>) target(%arg11 : memref<128x128xf32, #tpu.memory_space<vmem>>) offsets(%dma_start3A_20 : memref<128xi32, #tpu.memory_space<vmem>>) semaphore(%arg18 : memref<!tpu.dma_semaphore, #tpu.memory_space<semaphore_mem>>)
    %dma_start3A_24 = arith.constant 0 : i32
    %dma_start3A_25 = arith.constant 0 : i32
    %dma_start3A_26 = tpu.memref_slice %arg10[%dma_start3A_24, %dma_start3A_25] : memref<4x128xi32, #tpu.memory_space<vmem>> -> memref<1x128xi32, #tpu.memory_space<vmem>>
    %dma_start3A_27 = tpu.memref_squeeze %dma_start3A_26 : memref<1x128xi32, #tpu.memory_space<vmem>> -> memref<128xi32, #tpu.memory_space<vmem>>
    %dma_start3A_28 = arith.constant 0 : i32
    %dma_start3A_29 = arith.constant 0 : i32
    %dma_start3A_30 = tpu.memref_slice %arg17[%dma_start3A_28, %dma_start3A_29] : memref<3072x128xf32, #tpu.memory_space<vmem_shared>> -> memref<3072x128xf32, #tpu.memory_space<vmem_shared>>
    tpu.enqueue_indirect_dma source(%dma_start3A_30 : memref<3072x128xf32, #tpu.memory_space<vmem_shared>>) target(%arg13 : memref<128x128xf32, #tpu.memory_space<vmem>>) offsets(%dma_start3A_27 : memref<128xi32, #tpu.memory_space<vmem>>) semaphore(%arg18 : memref<!tpu.dma_semaphore, #tpu.memory_space<semaphore_mem>>)
    %dma_start3A_31 = arith.constant 1 : i32
    %dma_start3A_32 = arith.constant 0 : i32
    %dma_start3A_33 = tpu.memref_slice %arg7[%dma_start3A_31, %dma_start3A_32] : memref<4x128xi32, #tpu.memory_space<vmem>> -> memref<1x128xi32, #tpu.memory_space<vmem>>
    %dma_start3A_34 = tpu.memref_squeeze %dma_start3A_33 : memref<1x128xi32, #tpu.memory_space<vmem>> -> memref<128xi32, #tpu.memory_space<vmem>>
    %dma_start3A_35 = arith.constant 0 : i32
    %dma_start3A_36 = arith.constant 0 : i32
    %dma_start3A_37 = tpu.memref_slice %arg17[%dma_start3A_35, %dma_start3A_36] : memref<3072x128xf32, #tpu.memory_space<vmem_shared>> -> memref<3072x128xf32, #tpu.memory_space<vmem_shared>>
    tpu.enqueue_indirect_dma source(%dma_start3A_37 : memref<3072x128xf32, #tpu.memory_space<vmem_shared>>) target(%arg12 : memref<128x128xf32, #tpu.memory_space<vmem>>) offsets(%dma_start3A_34 : memref<128xi32, #tpu.memory_space<vmem>>) semaphore(%arg18 : memref<!tpu.dma_semaphore, #tpu.memory_space<semaphore_mem>>)
    %dma_start3A_38 = arith.constant 1 : i32
    %dma_start3A_39 = arith.constant 0 : i32
    %dma_start3A_40 = tpu.memref_slice %arg10[%dma_start3A_38, %dma_start3A_39] : memref<4x128xi32, #tpu.memory_space<vmem>> -> memref<1x128xi32, #tpu.memory_space<vmem>>
    %dma_start3A_41 = tpu.memref_squeeze %dma_start3A_40 : memref<1x128xi32, #tpu.memory_space<vmem>> -> memref<128xi32, #tpu.memory_space<vmem>>
    %dma_start3A_42 = arith.constant 0 : i32
    %dma_start3A_43 = arith.constant 0 : i32
    %dma_start3A_44 = tpu.memref_slice %arg17[%dma_start3A_42, %dma_start3A_43] : memref<3072x128xf32, #tpu.memory_space<vmem_shared>> -> memref<3072x128xf32, #tpu.memory_space<vmem_shared>>
    tpu.enqueue_indirect_dma source(%dma_start3A_44 : memref<3072x128xf32, #tpu.memory_space<vmem_shared>>) target(%arg14 : memref<128x128xf32, #tpu.memory_space<vmem>>) offsets(%dma_start3A_41 : memref<128xi32, #tpu.memory_space<vmem>>) semaphore(%arg18 : memref<!tpu.dma_semaphore, #tpu.memory_space<semaphore_mem>>)
    %dma_wait3A_45 = arith.constant 0 : i32
    %dma_wait3A_46 = arith.constant 0 : i32
    %dma_wait3A_47 = tpu.memref_slice %arg7[%dma_wait3A_45, %dma_wait3A_46] : memref<4x128xi32, #tpu.memory_space<vmem>> -> memref<1x128xi32, #tpu.memory_space<vmem>>
    %dma_wait3A_48 = tpu.memref_squeeze %dma_wait3A_47 : memref<1x128xi32, #tpu.memory_space<vmem>> -> memref<128xi32, #tpu.memory_space<vmem>>
    %dma_wait3A_49 = arith.constant 0 : i32
    %dma_wait3A_50 = arith.constant 0 : i32
    %dma_wait3A_51 = tpu.memref_slice %arg17[%dma_wait3A_49, %dma_wait3A_50] : memref<3072x128xf32, #tpu.memory_space<vmem_shared>> -> memref<3072x128xf32, #tpu.memory_space<vmem_shared>>
    tpu.wait_indirect_dma semaphore(%arg18 : memref<!tpu.dma_semaphore, #tpu.memory_space<semaphore_mem>>) src(%dma_wait3A_51 : memref<3072x128xf32, #tpu.memory_space<vmem_shared>>) dst(%arg11 : memref<128x128xf32, #tpu.memory_space<vmem>>)
    %dma_wait3A_52 = arith.constant 0 : i32
    %dma_wait3A_53 = arith.constant 0 : i32
    %dma_wait3A_54 = tpu.memref_slice %arg10[%dma_wait3A_52, %dma_wait3A_53] : memref<4x128xi32, #tpu.memory_space<vmem>> -> memref<1x128xi32, #tpu.memory_space<vmem>>
    %dma_wait3A_55 = tpu.memref_squeeze %dma_wait3A_54 : memref<1x128xi32, #tpu.memory_space<vmem>> -> memref<128xi32, #tpu.memory_space<vmem>>
    %dma_wait3A_56 = arith.constant 0 : i32
    %dma_wait3A_57 = arith.constant 0 : i32
    %dma_wait3A_58 = tpu.memref_slice %arg17[%dma_wait3A_56, %dma_wait3A_57] : memref<3072x128xf32, #tpu.memory_space<vmem_shared>> -> memref<3072x128xf32, #tpu.memory_space<vmem_shared>>
    tpu.wait_indirect_dma semaphore(%arg18 : memref<!tpu.dma_semaphore, #tpu.memory_space<semaphore_mem>>) src(%dma_wait3A_58 : memref<3072x128xf32, #tpu.memory_space<vmem_shared>>) dst(%arg13 : memref<128x128xf32, #tpu.memory_space<vmem>>)
    %scan3A_59 = arith.constant 0 : i32
    %scan3A_60 = arith.constant 64 : i32
    %scan3A_61 = arith.addi %scan3A_59, %scan3A_60 : i32
    %scan3A_62 = arith.constant 1 : i32
    scf.for %scan3A_369 = %scan3A_59 to %scan3A_61 step %scan3A_62  : i32 {
      %mul3A_370 = arith.constant 1 : i32
      %mul3A_371 = arith.muli %scan3A_369, %mul3A_370 : i32
      %add3A_372 = arith.constant 0 : i32
      %add3A_373 = arith.addi %add3A_372, %mul3A_371 : i32
      %get3A = arith.index_cast %add3A_373 : i32 to index
      %get3A_374 = arith.constant 0 : index
      %get3A_375 = tpu.vector_load %arg11[%get3A, %get3A_374] {strides = array<i32>} : memref<128x128xf32, #tpu.memory_space<vmem>>, vector<1x16xf32>,
      %get3A_376 = vector.shape_cast %get3A_375 : vector<1x16xf32> to vector<16xf32>
      %get3A_377 = arith.index_cast %add3A_373 : i32 to index
      %get3A_378 = arith.constant 0 : index
      %get3A_379 = tpu.vector_load %arg13[%get3A_377, %get3A_378] {strides = array<i32>} : memref<128x128xf32, #tpu.memory_space<vmem>>, vector<1x16xf32>,
      %get3A_380 = vector.shape_cast %get3A_379 : vector<1x16xf32> to vector<16xf32>
      %add3A_381 = arith.addf %get3A_376, %get3A_380 : vector<16xf32>
      %swap3A = arith.index_cast %add3A_373 : i32 to index
      %swap3A_382 = arith.constant 0 : index
      %swap3A_383 = tpu.vector_load %arg15[%swap3A, %swap3A_382] {strides = array<i32>} : memref<128x128xf32, #tpu.memory_space<vmem>>, vector<1x16xf32>,
      %swap3A_384 = vector.shape_cast %swap3A_383 : vector<1x16xf32> to vector<16xf32>
      %swap3A_385 = vector.shape_cast %add3A_381 : vector<16xf32> to vector<1x16xf32>
      tpu.vector_store %arg15[%swap3A, %swap3A_382], %swap3A_385 {strides = array<i32>} : memref<128x128xf32, #tpu.memory_space<vmem>>, vector<1x16xf32>,
      %get3A_386 = arith.index_cast %add3A_373 : i32 to index
      %get3A_387 = arith.constant 16 : index
      %get3A_388 = tpu.vector_load %arg11[%get3A_386, %get3A_387] {strides = array<i32>} : memref<128x128xf32, #tpu.memory_space<vmem>>, vector<1x16xf32>,
      %get3A_389 = vector.shape_cast %get3A_388 : vector<1x16xf32> to vector<16xf32>
      %get3A_390 = arith.index_cast %add3A_373 : i32 to index
      %get3A_391 = arith.constant 16 : index
      %get3A_392 = tpu.vector_load %arg13[%get3A_390, %get3A_391] {strides = array<i32>} : memref<128x128xf32, #tpu.memory_space<vmem>>, vector<1x16xf32>,
      %get3A_393 = vector.shape_cast %get3A_392 : vector<1x16xf32> to vector<16xf32>
      %add3A_394 = arith.addf %get3A_389, %get3A_393 : vector<16xf32>
      %swap3A_395 = arith.index_cast %add3A_373 : i32 to index
      %swap3A_396 = arith.constant 16 : index
      %swap3A_397 = tpu.vector_load %arg15[%swap3A_395, %swap3A_396] {strides = array<i32>} : memref<128x128xf32, #tpu.memory_space<vmem>>, vector<1x16xf32>,
      %swap3A_398 = vector.shape_cast %swap3A_397 : vector<1x16xf32> to vector<16xf32>
      %swap3A_399 = vector.shape_cast %add3A_394 : vector<16xf32> to vector<1x16xf32>
      tpu.vector_store %arg15[%swap3A_395, %swap3A_396], %swap3A_399 {strides = array<i32>} : memref<128x128xf32, #tpu.memory_space<vmem>>, vector<1x16xf32>,
      %get3A_400 = arith.index_cast %add3A_373 : i32 to index
      %get3A_401 = arith.constant 32 : index
      %get3A_402 = tpu.vector_load %arg11[%get3A_400, %get3A_401] {strides = array<i32>} : memref<128x128xf32, #tpu.memory_space<vmem>>, vector<1x16xf32>,
      %get3A_403 = vector.shape_cast %get3A_402 : vector<1x16xf32> to vector<16xf32>
      %get3A_404 = arith.index_cast %add3A_373 : i32 to index
      %get3A_405 = arith.constant 32 : index
      %get3A_406 = tpu.vector_load %arg13[%get3A_404, %get3A_405] {strides = array<i32>} : memref<128x128xf32, #tpu.memory_space<vmem>>, vector<1x16xf32>,
      %get3A_407 = vector.shape_cast %get3A_406 : vector<1x16xf32> to vector<16xf32>
      %add3A_408 = arith.addf %get3A_403, %get3A_407 : vector<16xf32>
      %swap3A_409 = arith.index_cast %add3A_373 : i32 to index
      %swap3A_410 = arith.constant 32 : index
      %swap3A_411 = tpu.vector_load %arg15[%swap3A_409, %swap3A_410] {strides = array<i32>} : memref<128x128xf32, #tpu.memory_space<vmem>>, vector<1x16xf32>,
      %swap3A_412 = vector.shape_cast %swap3A_411 : vector<1x16xf32> to vector<16xf32>
      %swap3A_413 = vector.shape_cast %add3A_408 : vector<16xf32> to vector<1x16xf32>
      tpu.vector_store %arg15[%swap3A_409, %swap3A_410], %swap3A_413 {strides = array<i32>} : memref<128x128xf32, #tpu.memory_space<vmem>>, vector<1x16xf32>,
      %get3A_414 = arith.index_cast %add3A_373 : i32 to index
      %get3A_415 = arith.constant 48 : index
      %get3A_416 = tpu.vector_load %arg11[%get3A_414, %get3A_415] {strides = array<i32>} : memref<128x128xf32, #tpu.memory_space<vmem>>, vector<1x16xf32>,
      %get3A_417 = vector.shape_cast %get3A_416 : vector<1x16xf32> to vector<16xf32>
      %get3A_418 = arith.index_cast %add3A_373 : i32 to index
      %get3A_419 = arith.constant 48 : index
      %get3A_420 = tpu.vector_load %arg13[%get3A_418, %get3A_419] {strides = array<i32>} : memref<128x128xf32, #tpu.memory_space<vmem>>, vector<1x16xf32>,
      %get3A_421 = vector.shape_cast %get3A_420 : vector<1x16xf32> to vector<16xf32>
      %add3A_422 = arith.addf %get3A_417, %get3A_421 : vector<16xf32>
      %swap3A_423 = arith.index_cast %add3A_373 : i32 to index
      %swap3A_424 = arith.constant 48 : index
      %swap3A_425 = tpu.vector_load %arg15[%swap3A_423, %swap3A_424] {strides = array<i32>} : memref<128x128xf32, #tpu.memory_space<vmem>>, vector<1x16xf32>,
      %swap3A_426 = vector.shape_cast %swap3A_425 : vector<1x16xf32> to vector<16xf32>
      %swap3A_427 = vector.shape_cast %add3A_422 : vector<16xf32> to vector<1x16xf32>
      tpu.vector_store %arg15[%swap3A_423, %swap3A_424], %swap3A_427 {strides = array<i32>} : memref<128x128xf32, #tpu.memory_space<vmem>>, vector<1x16xf32>,
      %get3A_428 = arith.index_cast %add3A_373 : i32 to index
      %get3A_429 = arith.constant 64 : index
      %get3A_430 = tpu.vector_load %arg11[%get3A_428, %get3A_429] {strides = array<i32>} : memref<128x128xf32, #tpu.memory_space<vmem>>, vector<1x16xf32>,
      %get3A_431 = vector.shape_cast %get3A_430 : vector<1x16xf32> to vector<16xf32>
      %get3A_432 = arith.index_cast %add3A_373 : i32 to index
      %get3A_433 = arith.constant 64 : index
      %get3A_434 = tpu.vector_load %arg13[%get3A_432, %get3A_433] {strides = array<i32>} : memref<128x128xf32, #tpu.memory_space<vmem>>, vector<1x16xf32>,
      %get3A_435 = vector.shape_cast %get3A_434 : vector<1x16xf32> to vector<16xf32>
      %add3A_436 = arith.addf %get3A_431, %get3A_435 : vector<16xf32>
      %swap3A_437 = arith.index_cast %add3A_373 : i32 to index
      %swap3A_438 = arith.constant 64 : index
      %swap3A_439 = tpu.vector_load %arg15[%swap3A_437, %swap3A_438] {strides = array<i32>} : memref<128x128xf32, #tpu.memory_space<vmem>>, vector<1x16xf32>,
      %swap3A_440 = vector.shape_cast %swap3A_439 : vector<1x16xf32> to vector<16xf32>
      %swap3A_441 = vector.shape_cast %add3A_436 : vector<16xf32> to vector<1x16xf32>
      tpu.vector_store %arg15[%swap3A_437, %swap3A_438], %swap3A_441 {strides = array<i32>} : memref<128x128xf32, #tpu.memory_space<vmem>>, vector<1x16xf32>,
      %get3A_442 = arith.index_cast %add3A_373 : i32 to index
      %get3A_443 = arith.constant 80 : index
      %get3A_444 = tpu.vector_load %arg11[%get3A_442, %get3A_443] {strides = array<i32>} : memref<128x128xf32, #tpu.memory_space<vmem>>, vector<1x16xf32>,
      %get3A_445 = vector.shape_cast %get3A_444 : vector<1x16xf32> to vector<16xf32>
      %get3A_446 = arith.index_cast %add3A_373 : i32 to index
      %get3A_447 = arith.constant 80 : index
      %get3A_448 = tpu.vector_load %arg13[%get3A_446, %get3A_447] {strides = array<i32>} : memref<128x128xf32, #tpu.memory_space<vmem>>, vector<1x16xf32>,
      %get3A_449 = vector.shape_cast %get3A_448 : vector<1x16xf32> to vector<16xf32>
      %add3A_450 = arith.addf %get3A_445, %get3A_449 : vector<16xf32>
      %swap3A_451 = arith.index_cast %add3A_373 : i32 to index
      %swap3A_452 = arith.constant 80 : index
      %swap3A_453 = tpu.vector_load %arg15[%swap3A_451, %swap3A_452] {strides = array<i32>} : memref<128x128xf32, #tpu.memory_space<vmem>>, vector<1x16xf32>,
      %swap3A_454 = vector.shape_cast %swap3A_453 : vector<1x16xf32> to vector<16xf32>
      %swap3A_455 = vector.shape_cast %add3A_450 : vector<16xf32> to vector<1x16xf32>
      tpu.vector_store %arg15[%swap3A_451, %swap3A_452], %swap3A_455 {strides = array<i32>} : memref<128x128xf32, #tpu.memory_space<vmem>>, vector<1x16xf32>,
      %get3A_456 = arith.index_cast %add3A_373 : i32 to index
      %get3A_457 = arith.constant 96 : index
      %get3A_458 = tpu.vector_load %arg11[%get3A_456, %get3A_457] {strides = array<i32>} : memref<128x128xf32, #tpu.memory_space<vmem>>, vector<1x16xf32>,
      %get3A_459 = vector.shape_cast %get3A_458 : vector<1x16xf32> to vector<16xf32>
      %get3A_460 = arith.index_cast %add3A_373 : i32 to index
      %get3A_461 = arith.constant 96 : index
      %get3A_462 = tpu.vector_load %arg13[%get3A_460, %get3A_461] {strides = array<i32>} : memref<128x128xf32, #tpu.memory_space<vmem>>, vector<1x16xf32>,
      %get3A_463 = vector.shape_cast %get3A_462 : vector<1x16xf32> to vector<16xf32>
      %add3A_464 = arith.addf %get3A_459, %get3A_463 : vector<16xf32>
      %swap3A_465 = arith.index_cast %add3A_373 : i32 to index
      %swap3A_466 = arith.constant 96 : index
      %swap3A_467 = tpu.vector_load %arg15[%swap3A_465, %swap3A_466] {strides = array<i32>} : memref<128x128xf32, #tpu.memory_space<vmem>>, vector<1x16xf32>,
      %swap3A_468 = vector.shape_cast %swap3A_467 : vector<1x16xf32> to vector<16xf32>
      %swap3A_469 = vector.shape_cast %add3A_464 : vector<16xf32> to vector<1x16xf32>
      tpu.vector_store %arg15[%swap3A_465, %swap3A_466], %swap3A_469 {strides = array<i32>} : memref<128x128xf32, #tpu.memory_space<vmem>>, vector<1x16xf32>,
      %get3A_470 = arith.index_cast %add3A_373 : i32 to index
      %get3A_471 = arith.constant 112 : index
      %get3A_472 = tpu.vector_load %arg11[%get3A_470, %get3A_471] {strides = array<i32>} : memref<128x128xf32, #tpu.memory_space<vmem>>, vector<1x16xf32>,
      %get3A_473 = vector.shape_cast %get3A_472 : vector<1x16xf32> to vector<16xf32>
      %get3A_474 = arith.index_cast %add3A_373 : i32 to index
      %get3A_475 = arith.constant 112 : index
      %get3A_476 = tpu.vector_load %arg13[%get3A_474, %get3A_475] {strides = array<i32>} : memref<128x128xf32, #tpu.memory_space<vmem>>, vector<1x16xf32>,
      %get3A_477 = vector.shape_cast %get3A_476 : vector<1x16xf32> to vector<16xf32>
      %add3A_478 = arith.addf %get3A_473, %get3A_477 : vector<16xf32>
      %swap3A_479 = arith.index_cast %add3A_373 : i32 to index
      %swap3A_480 = arith.constant 112 : index
      %swap3A_481 = tpu.vector_load %arg15[%swap3A_479, %swap3A_480] {strides = array<i32>} : memref<128x128xf32, #tpu.memory_space<vmem>>, vector<1x16xf32>,
      %swap3A_482 = vector.shape_cast %swap3A_481 : vector<1x16xf32> to vector<16xf32>
      %swap3A_483 = vector.shape_cast %add3A_478 : vector<16xf32> to vector<1x16xf32>
      tpu.vector_store %arg15[%swap3A_479, %swap3A_480], %swap3A_483 {strides = array<i32>} : memref<128x128xf32, #tpu.memory_space<vmem>>, vector<1x16xf32>,
    }
    %scan3A_63 = arith.constant 64 : i32
    %add3A_64 = arith.constant 0 : i32
    %add3A_65 = arith.addi %mul3A_2, %add3A_64 : i32
    %mul3A_66 = arith.constant 128 : i32
    %mul3A_67 = arith.muli %add3A_65, %mul3A_66 : i32
    %dma_start3A_68 = arith.constant 0 : i32
    %dma_start3A_69 = arith.constant 0 : i32
    %dma_start3A_70 = tpu.memref_slice %arg15[%dma_start3A_68, %dma_start3A_69] : memref<128x128xf32, #tpu.memory_space<vmem>> -> memref<64x128xf32, #tpu.memory_space<vmem>>
    %dma_start3A_71 = arith.constant 0 : i32
    %dma_start3A_72 = tpu.memref_slice %arg6[%mul3A_67, %dma_start3A_71] : memref<16384x128xf32, #tpu.memory_space<hbm>> -> memref<64x128xf32, #tpu.memory_space<hbm>>
    %dma_start3A_73 = arith.constant 0 : i32
    %dma_start3A_74 = tpu.memref_slice %arg6[%mul3A_67, %dma_start3A_73] : memref<16384x128xf32, #tpu.memory_space<hbm>> -> memref<64x128xf32, #tpu.memory_space<hbm>>
    %dma_start3A_75 = arith.constant 0 : i32
    %dma_start3A_76 = arith.constant 0 : i32
    %dma_start3A_77 = tpu.memref_slice %arg15[%dma_start3A_75, %dma_start3A_76] : memref<128x128xf32, #tpu.memory_space<vmem>> -> memref<64x128xf32, #tpu.memory_space<vmem>>
    tpu.enqueue_dma source(%dma_start3A_77 : memref<64x128xf32, #tpu.memory_space<vmem>>) target(%dma_start3A_74 : memref<64x128xf32, #tpu.memory_space<hbm>>) target_semaphore(%arg19 : memref<!tpu.dma_semaphore, #tpu.memory_space<semaphore_mem>>)
    %scan3A_78 = arith.constant 0 : i32
    %scan3A_79 = arith.constant 64 : i32
    %scan3A_80 = arith.addi %scan3A_78, %scan3A_79 : i32
    %scan3A_81 = arith.constant 1 : i32
    scf.for %scan3A_369 = %scan3A_78 to %scan3A_80 step %scan3A_81  : i32 {
      %mul3A_370 = arith.constant 1 : i32
      %mul3A_371 = arith.muli %scan3A_369, %mul3A_370 : i32
      %add3A_372 = arith.constant 64 : i32
      %add3A_373 = arith.addi %add3A_372, %mul3A_371 : i32
      %get3A = arith.index_cast %add3A_373 : i32 to index
      %get3A_374 = arith.constant 0 : index
      %get3A_375 = tpu.vector_load %arg11[%get3A, %get3A_374] {strides = array<i32>} : memref<128x128xf32, #tpu.memory_space<vmem>>, vector<1x16xf32>,
      %get3A_376 = vector.shape_cast %get3A_375 : vector<1x16xf32> to vector<16xf32>
      %get3A_377 = arith.index_cast %add3A_373 : i32 to index
      %get3A_378 = arith.constant 0 : index
      %get3A_379 = tpu.vector_load %arg13[%get3A_377, %get3A_378] {strides = array<i32>} : memref<128x128xf32, #tpu.memory_space<vmem>>, vector<1x16xf32>,
      %get3A_380 = vector.shape_cast %get3A_379 : vector<1x16xf32> to vector<16xf32>
      %add3A_381 = arith.addf %get3A_376, %get3A_380 : vector<16xf32>
      %swap3A = arith.index_cast %add3A_373 : i32 to index
      %swap3A_382 = arith.constant 0 : index
      %swap3A_383 = tpu.vector_load %arg15[%swap3A, %swap3A_382] {strides = array<i32>} : memref<128x128xf32, #tpu.memory_space<vmem>>, vector<1x16xf32>,
      %swap3A_384 = vector.shape_cast %swap3A_383 : vector<1x16xf32> to vector<16xf32>
      %swap3A_385 = vector.shape_cast %add3A_381 : vector<16xf32> to vector<1x16xf32>
      tpu.vector_store %arg15[%swap3A, %swap3A_382], %swap3A_385 {strides = array<i32>} : memref<128x128xf32, #tpu.memory_space<vmem>>, vector<1x16xf32>,
      %get3A_386 = arith.index_cast %add3A_373 : i32 to index
      %get3A_387 = arith.constant 16 : index
      %get3A_388 = tpu.vector_load %arg11[%get3A_386, %get3A_387] {strides = array<i32>} : memref<128x128xf32, #tpu.memory_space<vmem>>, vector<1x16xf32>,
      %get3A_389 = vector.shape_cast %get3A_388 : vector<1x16xf32> to vector<16xf32>
      %get3A_390 = arith.index_cast %add3A_373 : i32 to index
      %get3A_391 = arith.constant 16 : index
      %get3A_392 = tpu.vector_load %arg13[%get3A_390, %get3A_391] {strides = array<i32>} : memref<128x128xf32, #tpu.memory_space<vmem>>, vector<1x16xf32>,
      %get3A_393 = vector.shape_cast %get3A_392 : vector<1x16xf32> to vector<16xf32>
      %add3A_394 = arith.addf %get3A_389, %get3A_393 : vector<16xf32>
      %swap3A_395 = arith.index_cast %add3A_373 : i32 to index
      %swap3A_396 = arith.constant 16 : index
      %swap3A_397 = tpu.vector_load %arg15[%swap3A_395, %swap3A_396] {strides = array<i32>} : memref<128x128xf32, #tpu.memory_space<vmem>>, vector<1x16xf32>,
      %swap3A_398 = vector.shape_cast %swap3A_397 : vector<1x16xf32> to vector<16xf32>
      %swap3A_399 = vector.shape_cast %add3A_394 : vector<16xf32> to vector<1x16xf32>
      tpu.vector_store %arg15[%swap3A_395, %swap3A_396], %swap3A_399 {strides = array<i32>} : memref<128x128xf32, #tpu.memory_space<vmem>>, vector<1x16xf32>,
      %get3A_400 = arith.index_cast %add3A_373 : i32 to index
      %get3A_401 = arith.constant 32 : index
      %get3A_402 = tpu.vector_load %arg11[%get3A_400, %get3A_401] {strides = array<i32>} : memref<128x128xf32, #tpu.memory_space<vmem>>, vector<1x16xf32>,
      %get3A_403 = vector.shape_cast %get3A_402 : vector<1x16xf32> to vector<16xf32>
      %get3A_404 = arith.index_cast %add3A_373 : i32 to index
      %get3A_405 = arith.constant 32 : index
      %get3A_406 = tpu.vector_load %arg13[%get3A_404, %get3A_405] {strides = array<i32>} : memref<128x128xf32, #tpu.memory_space<vmem>>, vector<1x16xf32>,
      %get3A_407 = vector.shape_cast %get3A_406 : vector<1x16xf32> to vector<16xf32>
      %add3A_408 = arith.addf %get3A_403, %get3A_407 : vector<16xf32>
      %swap3A_409 = arith.index_cast %add3A_373 : i32 to index
      %swap3A_410 = arith.constant 32 : index
      %swap3A_411 = tpu.vector_load %arg15[%swap3A_409, %swap3A_410] {strides = array<i32>} : memref<128x128xf32, #tpu.memory_space<vmem>>, vector<1x16xf32>,
      %swap3A_412 = vector.shape_cast %swap3A_411 : vector<1x16xf32> to vector<16xf32>
      %swap3A_413 = vector.shape_cast %add3A_408 : vector<16xf32> to vector<1x16xf32>
      tpu.vector_store %arg15[%swap3A_409, %swap3A_410], %swap3A_413 {strides = array<i32>} : memref<128x128xf32, #tpu.memory_space<vmem>>, vector<1x16xf32>,
      %get3A_414 = arith.index_cast %add3A_373 : i32 to index
      %get3A_415 = arith.constant 48 : index
      %get3A_416 = tpu.vector_load %arg11[%get3A_414, %get3A_415] {strides = array<i32>} : memref<128x128xf32, #tpu.memory_space<vmem>>, vector<1x16xf32>,
      %get3A_417 = vector.shape_cast %get3A_416 : vector<1x16xf32> to vector<16xf32>
      %get3A_418 = arith.index_cast %add3A_373 : i32 to index
      %get3A_419 = arith.constant 48 : index
      %get3A_420 = tpu.vector_load %arg13[%get3A_418, %get3A_419] {strides = array<i32>} : memref<128x128xf32, #tpu.memory_space<vmem>>, vector<1x16xf32>,
      %get3A_421 = vector.shape_cast %get3A_420 : vector<1x16xf32> to vector<16xf32>
      %add3A_422 = arith.addf %get3A_417, %get3A_421 : vector<16xf32>
      %swap3A_423 = arith.index_cast %add3A_373 : i32 to index
      %swap3A_424 = arith.constant 48 : index
      %swap3A_425 = tpu.vector_load %arg15[%swap3A_423, %swap3A_424] {strides = array<i32>} : memref<128x128xf32, #tpu.memory_space<vmem>>, vector<1x16xf32>,
      %swap3A_426 = vector.shape_cast %swap3A_425 : vector<1x16xf32> to vector<16xf32>
      %swap3A_427 = vector.shape_cast %add3A_422 : vector<16xf32> to vector<1x16xf32>
      tpu.vector_store %arg15[%swap3A_423, %swap3A_424], %swap3A_427 {strides = array<i32>} : memref<128x128xf32, #tpu.memory_space<vmem>>, vector<1x16xf32>,
      %get3A_428 = arith.index_cast %add3A_373 : i32 to index
      %get3A_429 = arith.constant 64 : index
      %get3A_430 = tpu.vector_load %arg11[%get3A_428, %get3A_429] {strides = array<i32>} : memref<128x128xf32, #tpu.memory_space<vmem>>, vector<1x16xf32>,
      %get3A_431 = vector.shape_cast %get3A_430 : vector<1x16xf32> to vector<16xf32>
      %get3A_432 = arith.index_cast %add3A_373 : i32 to index
      %get3A_433 = arith.constant 64 : index
      %get3A_434 = tpu.vector_load %arg13[%get3A_432, %get3A_433] {strides = array<i32>} : memref<128x128xf32, #tpu.memory_space<vmem>>, vector<1x16xf32>,
      %get3A_435 = vector.shape_cast %get3A_434 : vector<1x16xf32> to vector<16xf32>
      %add3A_436 = arith.addf %get3A_431, %get3A_435 : vector<16xf32>
      %swap3A_437 = arith.index_cast %add3A_373 : i32 to index
      %swap3A_438 = arith.constant 64 : index
      %swap3A_439 = tpu.vector_load %arg15[%swap3A_437, %swap3A_438] {strides = array<i32>} : memref<128x128xf32, #tpu.memory_space<vmem>>, vector<1x16xf32>,
      %swap3A_440 = vector.shape_cast %swap3A_439 : vector<1x16xf32> to vector<16xf32>
      %swap3A_441 = vector.shape_cast %add3A_436 : vector<16xf32> to vector<1x16xf32>
      tpu.vector_store %arg15[%swap3A_437, %swap3A_438], %swap3A_441 {strides = array<i32>} : memref<128x128xf32, #tpu.memory_space<vmem>>, vector<1x16xf32>,
      %get3A_442 = arith.index_cast %add3A_373 : i32 to index
      %get3A_443 = arith.constant 80 : index
      %get3A_444 = tpu.vector_load %arg11[%get3A_442, %get3A_443] {strides = array<i32>} : memref<128x128xf32, #tpu.memory_space<vmem>>, vector<1x16xf32>,
      %get3A_445 = vector.shape_cast %get3A_444 : vector<1x16xf32> to vector<16xf32>
      %get3A_446 = arith.index_cast %add3A_373 : i32 to index
      %get3A_447 = arith.constant 80 : index
      %get3A_448 = tpu.vector_load %arg13[%get3A_446, %get3A_447] {strides = array<i32>} : memref<128x128xf32, #tpu.memory_space<vmem>>, vector<1x16xf32>,
      %get3A_449 = vector.shape_cast %get3A_448 : vector<1x16xf32> to vector<16xf32>
      %add3A_450 = arith.addf %get3A_445, %get3A_449 : vector<16xf32>
      %swap3A_451 = arith.index_cast %add3A_373 : i32 to index
      %swap3A_452 = arith.constant 80 : index
      %swap3A_453 = tpu.vector_load %arg15[%swap3A_451, %swap3A_452] {strides = array<i32>} : memref<128x128xf32, #tpu.memory_space<vmem>>, vector<1x16xf32>,
      %swap3A_454 = vector.shape_cast %swap3A_453 : vector<1x16xf32> to vector<16xf32>
      %swap3A_455 = vector.shape_cast %add3A_450 : vector<16xf32> to vector<1x16xf32>
      tpu.vector_store %arg15[%swap3A_451, %swap3A_452], %swap3A_455 {strides = array<i32>} : memref<128x128xf32, #tpu.memory_space<vmem>>, vector<1x16xf32>,
      %get3A_456 = arith.index_cast %add3A_373 : i32 to index
      %get3A_457 = arith.constant 96 : index
      %get3A_458 = tpu.vector_load %arg11[%get3A_456, %get3A_457] {strides = array<i32>} : memref<128x128xf32, #tpu.memory_space<vmem>>, vector<1x16xf32>,
      %get3A_459 = vector.shape_cast %get3A_458 : vector<1x16xf32> to vector<16xf32>
      %get3A_460 = arith.index_cast %add3A_373 : i32 to index
      %get3A_461 = arith.constant 96 : index
      %get3A_462 = tpu.vector_load %arg13[%get3A_460, %get3A_461] {strides = array<i32>} : memref<128x128xf32, #tpu.memory_space<vmem>>, vector<1x16xf32>,
      %get3A_463 = vector.shape_cast %get3A_462 : vector<1x16xf32> to vector<16xf32>
      %add3A_464 = arith.addf %get3A_459, %get3A_463 : vector<16xf32>
      %swap3A_465 = arith.index_cast %add3A_373 : i32 to index
      %swap3A_466 = arith.constant 96 : index
      %swap3A_467 = tpu.vector_load %arg15[%swap3A_465, %swap3A_466] {strides = array<i32>} : memref<128x128xf32, #tpu.memory_space<vmem>>, vector<1x16xf32>,
      %swap3A_468 = vector.shape_cast %swap3A_467 : vector<1x16xf32> to vector<16xf32>
      %swap3A_469 = vector.shape_cast %add3A_464 : vector<16xf32> to vector<1x16xf32>
      tpu.vector_store %arg15[%swap3A_465, %swap3A_466], %swap3A_469 {strides = array<i32>} : memref<128x128xf32, #tpu.memory_space<vmem>>, vector<1x16xf32>,
      %get3A_470 = arith.index_cast %add3A_373 : i32 to index
      %get3A_471 = arith.constant 112 : index
      %get3A_472 = tpu.vector_load %arg11[%get3A_470, %get3A_471] {strides = array<i32>} : memref<128x128xf32, #tpu.memory_space<vmem>>, vector<1x16xf32>,
      %get3A_473 = vector.shape_cast %get3A_472 : vector<1x16xf32> to vector<16xf32>
      %get3A_474 = arith.index_cast %add3A_373 : i32 to index
      %get3A_475 = arith.constant 112 : index
      %get3A_476 = tpu.vector_load %arg13[%get3A_474, %get3A_475] {strides = array<i32>} : memref<128x128xf32, #tpu.memory_space<vmem>>, vector<1x16xf32>,
      %get3A_477 = vector.shape_cast %get3A_476 : vector<1x16xf32> to vector<16xf32>
      %add3A_478 = arith.addf %get3A_473, %get3A_477 : vector<16xf32>
      %swap3A_479 = arith.index_cast %add3A_373 : i32 to index
      %swap3A_480 = arith.constant 112 : index
      %swap3A_481 = tpu.vector_load %arg15[%swap3A_479, %swap3A_480] {strides = array<i32>} : memref<128x128xf32, #tpu.memory_space<vmem>>, vector<1x16xf32>,
      %swap3A_482 = vector.shape_cast %swap3A_481 : vector<1x16xf32> to vector<16xf32>
      %swap3A_483 = vector.shape_cast %add3A_478 : vector<16xf32> to vector<1x16xf32>
      tpu.vector_store %arg15[%swap3A_479, %swap3A_480], %swap3A_483 {strides = array<i32>} : memref<128x128xf32, #tpu.memory_space<vmem>>, vector<1x16xf32>,
    }
    %scan3A_82 = arith.constant 64 : i32
    %add3A_83 = arith.constant 0 : i32
    %add3A_84 = arith.addi %mul3A_2, %add3A_83 : i32
    %mul3A_85 = arith.constant 128 : i32
    %mul3A_86 = arith.muli %add3A_84, %mul3A_85 : i32
    %add3A_87 = arith.constant 64 : i32
    %add3A_88 = arith.addi %mul3A_86, %add3A_87 : i32
    %dma_start3A_89 = arith.constant 64 : i32
    %dma_start3A_90 = arith.constant 0 : i32
    %dma_start3A_91 = tpu.memref_slice %arg15[%dma_start3A_89, %dma_start3A_90] : memref<128x128xf32, #tpu.memory_space<vmem>> -> memref<64x128xf32, #tpu.memory_space<vmem>>
    %dma_start3A_92 = arith.constant 0 : i32
    %dma_start3A_93 = tpu.memref_slice %arg6[%add3A_88, %dma_start3A_92] : memref<16384x128xf32, #tpu.memory_space<hbm>> -> memref<64x128xf32, #tpu.memory_space<hbm>>
    %dma_start3A_94 = arith.constant 0 : i32
    %dma_start3A_95 = tpu.memref_slice %arg6[%add3A_88, %dma_start3A_94] : memref<16384x128xf32, #tpu.memory_space<hbm>> -> memref<64x128xf32, #tpu.memory_space<hbm>>
    %dma_start3A_96 = arith.constant 64 : i32
    %dma_start3A_97 = arith.constant 0 : i32
    %dma_start3A_98 = tpu.memref_slice %arg15[%dma_start3A_96, %dma_start3A_97] : memref<128x128xf32, #tpu.memory_space<vmem>> -> memref<64x128xf32, #tpu.memory_space<vmem>>
    tpu.enqueue_dma source(%dma_start3A_98 : memref<64x128xf32, #tpu.memory_space<vmem>>) target(%dma_start3A_95 : memref<64x128xf32, #tpu.memory_space<hbm>>) target_semaphore(%arg19 : memref<!tpu.dma_semaphore, #tpu.memory_space<semaphore_mem>>)
    %dma_start3A_99 = arith.constant 2 : i32
    %dma_start3A_100 = arith.constant 0 : i32
    %dma_start3A_101 = tpu.memref_slice %arg7[%dma_start3A_99, %dma_start3A_100] : memref<4x128xi32, #tpu.memory_space<vmem>> -> memref<1x128xi32, #tpu.memory_space<vmem>>
    %dma_start3A_102 = tpu.memref_squeeze %dma_start3A_101 : memref<1x128xi32, #tpu.memory_space<vmem>> -> memref<128xi32, #tpu.memory_space<vmem>>
    %dma_start3A_103 = arith.constant 0 : i32
    %dma_start3A_104 = arith.constant 0 : i32
    %dma_start3A_105 = tpu.memref_slice %arg17[%dma_start3A_103, %dma_start3A_104] : memref<3072x128xf32, #tpu.memory_space<vmem_shared>> -> memref<3072x128xf32, #tpu.memory_space<vmem_shared>>
    tpu.enqueue_indirect_dma source(%dma_start3A_105 : memref<3072x128xf32, #tpu.memory_space<vmem_shared>>) target(%arg11 : memref<128x128xf32, #tpu.memory_space<vmem>>) offsets(%dma_start3A_102 : memref<128xi32, #tpu.memory_space<vmem>>) semaphore(%arg18 : memref<!tpu.dma_semaphore, #tpu.memory_space<semaphore_mem>>)
    %dma_start3A_106 = arith.constant 2 : i32
    %dma_start3A_107 = arith.constant 0 : i32
    %dma_start3A_108 = tpu.memref_slice %arg10[%dma_start3A_106, %dma_start3A_107] : memref<4x128xi32, #tpu.memory_space<vmem>> -> memref<1x128xi32, #tpu.memory_space<vmem>>
    %dma_start3A_109 = tpu.memref_squeeze %dma_start3A_108 : memref<1x128xi32, #tpu.memory_space<vmem>> -> memref<128xi32, #tpu.memory_space<vmem>>
    %dma_start3A_110 = arith.constant 0 : i32
    %dma_start3A_111 = arith.constant 0 : i32
    %dma_start3A_112 = tpu.memref_slice %arg17[%dma_start3A_110, %dma_start3A_111] : memref<3072x128xf32, #tpu.memory_space<vmem_shared>> -> memref<3072x128xf32, #tpu.memory_space<vmem_shared>>
    tpu.enqueue_indirect_dma source(%dma_start3A_112 : memref<3072x128xf32, #tpu.memory_space<vmem_shared>>) target(%arg13 : memref<128x128xf32, #tpu.memory_space<vmem>>) offsets(%dma_start3A_109 : memref<128xi32, #tpu.memory_space<vmem>>) semaphore(%arg18 : memref<!tpu.dma_semaphore, #tpu.memory_space<semaphore_mem>>)
    %dma_wait3A_113 = arith.constant 1 : i32
    %dma_wait3A_114 = arith.constant 0 : i32
    %dma_wait3A_115 = tpu.memref_slice %arg7[%dma_wait3A_113, %dma_wait3A_114] : memref<4x128xi32, #tpu.memory_space<vmem>> -> memref<1x128xi32, #tpu.memory_space<vmem>>
    %dma_wait3A_116 = tpu.memref_squeeze %dma_wait3A_115 : memref<1x128xi32, #tpu.memory_space<vmem>> -> memref<128xi32, #tpu.memory_space<vmem>>
    %dma_wait3A_117 = arith.constant 0 : i32
    %dma_wait3A_118 = arith.constant 0 : i32
    %dma_wait3A_119 = tpu.memref_slice %arg17[%dma_wait3A_117, %dma_wait3A_118] : memref<3072x128xf32, #tpu.memory_space<vmem_shared>> -> memref<3072x128xf32, #tpu.memory_space<vmem_shared>>
    tpu.wait_indirect_dma semaphore(%arg18 : memref<!tpu.dma_semaphore, #tpu.memory_space<semaphore_mem>>) src(%dma_wait3A_119 : memref<3072x128xf32, #tpu.memory_space<vmem_shared>>) dst(%arg12 : memref<128x128xf32, #tpu.memory_space<vmem>>)
    %dma_wait3A_120 = arith.constant 1 : i32
    %dma_wait3A_121 = arith.constant 0 : i32
    %dma_wait3A_122 = tpu.memref_slice %arg10[%dma_wait3A_120, %dma_wait3A_121] : memref<4x128xi32, #tpu.memory_space<vmem>> -> memref<1x128xi32, #tpu.memory_space<vmem>>
    %dma_wait3A_123 = tpu.memref_squeeze %dma_wait3A_122 : memref<1x128xi32, #tpu.memory_space<vmem>> -> memref<128xi32, #tpu.memory_space<vmem>>
    %dma_wait3A_124 = arith.constant 0 : i32
    %dma_wait3A_125 = arith.constant 0 : i32
    %dma_wait3A_126 = tpu.memref_slice %arg17[%dma_wait3A_124, %dma_wait3A_125] : memref<3072x128xf32, #tpu.memory_space<vmem_shared>> -> memref<3072x128xf32, #tpu.memory_space<vmem_shared>>
    tpu.wait_indirect_dma semaphore(%arg18 : memref<!tpu.dma_semaphore, #tpu.memory_space<semaphore_mem>>) src(%dma_wait3A_126 : memref<3072x128xf32, #tpu.memory_space<vmem_shared>>) dst(%arg14 : memref<128x128xf32, #tpu.memory_space<vmem>>)
    %scan3A_127 = arith.constant 0 : i32
    %scan3A_128 = arith.constant 64 : i32
    %scan3A_129 = arith.addi %scan3A_127, %scan3A_128 : i32
    %scan3A_130 = arith.constant 1 : i32
    scf.for %scan3A_369 = %scan3A_127 to %scan3A_129 step %scan3A_130  : i32 {
      %mul3A_370 = arith.constant 1 : i32
      %mul3A_371 = arith.muli %scan3A_369, %mul3A_370 : i32
      %add3A_372 = arith.constant 0 : i32
      %add3A_373 = arith.addi %add3A_372, %mul3A_371 : i32
      %get3A = arith.index_cast %add3A_373 : i32 to index
      %get3A_374 = arith.constant 0 : index
      %get3A_375 = tpu.vector_load %arg12[%get3A, %get3A_374] {strides = array<i32>} : memref<128x128xf32, #tpu.memory_space<vmem>>, vector<1x16xf32>,
      %get3A_376 = vector.shape_cast %get3A_375 : vector<1x16xf32> to vector<16xf32>
      %get3A_377 = arith.index_cast %add3A_373 : i32 to index
      %get3A_378 = arith.constant 0 : index
      %get3A_379 = tpu.vector_load %arg14[%get3A_377, %get3A_378] {strides = array<i32>} : memref<128x128xf32, #tpu.memory_space<vmem>>, vector<1x16xf32>,
      %get3A_380 = vector.shape_cast %get3A_379 : vector<1x16xf32> to vector<16xf32>
      %add3A_381 = arith.addf %get3A_376, %get3A_380 : vector<16xf32>
      %swap3A = arith.index_cast %add3A_373 : i32 to index
      %swap3A_382 = arith.constant 0 : index
      %swap3A_383 = tpu.vector_load %arg16[%swap3A, %swap3A_382] {strides = array<i32>} : memref<128x128xf32, #tpu.memory_space<vmem>>, vector<1x16xf32>,
      %swap3A_384 = vector.shape_cast %swap3A_383 : vector<1x16xf32> to vector<16xf32>
      %swap3A_385 = vector.shape_cast %add3A_381 : vector<16xf32> to vector<1x16xf32>
      tpu.vector_store %arg16[%swap3A, %swap3A_382], %swap3A_385 {strides = array<i32>} : memref<128x128xf32, #tpu.memory_space<vmem>>, vector<1x16xf32>,
      %get3A_386 = arith.index_cast %add3A_373 : i32 to index
      %get3A_387 = arith.constant 16 : index
      %get3A_388 = tpu.vector_load %arg12[%get3A_386, %get3A_387] {strides = array<i32>} : memref<128x128xf32, #tpu.memory_space<vmem>>, vector<1x16xf32>,
      %get3A_389 = vector.shape_cast %get3A_388 : vector<1x16xf32> to vector<16xf32>
      %get3A_390 = arith.index_cast %add3A_373 : i32 to index
      %get3A_391 = arith.constant 16 : index
      %get3A_392 = tpu.vector_load %arg14[%get3A_390, %get3A_391] {strides = array<i32>} : memref<128x128xf32, #tpu.memory_space<vmem>>, vector<1x16xf32>,
      %get3A_393 = vector.shape_cast %get3A_392 : vector<1x16xf32> to vector<16xf32>
      %add3A_394 = arith.addf %get3A_389, %get3A_393 : vector<16xf32>
      %swap3A_395 = arith.index_cast %add3A_373 : i32 to index
      %swap3A_396 = arith.constant 16 : index
      %swap3A_397 = tpu.vector_load %arg16[%swap3A_395, %swap3A_396] {strides = array<i32>} : memref<128x128xf32, #tpu.memory_space<vmem>>, vector<1x16xf32>,
      %swap3A_398 = vector.shape_cast %swap3A_397 : vector<1x16xf32> to vector<16xf32>
      %swap3A_399 = vector.shape_cast %add3A_394 : vector<16xf32> to vector<1x16xf32>
      tpu.vector_store %arg16[%swap3A_395, %swap3A_396], %swap3A_399 {strides = array<i32>} : memref<128x128xf32, #tpu.memory_space<vmem>>, vector<1x16xf32>,
      %get3A_400 = arith.index_cast %add3A_373 : i32 to index
      %get3A_401 = arith.constant 32 : index
      %get3A_402 = tpu.vector_load %arg12[%get3A_400, %get3A_401] {strides = array<i32>} : memref<128x128xf32, #tpu.memory_space<vmem>>, vector<1x16xf32>,
      %get3A_403 = vector.shape_cast %get3A_402 : vector<1x16xf32> to vector<16xf32>
      %get3A_404 = arith.index_cast %add3A_373 : i32 to index
      %get3A_405 = arith.constant 32 : index
      %get3A_406 = tpu.vector_load %arg14[%get3A_404, %get3A_405] {strides = array<i32>} : memref<128x128xf32, #tpu.memory_space<vmem>>, vector<1x16xf32>,
      %get3A_407 = vector.shape_cast %get3A_406 : vector<1x16xf32> to vector<16xf32>
      %add3A_408 = arith.addf %get3A_403, %get3A_407 : vector<16xf32>
      %swap3A_409 = arith.index_cast %add3A_373 : i32 to index
      %swap3A_410 = arith.constant 32 : index
      %swap3A_411 = tpu.vector_load %arg16[%swap3A_409, %swap3A_410] {strides = array<i32>} : memref<128x128xf32, #tpu.memory_space<vmem>>, vector<1x16xf32>,
      %swap3A_412 = vector.shape_cast %swap3A_411 : vector<1x16xf32> to vector<16xf32>
      %swap3A_413 = vector.shape_cast %add3A_408 : vector<16xf32> to vector<1x16xf32>
      tpu.vector_store %arg16[%swap3A_409, %swap3A_410], %swap3A_413 {strides = array<i32>} : memref<128x128xf32, #tpu.memory_space<vmem>>, vector<1x16xf32>,
      %get3A_414 = arith.index_cast %add3A_373 : i32 to index
      %get3A_415 = arith.constant 48 : index
      %get3A_416 = tpu.vector_load %arg12[%get3A_414, %get3A_415] {strides = array<i32>} : memref<128x128xf32, #tpu.memory_space<vmem>>, vector<1x16xf32>,
      %get3A_417 = vector.shape_cast %get3A_416 : vector<1x16xf32> to vector<16xf32>
      %get3A_418 = arith.index_cast %add3A_373 : i32 to index
      %get3A_419 = arith.constant 48 : index
      %get3A_420 = tpu.vector_load %arg14[%get3A_418, %get3A_419] {strides = array<i32>} : memref<128x128xf32, #tpu.memory_space<vmem>>, vector<1x16xf32>,
      %get3A_421 = vector.shape_cast %get3A_420 : vector<1x16xf32> to vector<16xf32>
      %add3A_422 = arith.addf %get3A_417, %get3A_421 : vector<16xf32>
      %swap3A_423 = arith.index_cast %add3A_373 : i32 to index
      %swap3A_424 = arith.constant 48 : index
      %swap3A_425 = tpu.vector_load %arg16[%swap3A_423, %swap3A_424] {strides = array<i32>} : memref<128x128xf32, #tpu.memory_space<vmem>>, vector<1x16xf32>,
      %swap3A_426 = vector.shape_cast %swap3A_425 : vector<1x16xf32> to vector<16xf32>
      %swap3A_427 = vector.shape_cast %add3A_422 : vector<16xf32> to vector<1x16xf32>
      tpu.vector_store %arg16[%swap3A_423, %swap3A_424], %swap3A_427 {strides = array<i32>} : memref<128x128xf32, #tpu.memory_space<vmem>>, vector<1x16xf32>,
      %get3A_428 = arith.index_cast %add3A_373 : i32 to index
      %get3A_429 = arith.constant 64 : index
      %get3A_430 = tpu.vector_load %arg12[%get3A_428, %get3A_429] {strides = array<i32>} : memref<128x128xf32, #tpu.memory_space<vmem>>, vector<1x16xf32>,
      %get3A_431 = vector.shape_cast %get3A_430 : vector<1x16xf32> to vector<16xf32>
      %get3A_432 = arith.index_cast %add3A_373 : i32 to index
      %get3A_433 = arith.constant 64 : index
      %get3A_434 = tpu.vector_load %arg14[%get3A_432, %get3A_433] {strides = array<i32>} : memref<128x128xf32, #tpu.memory_space<vmem>>, vector<1x16xf32>,
      %get3A_435 = vector.shape_cast %get3A_434 : vector<1x16xf32> to vector<16xf32>
      %add3A_436 = arith.addf %get3A_431, %get3A_435 : vector<16xf32>
      %swap3A_437 = arith.index_cast %add3A_373 : i32 to index
      %swap3A_438 = arith.constant 64 : index
      %swap3A_439 = tpu.vector_load %arg16[%swap3A_437, %swap3A_438] {strides = array<i32>} : memref<128x128xf32, #tpu.memory_space<vmem>>, vector<1x16xf32>,
      %swap3A_440 = vector.shape_cast %swap3A_439 : vector<1x16xf32> to vector<16xf32>
      %swap3A_441 = vector.shape_cast %add3A_436 : vector<16xf32> to vector<1x16xf32>
      tpu.vector_store %arg16[%swap3A_437, %swap3A_438], %swap3A_441 {strides = array<i32>} : memref<128x128xf32, #tpu.memory_space<vmem>>, vector<1x16xf32>,
      %get3A_442 = arith.index_cast %add3A_373 : i32 to index
      %get3A_443 = arith.constant 80 : index
      %get3A_444 = tpu.vector_load %arg12[%get3A_442, %get3A_443] {strides = array<i32>} : memref<128x128xf32, #tpu.memory_space<vmem>>, vector<1x16xf32>,
      %get3A_445 = vector.shape_cast %get3A_444 : vector<1x16xf32> to vector<16xf32>
      %get3A_446 = arith.index_cast %add3A_373 : i32 to index
      %get3A_447 = arith.constant 80 : index
      %get3A_448 = tpu.vector_load %arg14[%get3A_446, %get3A_447] {strides = array<i32>} : memref<128x128xf32, #tpu.memory_space<vmem>>, vector<1x16xf32>,
      %get3A_449 = vector.shape_cast %get3A_448 : vector<1x16xf32> to vector<16xf32>
      %add3A_450 = arith.addf %get3A_445, %get3A_449 : vector<16xf32>
      %swap3A_451 = arith.index_cast %add3A_373 : i32 to index
      %swap3A_452 = arith.constant 80 : index
      %swap3A_453 = tpu.vector_load %arg16[%swap3A_451, %swap3A_452] {strides = array<i32>} : memref<128x128xf32, #tpu.memory_space<vmem>>, vector<1x16xf32>,
      %swap3A_454 = vector.shape_cast %swap3A_453 : vector<1x16xf32> to vector<16xf32>
      %swap3A_455 = vector.shape_cast %add3A_450 : vector<16xf32> to vector<1x16xf32>
      tpu.vector_store %arg16[%swap3A_451, %swap3A_452], %swap3A_455 {strides = array<i32>} : memref<128x128xf32, #tpu.memory_space<vmem>>, vector<1x16xf32>,
      %get3A_456 = arith.index_cast %add3A_373 : i32 to index
      %get3A_457 = arith.constant 96 : index
      %get3A_458 = tpu.vector_load %arg12[%get3A_456, %get3A_457] {strides = array<i32>} : memref<128x128xf32, #tpu.memory_space<vmem>>, vector<1x16xf32>,
      %get3A_459 = vector.shape_cast %get3A_458 : vector<1x16xf32> to vector<16xf32>
      %get3A_460 = arith.index_cast %add3A_373 : i32 to index
      %get3A_461 = arith.constant 96 : index
      %get3A_462 = tpu.vector_load %arg14[%get3A_460, %get3A_461] {strides = array<i32>} : memref<128x128xf32, #tpu.memory_space<vmem>>, vector<1x16xf32>,
      %get3A_463 = vector.shape_cast %get3A_462 : vector<1x16xf32> to vector<16xf32>
      %add3A_464 = arith.addf %get3A_459, %get3A_463 : vector<16xf32>
      %swap3A_465 = arith.index_cast %add3A_373 : i32 to index
      %swap3A_466 = arith.constant 96 : index
      %swap3A_467 = tpu.vector_load %arg16[%swap3A_465, %swap3A_466] {strides = array<i32>} : memref<128x128xf32, #tpu.memory_space<vmem>>, vector<1x16xf32>,
      %swap3A_468 = vector.shape_cast %swap3A_467 : vector<1x16xf32> to vector<16xf32>
      %swap3A_469 = vector.shape_cast %add3A_464 : vector<16xf32> to vector<1x16xf32>
      tpu.vector_store %arg16[%swap3A_465, %swap3A_466], %swap3A_469 {strides = array<i32>} : memref<128x128xf32, #tpu.memory_space<vmem>>, vector<1x16xf32>,
      %get3A_470 = arith.index_cast %add3A_373 : i32 to index
      %get3A_471 = arith.constant 112 : index
      %get3A_472 = tpu.vector_load %arg12[%get3A_470, %get3A_471] {strides = array<i32>} : memref<128x128xf32, #tpu.memory_space<vmem>>, vector<1x16xf32>,
      %get3A_473 = vector.shape_cast %get3A_472 : vector<1x16xf32> to vector<16xf32>
      %get3A_474 = arith.index_cast %add3A_373 : i32 to index
      %get3A_475 = arith.constant 112 : index
      %get3A_476 = tpu.vector_load %arg14[%get3A_474, %get3A_475] {strides = array<i32>} : memref<128x128xf32, #tpu.memory_space<vmem>>, vector<1x16xf32>,
      %get3A_477 = vector.shape_cast %get3A_476 : vector<1x16xf32> to vector<16xf32>
      %add3A_478 = arith.addf %get3A_473, %get3A_477 : vector<16xf32>
      %swap3A_479 = arith.index_cast %add3A_373 : i32 to index
      %swap3A_480 = arith.constant 112 : index
      %swap3A_481 = tpu.vector_load %arg16[%swap3A_479, %swap3A_480] {strides = array<i32>} : memref<128x128xf32, #tpu.memory_space<vmem>>, vector<1x16xf32>,
      %swap3A_482 = vector.shape_cast %swap3A_481 : vector<1x16xf32> to vector<16xf32>
      %swap3A_483 = vector.shape_cast %add3A_478 : vector<16xf32> to vector<1x16xf32>
      tpu.vector_store %arg16[%swap3A_479, %swap3A_480], %swap3A_483 {strides = array<i32>} : memref<128x128xf32, #tpu.memory_space<vmem>>, vector<1x16xf32>,
    }
    %scan3A_131 = arith.constant 64 : i32
    %add3A_132 = arith.constant 1 : i32
    %add3A_133 = arith.addi %mul3A_2, %add3A_132 : i32
    %mul3A_134 = arith.constant 128 : i32
    %mul3A_135 = arith.muli %add3A_133, %mul3A_134 : i32
    %dma_start3A_136 = arith.constant 0 : i32
    %dma_start3A_137 = arith.constant 0 : i32
    %dma_start3A_138 = tpu.memref_slice %arg16[%dma_start3A_136, %dma_start3A_137] : memref<128x128xf32, #tpu.memory_space<vmem>> -> memref<64x128xf32, #tpu.memory_space<vmem>>
    %dma_start3A_139 = arith.constant 0 : i32
    %dma_start3A_140 = tpu.memref_slice %arg6[%mul3A_135, %dma_start3A_139] : memref<16384x128xf32, #tpu.memory_space<hbm>> -> memref<64x128xf32, #tpu.memory_space<hbm>>
    %dma_start3A_141 = arith.constant 0 : i32
    %dma_start3A_142 = tpu.memref_slice %arg6[%mul3A_135, %dma_start3A_141] : memref<16384x128xf32, #tpu.memory_space<hbm>> -> memref<64x128xf32, #tpu.memory_space<hbm>>
    %dma_start3A_143 = arith.constant 0 : i32
    %dma_start3A_144 = arith.constant 0 : i32
    %dma_start3A_145 = tpu.memref_slice %arg16[%dma_start3A_143, %dma_start3A_144] : memref<128x128xf32, #tpu.memory_space<vmem>> -> memref<64x128xf32, #tpu.memory_space<vmem>>
    tpu.enqueue_dma source(%dma_start3A_145 : memref<64x128xf32, #tpu.memory_space<vmem>>) target(%dma_start3A_142 : memref<64x128xf32, #tpu.memory_space<hbm>>) target_semaphore(%arg19 : memref<!tpu.dma_semaphore, #tpu.memory_space<semaphore_mem>>)
    %scan3A_146 = arith.constant 0 : i32
    %scan3A_147 = arith.constant 64 : i32
    %scan3A_148 = arith.addi %scan3A_146, %scan3A_147 : i32
    %scan3A_149 = arith.constant 1 : i32
    scf.for %scan3A_369 = %scan3A_146 to %scan3A_148 step %scan3A_149  : i32 {
      %mul3A_370 = arith.constant 1 : i32
      %mul3A_371 = arith.muli %scan3A_369, %mul3A_370 : i32
      %add3A_372 = arith.constant 64 : i32
      %add3A_373 = arith.addi %add3A_372, %mul3A_371 : i32
      %get3A = arith.index_cast %add3A_373 : i32 to index
      %get3A_374 = arith.constant 0 : index
      %get3A_375 = tpu.vector_load %arg12[%get3A, %get3A_374] {strides = array<i32>} : memref<128x128xf32, #tpu.memory_space<vmem>>, vector<1x16xf32>,
      %get3A_376 = vector.shape_cast %get3A_375 : vector<1x16xf32> to vector<16xf32>
      %get3A_377 = arith.index_cast %add3A_373 : i32 to index
      %get3A_378 = arith.constant 0 : index
      %get3A_379 = tpu.vector_load %arg14[%get3A_377, %get3A_378] {strides = array<i32>} : memref<128x128xf32, #tpu.memory_space<vmem>>, vector<1x16xf32>,
      %get3A_380 = vector.shape_cast %get3A_379 : vector<1x16xf32> to vector<16xf32>
      %add3A_381 = arith.addf %get3A_376, %get3A_380 : vector<16xf32>
      %swap3A = arith.index_cast %add3A_373 : i32 to index
      %swap3A_382 = arith.constant 0 : index
      %swap3A_383 = tpu.vector_load %arg16[%swap3A, %swap3A_382] {strides = array<i32>} : memref<128x128xf32, #tpu.memory_space<vmem>>, vector<1x16xf32>,
      %swap3A_384 = vector.shape_cast %swap3A_383 : vector<1x16xf32> to vector<16xf32>
      %swap3A_385 = vector.shape_cast %add3A_381 : vector<16xf32> to vector<1x16xf32>
      tpu.vector_store %arg16[%swap3A, %swap3A_382], %swap3A_385 {strides = array<i32>} : memref<128x128xf32, #tpu.memory_space<vmem>>, vector<1x16xf32>,
      %get3A_386 = arith.index_cast %add3A_373 : i32 to index
      %get3A_387 = arith.constant 16 : index
      %get3A_388 = tpu.vector_load %arg12[%get3A_386, %get3A_387] {strides = array<i32>} : memref<128x128xf32, #tpu.memory_space<vmem>>, vector<1x16xf32>,
      %get3A_389 = vector.shape_cast %get3A_388 : vector<1x16xf32> to vector<16xf32>
      %get3A_390 = arith.index_cast %add3A_373 : i32 to index
      %get3A_391 = arith.constant 16 : index
      %get3A_392 = tpu.vector_load %arg14[%get3A_390, %get3A_391] {strides = array<i32>} : memref<128x128xf32, #tpu.memory_space<vmem>>, vector<1x16xf32>,
      %get3A_393 = vector.shape_cast %get3A_392 : vector<1x16xf32> to vector<16xf32>
      %add3A_394 = arith.addf %get3A_389, %get3A_393 : vector<16xf32>
      %swap3A_395 = arith.index_cast %add3A_373 : i32 to index
      %swap3A_396 = arith.constant 16 : index
      %swap3A_397 = tpu.vector_load %arg16[%swap3A_395, %swap3A_396] {strides = array<i32>} : memref<128x128xf32, #tpu.memory_space<vmem>>, vector<1x16xf32>,
      %swap3A_398 = vector.shape_cast %swap3A_397 : vector<1x16xf32> to vector<16xf32>
      %swap3A_399 = vector.shape_cast %add3A_394 : vector<16xf32> to vector<1x16xf32>
      tpu.vector_store %arg16[%swap3A_395, %swap3A_396], %swap3A_399 {strides = array<i32>} : memref<128x128xf32, #tpu.memory_space<vmem>>, vector<1x16xf32>,
      %get3A_400 = arith.index_cast %add3A_373 : i32 to index
      %get3A_401 = arith.constant 32 : index
      %get3A_402 = tpu.vector_load %arg12[%get3A_400, %get3A_401] {strides = array<i32>} : memref<128x128xf32, #tpu.memory_space<vmem>>, vector<1x16xf32>,
      %get3A_403 = vector.shape_cast %get3A_402 : vector<1x16xf32> to vector<16xf32>
      %get3A_404 = arith.index_cast %add3A_373 : i32 to index
      %get3A_405 = arith.constant 32 : index
      %get3A_406 = tpu.vector_load %arg14[%get3A_404, %get3A_405] {strides = array<i32>} : memref<128x128xf32, #tpu.memory_space<vmem>>, vector<1x16xf32>,
      %get3A_407 = vector.shape_cast %get3A_406 : vector<1x16xf32> to vector<16xf32>
      %add3A_408 = arith.addf %get3A_403, %get3A_407 : vector<16xf32>
      %swap3A_409 = arith.index_cast %add3A_373 : i32 to index
      %swap3A_410 = arith.constant 32 : index
      %swap3A_411 = tpu.vector_load %arg16[%swap3A_409, %swap3A_410] {strides = array<i32>} : memref<128x128xf32, #tpu.memory_space<vmem>>, vector<1x16xf32>,
      %swap3A_412 = vector.shape_cast %swap3A_411 : vector<1x16xf32> to vector<16xf32>
      %swap3A_413 = vector.shape_cast %add3A_408 : vector<16xf32> to vector<1x16xf32>
      tpu.vector_store %arg16[%swap3A_409, %swap3A_410], %swap3A_413 {strides = array<i32>} : memref<128x128xf32, #tpu.memory_space<vmem>>, vector<1x16xf32>,
      %get3A_414 = arith.index_cast %add3A_373 : i32 to index
      %get3A_415 = arith.constant 48 : index
      %get3A_416 = tpu.vector_load %arg12[%get3A_414, %get3A_415] {strides = array<i32>} : memref<128x128xf32, #tpu.memory_space<vmem>>, vector<1x16xf32>,
      %get3A_417 = vector.shape_cast %get3A_416 : vector<1x16xf32> to vector<16xf32>
      %get3A_418 = arith.index_cast %add3A_373 : i32 to index
      %get3A_419 = arith.constant 48 : index
      %get3A_420 = tpu.vector_load %arg14[%get3A_418, %get3A_419] {strides = array<i32>} : memref<128x128xf32, #tpu.memory_space<vmem>>, vector<1x16xf32>,
      %get3A_421 = vector.shape_cast %get3A_420 : vector<1x16xf32> to vector<16xf32>
      %add3A_422 = arith.addf %get3A_417, %get3A_421 : vector<16xf32>
      %swap3A_423 = arith.index_cast %add3A_373 : i32 to index
      %swap3A_424 = arith.constant 48 : index
      %swap3A_425 = tpu.vector_load %arg16[%swap3A_423, %swap3A_424] {strides = array<i32>} : memref<128x128xf32, #tpu.memory_space<vmem>>, vector<1x16xf32>,
      %swap3A_426 = vector.shape_cast %swap3A_425 : vector<1x16xf32> to vector<16xf32>
      %swap3A_427 = vector.shape_cast %add3A_422 : vector<16xf32> to vector<1x16xf32>
      tpu.vector_store %arg16[%swap3A_423, %swap3A_424], %swap3A_427 {strides = array<i32>} : memref<128x128xf32, #tpu.memory_space<vmem>>, vector<1x16xf32>,
      %get3A_428 = arith.index_cast %add3A_373 : i32 to index
      %get3A_429 = arith.constant 64 : index
      %get3A_430 = tpu.vector_load %arg12[%get3A_428, %get3A_429] {strides = array<i32>} : memref<128x128xf32, #tpu.memory_space<vmem>>, vector<1x16xf32>,
      %get3A_431 = vector.shape_cast %get3A_430 : vector<1x16xf32> to vector<16xf32>
      %get3A_432 = arith.index_cast %add3A_373 : i32 to index
      %get3A_433 = arith.constant 64 : index
      %get3A_434 = tpu.vector_load %arg14[%get3A_432, %get3A_433] {strides = array<i32>} : memref<128x128xf32, #tpu.memory_space<vmem>>, vector<1x16xf32>,
      %get3A_435 = vector.shape_cast %get3A_434 : vector<1x16xf32> to vector<16xf32>
      %add3A_436 = arith.addf %get3A_431, %get3A_435 : vector<16xf32>
      %swap3A_437 = arith.index_cast %add3A_373 : i32 to index
      %swap3A_438 = arith.constant 64 : index
      %swap3A_439 = tpu.vector_load %arg16[%swap3A_437, %swap3A_438] {strides = array<i32>} : memref<128x128xf32, #tpu.memory_space<vmem>>, vector<1x16xf32>,
      %swap3A_440 = vector.shape_cast %swap3A_439 : vector<1x16xf32> to vector<16xf32>
      %swap3A_441 = vector.shape_cast %add3A_436 : vector<16xf32> to vector<1x16xf32>
      tpu.vector_store %arg16[%swap3A_437, %swap3A_438], %swap3A_441 {strides = array<i32>} : memref<128x128xf32, #tpu.memory_space<vmem>>, vector<1x16xf32>,
      %get3A_442 = arith.index_cast %add3A_373 : i32 to index
      %get3A_443 = arith.constant 80 : index
      %get3A_444 = tpu.vector_load %arg12[%get3A_442, %get3A_443] {strides = array<i32>} : memref<128x128xf32, #tpu.memory_space<vmem>>, vector<1x16xf32>,
      %get3A_445 = vector.shape_cast %get3A_444 : vector<1x16xf32> to vector<16xf32>
      %get3A_446 = arith.index_cast %add3A_373 : i32 to index
      %get3A_447 = arith.constant 80 : index
      %get3A_448 = tpu.vector_load %arg14[%get3A_446, %get3A_447] {strides = array<i32>} : memref<128x128xf32, #tpu.memory_space<vmem>>, vector<1x16xf32>,
      %get3A_449 = vector.shape_cast %get3A_448 : vector<1x16xf32> to vector<16xf32>
      %add3A_450 = arith.addf %get3A_445, %get3A_449 : vector<16xf32>
      %swap3A_451 = arith.index_cast %add3A_373 : i32 to index
      %swap3A_452 = arith.constant 80 : index
      %swap3A_453 = tpu.vector_load %arg16[%swap3A_451, %swap3A_452] {strides = array<i32>} : memref<128x128xf32, #tpu.memory_space<vmem>>, vector<1x16xf32>,
      %swap3A_454 = vector.shape_cast %swap3A_453 : vector<1x16xf32> to vector<16xf32>
      %swap3A_455 = vector.shape_cast %add3A_450 : vector<16xf32> to vector<1x16xf32>
      tpu.vector_store %arg16[%swap3A_451, %swap3A_452], %swap3A_455 {strides = array<i32>} : memref<128x128xf32, #tpu.memory_space<vmem>>, vector<1x16xf32>,
      %get3A_456 = arith.index_cast %add3A_373 : i32 to index
      %get3A_457 = arith.constant 96 : index
      %get3A_458 = tpu.vector_load %arg12[%get3A_456, %get3A_457] {strides = array<i32>} : memref<128x128xf32, #tpu.memory_space<vmem>>, vector<1x16xf32>,
      %get3A_459 = vector.shape_cast %get3A_458 : vector<1x16xf32> to vector<16xf32>
      %get3A_460 = arith.index_cast %add3A_373 : i32 to index
      %get3A_461 = arith.constant 96 : index
      %get3A_462 = tpu.vector_load %arg14[%get3A_460, %get3A_461] {strides = array<i32>} : memref<128x128xf32, #tpu.memory_space<vmem>>, vector<1x16xf32>,
      %get3A_463 = vector.shape_cast %get3A_462 : vector<1x16xf32> to vector<16xf32>
      %add3A_464 = arith.addf %get3A_459, %get3A_463 : vector<16xf32>
      %swap3A_465 = arith.index_cast %add3A_373 : i32 to index
      %swap3A_466 = arith.constant 96 : index
      %swap3A_467 = tpu.vector_load %arg16[%swap3A_465, %swap3A_466] {strides = array<i32>} : memref<128x128xf32, #tpu.memory_space<vmem>>, vector<1x16xf32>,
      %swap3A_468 = vector.shape_cast %swap3A_467 : vector<1x16xf32> to vector<16xf32>
      %swap3A_469 = vector.shape_cast %add3A_464 : vector<16xf32> to vector<1x16xf32>
      tpu.vector_store %arg16[%swap3A_465, %swap3A_466], %swap3A_469 {strides = array<i32>} : memref<128x128xf32, #tpu.memory_space<vmem>>, vector<1x16xf32>,
      %get3A_470 = arith.index_cast %add3A_373 : i32 to index
      %get3A_471 = arith.constant 112 : index
      %get3A_472 = tpu.vector_load %arg12[%get3A_470, %get3A_471] {strides = array<i32>} : memref<128x128xf32, #tpu.memory_space<vmem>>, vector<1x16xf32>,
      %get3A_473 = vector.shape_cast %get3A_472 : vector<1x16xf32> to vector<16xf32>
      %get3A_474 = arith.index_cast %add3A_373 : i32 to index
      %get3A_475 = arith.constant 112 : index
      %get3A_476 = tpu.vector_load %arg14[%get3A_474, %get3A_475] {strides = array<i32>} : memref<128x128xf32, #tpu.memory_space<vmem>>, vector<1x16xf32>,
      %get3A_477 = vector.shape_cast %get3A_476 : vector<1x16xf32> to vector<16xf32>
      %add3A_478 = arith.addf %get3A_473, %get3A_477 : vector<16xf32>
      %swap3A_479 = arith.index_cast %add3A_373 : i32 to index
      %swap3A_480 = arith.constant 112 : index
      %swap3A_481 = tpu.vector_load %arg16[%swap3A_479, %swap3A_480] {strides = array<i32>} : memref<128x128xf32, #tpu.memory_space<vmem>>, vector<1x16xf32>,
      %swap3A_482 = vector.shape_cast %swap3A_481 : vector<1x16xf32> to vector<16xf32>
      %swap3A_483 = vector.shape_cast %add3A_478 : vector<16xf32> to vector<1x16xf32>
      tpu.vector_store %arg16[%swap3A_479, %swap3A_480], %swap3A_483 {strides = array<i32>} : memref<128x128xf32, #tpu.memory_space<vmem>>, vector<1x16xf32>,
    }
    %scan3A_150 = arith.constant 64 : i32
    %add3A_151 = arith.constant 1 : i32
    %add3A_152 = arith.addi %mul3A_2, %add3A_151 : i32
    %mul3A_153 = arith.constant 128 : i32
    %mul3A_154 = arith.muli %add3A_152, %mul3A_153 : i32
    %add3A_155 = arith.constant 64 : i32
    %add3A_156 = arith.addi %mul3A_154, %add3A_155 : i32
    %dma_start3A_157 = arith.constant 64 : i32
    %dma_start3A_158 = arith.constant 0 : i32
    %dma_start3A_159 = tpu.memref_slice %arg16[%dma_start3A_157, %dma_start3A_158] : memref<128x128xf32, #tpu.memory_space<vmem>> -> memref<64x128xf32, #tpu.memory_space<vmem>>
    %dma_start3A_160 = arith.constant 0 : i32
    %dma_start3A_161 = tpu.memref_slice %arg6[%add3A_156, %dma_start3A_160] : memref<16384x128xf32, #tpu.memory_space<hbm>> -> memref<64x128xf32, #tpu.memory_space<hbm>>
    %dma_start3A_162 = arith.constant 0 : i32
    %dma_start3A_163 = tpu.memref_slice %arg6[%add3A_156, %dma_start3A_162] : memref<16384x128xf32, #tpu.memory_space<hbm>> -> memref<64x128xf32, #tpu.memory_space<hbm>>
    %dma_start3A_164 = arith.constant 64 : i32
    %dma_start3A_165 = arith.constant 0 : i32
    %dma_start3A_166 = tpu.memref_slice %arg16[%dma_start3A_164, %dma_start3A_165] : memref<128x128xf32, #tpu.memory_space<vmem>> -> memref<64x128xf32, #tpu.memory_space<vmem>>
    tpu.enqueue_dma source(%dma_start3A_166 : memref<64x128xf32, #tpu.memory_space<vmem>>) target(%dma_start3A_163 : memref<64x128xf32, #tpu.memory_space<hbm>>) target_semaphore(%arg19 : memref<!tpu.dma_semaphore, #tpu.memory_space<semaphore_mem>>)
    %dma_start3A_167 = arith.constant 3 : i32
    %dma_start3A_168 = arith.constant 0 : i32
    %dma_start3A_169 = tpu.memref_slice %arg7[%dma_start3A_167, %dma_start3A_168] : memref<4x128xi32, #tpu.memory_space<vmem>> -> memref<1x128xi32, #tpu.memory_space<vmem>>
    %dma_start3A_170 = tpu.memref_squeeze %dma_start3A_169 : memref<1x128xi32, #tpu.memory_space<vmem>> -> memref<128xi32, #tpu.memory_space<vmem>>
    %dma_start3A_171 = arith.constant 0 : i32
    %dma_start3A_172 = arith.constant 0 : i32
    %dma_start3A_173 = tpu.memref_slice %arg17[%dma_start3A_171, %dma_start3A_172] : memref<3072x128xf32, #tpu.memory_space<vmem_shared>> -> memref<3072x128xf32, #tpu.memory_space<vmem_shared>>
    tpu.enqueue_indirect_dma source(%dma_start3A_173 : memref<3072x128xf32, #tpu.memory_space<vmem_shared>>) target(%arg12 : memref<128x128xf32, #tpu.memory_space<vmem>>) offsets(%dma_start3A_170 : memref<128xi32, #tpu.memory_space<vmem>>) semaphore(%arg18 : memref<!tpu.dma_semaphore, #tpu.memory_space<semaphore_mem>>)
    %dma_start3A_174 = arith.constant 3 : i32
    %dma_start3A_175 = arith.constant 0 : i32
    %dma_start3A_176 = tpu.memref_slice %arg10[%dma_start3A_174, %dma_start3A_175] : memref<4x128xi32, #tpu.memory_space<vmem>> -> memref<1x128xi32, #tpu.memory_space<vmem>>
    %dma_start3A_177 = tpu.memref_squeeze %dma_start3A_176 : memref<1x128xi32, #tpu.memory_space<vmem>> -> memref<128xi32, #tpu.memory_space<vmem>>
    %dma_start3A_178 = arith.constant 0 : i32
    %dma_start3A_179 = arith.constant 0 : i32
    %dma_start3A_180 = tpu.memref_slice %arg17[%dma_start3A_178, %dma_start3A_179] : memref<3072x128xf32, #tpu.memory_space<vmem_shared>> -> memref<3072x128xf32, #tpu.memory_space<vmem_shared>>
    tpu.enqueue_indirect_dma source(%dma_start3A_180 : memref<3072x128xf32, #tpu.memory_space<vmem_shared>>) target(%arg14 : memref<128x128xf32, #tpu.memory_space<vmem>>) offsets(%dma_start3A_177 : memref<128xi32, #tpu.memory_space<vmem>>) semaphore(%arg18 : memref<!tpu.dma_semaphore, #tpu.memory_space<semaphore_mem>>)
    %dma_wait3A_181 = arith.constant 2 : i32
    %dma_wait3A_182 = arith.constant 0 : i32
    %dma_wait3A_183 = tpu.memref_slice %arg7[%dma_wait3A_181, %dma_wait3A_182] : memref<4x128xi32, #tpu.memory_space<vmem>> -> memref<1x128xi32, #tpu.memory_space<vmem>>
    %dma_wait3A_184 = tpu.memref_squeeze %dma_wait3A_183 : memref<1x128xi32, #tpu.memory_space<vmem>> -> memref<128xi32, #tpu.memory_space<vmem>>
    %dma_wait3A_185 = arith.constant 0 : i32
    %dma_wait3A_186 = arith.constant 0 : i32
    %dma_wait3A_187 = tpu.memref_slice %arg17[%dma_wait3A_185, %dma_wait3A_186] : memref<3072x128xf32, #tpu.memory_space<vmem_shared>> -> memref<3072x128xf32, #tpu.memory_space<vmem_shared>>
    tpu.wait_indirect_dma semaphore(%arg18 : memref<!tpu.dma_semaphore, #tpu.memory_space<semaphore_mem>>) src(%dma_wait3A_187 : memref<3072x128xf32, #tpu.memory_space<vmem_shared>>) dst(%arg11 : memref<128x128xf32, #tpu.memory_space<vmem>>)
    %dma_wait3A_188 = arith.constant 2 : i32
    %dma_wait3A_189 = arith.constant 0 : i32
    %dma_wait3A_190 = tpu.memref_slice %arg10[%dma_wait3A_188, %dma_wait3A_189] : memref<4x128xi32, #tpu.memory_space<vmem>> -> memref<1x128xi32, #tpu.memory_space<vmem>>
    %dma_wait3A_191 = tpu.memref_squeeze %dma_wait3A_190 : memref<1x128xi32, #tpu.memory_space<vmem>> -> memref<128xi32, #tpu.memory_space<vmem>>
    %dma_wait3A_192 = arith.constant 0 : i32
    %dma_wait3A_193 = arith.constant 0 : i32
    %dma_wait3A_194 = tpu.memref_slice %arg17[%dma_wait3A_192, %dma_wait3A_193] : memref<3072x128xf32, #tpu.memory_space<vmem_shared>> -> memref<3072x128xf32, #tpu.memory_space<vmem_shared>>
    tpu.wait_indirect_dma semaphore(%arg18 : memref<!tpu.dma_semaphore, #tpu.memory_space<semaphore_mem>>) src(%dma_wait3A_194 : memref<3072x128xf32, #tpu.memory_space<vmem_shared>>) dst(%arg13 : memref<128x128xf32, #tpu.memory_space<vmem>>)
    %dma_wait3A_195 = arith.constant 0 : i32
    %dma_wait3A_196 = arith.constant 0 : i32
    %dma_wait3A_197 = tpu.memref_slice %arg15[%dma_wait3A_195, %dma_wait3A_196] : memref<128x128xf32, #tpu.memory_space<vmem>> -> memref<64x128xf32, #tpu.memory_space<vmem>>
    %dma_wait3A_198 = arith.constant 0 : i32
    %dma_wait3A_199 = tpu.memref_slice %arg6[%mul3A_67, %dma_wait3A_198] : memref<16384x128xf32, #tpu.memory_space<hbm>> -> memref<64x128xf32, #tpu.memory_space<hbm>>
    %dma_wait3A_200 = arith.constant 0 : i32
    %dma_wait3A_201 = tpu.memref_slice %arg6[%mul3A_67, %dma_wait3A_200] : memref<16384x128xf32, #tpu.memory_space<hbm>> -> memref<64x128xf32, #tpu.memory_space<hbm>>
    %dma_wait3A_202 = arith.constant 0 : i32
    %dma_wait3A_203 = arith.constant 0 : i32
    %dma_wait3A_204 = tpu.memref_slice %arg15[%dma_wait3A_202, %dma_wait3A_203] : memref<128x128xf32, #tpu.memory_space<vmem>> -> memref<64x128xf32, #tpu.memory_space<vmem>>
    tpu.wait_dma2 semaphore(%arg19 : memref<!tpu.dma_semaphore, #tpu.memory_space<semaphore_mem>>) src(%dma_wait3A_204 : memref<64x128xf32, #tpu.memory_space<vmem>>) dst(%dma_wait3A_201 : memref<64x128xf32, #tpu.memory_space<hbm>>)
    %dma_wait3A_205 = arith.constant 64 : i32
    %dma_wait3A_206 = arith.constant 0 : i32
    %dma_wait3A_207 = tpu.memref_slice %arg15[%dma_wait3A_205, %dma_wait3A_206] : memref<128x128xf32, #tpu.memory_space<vmem>> -> memref<64x128xf32, #tpu.memory_space<vmem>>
    %dma_wait3A_208 = arith.constant 0 : i32
    %dma_wait3A_209 = tpu.memref_slice %arg6[%add3A_88, %dma_wait3A_208] : memref<16384x128xf32, #tpu.memory_space<hbm>> -> memref<64x128xf32, #tpu.memory_space<hbm>>
    %dma_wait3A_210 = arith.constant 0 : i32
    %dma_wait3A_211 = tpu.memref_slice %arg6[%add3A_88, %dma_wait3A_210] : memref<16384x128xf32, #tpu.memory_space<hbm>> -> memref<64x128xf32, #tpu.memory_space<hbm>>
    %dma_wait3A_212 = arith.constant 64 : i32
    %dma_wait3A_213 = arith.constant 0 : i32
    %dma_wait3A_214 = tpu.memref_slice %arg15[%dma_wait3A_212, %dma_wait3A_213] : memref<128x128xf32, #tpu.memory_space<vmem>> -> memref<64x128xf32, #tpu.memory_space<vmem>>
    tpu.wait_dma2 semaphore(%arg19 : memref<!tpu.dma_semaphore, #tpu.memory_space<semaphore_mem>>) src(%dma_wait3A_214 : memref<64x128xf32, #tpu.memory_space<vmem>>) dst(%dma_wait3A_211 : memref<64x128xf32, #tpu.memory_space<hbm>>)
    %scan3A_215 = arith.constant 0 : i32
    %scan3A_216 = arith.constant 64 : i32
    %scan3A_217 = arith.addi %scan3A_215, %scan3A_216 : i32
    %scan3A_218 = arith.constant 1 : i32
    scf.for %scan3A_369 = %scan3A_215 to %scan3A_217 step %scan3A_218  : i32 {
      %mul3A_370 = arith.constant 1 : i32
      %mul3A_371 = arith.muli %scan3A_369, %mul3A_370 : i32
      %add3A_372 = arith.constant 0 : i32
      %add3A_373 = arith.addi %add3A_372, %mul3A_371 : i32
      %get3A = arith.index_cast %add3A_373 : i32 to index
      %get3A_374 = arith.constant 0 : index
      %get3A_375 = tpu.vector_load %arg11[%get3A, %get3A_374] {strides = array<i32>} : memref<128x128xf32, #tpu.memory_space<vmem>>, vector<1x16xf32>,
      %get3A_376 = vector.shape_cast %get3A_375 : vector<1x16xf32> to vector<16xf32>
      %get3A_377 = arith.index_cast %add3A_373 : i32 to index
      %get3A_378 = arith.constant 0 : index
      %get3A_379 = tpu.vector_load %arg13[%get3A_377, %get3A_378] {strides = array<i32>} : memref<128x128xf32, #tpu.memory_space<vmem>>, vector<1x16xf32>,
      %get3A_380 = vector.shape_cast %get3A_379 : vector<1x16xf32> to vector<16xf32>
      %add3A_381 = arith.addf %get3A_376, %get3A_380 : vector<16xf32>
      %swap3A = arith.index_cast %add3A_373 : i32 to index
      %swap3A_382 = arith.constant 0 : index
      %swap3A_383 = tpu.vector_load %arg15[%swap3A, %swap3A_382] {strides = array<i32>} : memref<128x128xf32, #tpu.memory_space<vmem>>, vector<1x16xf32>,
      %swap3A_384 = vector.shape_cast %swap3A_383 : vector<1x16xf32> to vector<16xf32>
      %swap3A_385 = vector.shape_cast %add3A_381 : vector<16xf32> to vector<1x16xf32>
      tpu.vector_store %arg15[%swap3A, %swap3A_382], %swap3A_385 {strides = array<i32>} : memref<128x128xf32, #tpu.memory_space<vmem>>, vector<1x16xf32>,
      %get3A_386 = arith.index_cast %add3A_373 : i32 to index
      %get3A_387 = arith.constant 16 : index
      %get3A_388 = tpu.vector_load %arg11[%get3A_386, %get3A_387] {strides = array<i32>} : memref<128x128xf32, #tpu.memory_space<vmem>>, vector<1x16xf32>,
      %get3A_389 = vector.shape_cast %get3A_388 : vector<1x16xf32> to vector<16xf32>
      %get3A_390 = arith.index_cast %add3A_373 : i32 to index
      %get3A_391 = arith.constant 16 : index
      %get3A_392 = tpu.vector_load %arg13[%get3A_390, %get3A_391] {strides = array<i32>} : memref<128x128xf32, #tpu.memory_space<vmem>>, vector<1x16xf32>,
      %get3A_393 = vector.shape_cast %get3A_392 : vector<1x16xf32> to vector<16xf32>
      %add3A_394 = arith.addf %get3A_389, %get3A_393 : vector<16xf32>
      %swap3A_395 = arith.index_cast %add3A_373 : i32 to index
      %swap3A_396 = arith.constant 16 : index
      %swap3A_397 = tpu.vector_load %arg15[%swap3A_395, %swap3A_396] {strides = array<i32>} : memref<128x128xf32, #tpu.memory_space<vmem>>, vector<1x16xf32>,
      %swap3A_398 = vector.shape_cast %swap3A_397 : vector<1x16xf32> to vector<16xf32>
      %swap3A_399 = vector.shape_cast %add3A_394 : vector<16xf32> to vector<1x16xf32>
      tpu.vector_store %arg15[%swap3A_395, %swap3A_396], %swap3A_399 {strides = array<i32>} : memref<128x128xf32, #tpu.memory_space<vmem>>, vector<1x16xf32>,
      %get3A_400 = arith.index_cast %add3A_373 : i32 to index
      %get3A_401 = arith.constant 32 : index
      %get3A_402 = tpu.vector_load %arg11[%get3A_400, %get3A_401] {strides = array<i32>} : memref<128x128xf32, #tpu.memory_space<vmem>>, vector<1x16xf32>,
      %get3A_403 = vector.shape_cast %get3A_402 : vector<1x16xf32> to vector<16xf32>
      %get3A_404 = arith.index_cast %add3A_373 : i32 to index
      %get3A_405 = arith.constant 32 : index
      %get3A_406 = tpu.vector_load %arg13[%get3A_404, %get3A_405] {strides = array<i32>} : memref<128x128xf32, #tpu.memory_space<vmem>>, vector<1x16xf32>,
      %get3A_407 = vector.shape_cast %get3A_406 : vector<1x16xf32> to vector<16xf32>
      %add3A_408 = arith.addf %get3A_403, %get3A_407 : vector<16xf32>
      %swap3A_409 = arith.index_cast %add3A_373 : i32 to index
      %swap3A_410 = arith.constant 32 : index
      %swap3A_411 = tpu.vector_load %arg15[%swap3A_409, %swap3A_410] {strides = array<i32>} : memref<128x128xf32, #tpu.memory_space<vmem>>, vector<1x16xf32>,
      %swap3A_412 = vector.shape_cast %swap3A_411 : vector<1x16xf32> to vector<16xf32>
      %swap3A_413 = vector.shape_cast %add3A_408 : vector<16xf32> to vector<1x16xf32>
      tpu.vector_store %arg15[%swap3A_409, %swap3A_410], %swap3A_413 {strides = array<i32>} : memref<128x128xf32, #tpu.memory_space<vmem>>, vector<1x16xf32>,
      %get3A_414 = arith.index_cast %add3A_373 : i32 to index
      %get3A_415 = arith.constant 48 : index
      %get3A_416 = tpu.vector_load %arg11[%get3A_414, %get3A_415] {strides = array<i32>} : memref<128x128xf32, #tpu.memory_space<vmem>>, vector<1x16xf32>,
      %get3A_417 = vector.shape_cast %get3A_416 : vector<1x16xf32> to vector<16xf32>
      %get3A_418 = arith.index_cast %add3A_373 : i32 to index
      %get3A_419 = arith.constant 48 : index
      %get3A_420 = tpu.vector_load %arg13[%get3A_418, %get3A_419] {strides = array<i32>} : memref<128x128xf32, #tpu.memory_space<vmem>>, vector<1x16xf32>,
      %get3A_421 = vector.shape_cast %get3A_420 : vector<1x16xf32> to vector<16xf32>
      %add3A_422 = arith.addf %get3A_417, %get3A_421 : vector<16xf32>
      %swap3A_423 = arith.index_cast %add3A_373 : i32 to index
      %swap3A_424 = arith.constant 48 : index
      %swap3A_425 = tpu.vector_load %arg15[%swap3A_423, %swap3A_424] {strides = array<i32>} : memref<128x128xf32, #tpu.memory_space<vmem>>, vector<1x16xf32>,
      %swap3A_426 = vector.shape_cast %swap3A_425 : vector<1x16xf32> to vector<16xf32>
      %swap3A_427 = vector.shape_cast %add3A_422 : vector<16xf32> to vector<1x16xf32>
      tpu.vector_store %arg15[%swap3A_423, %swap3A_424], %swap3A_427 {strides = array<i32>} : memref<128x128xf32, #tpu.memory_space<vmem>>, vector<1x16xf32>,
      %get3A_428 = arith.index_cast %add3A_373 : i32 to index
      %get3A_429 = arith.constant 64 : index
      %get3A_430 = tpu.vector_load %arg11[%get3A_428, %get3A_429] {strides = array<i32>} : memref<128x128xf32, #tpu.memory_space<vmem>>, vector<1x16xf32>,
      %get3A_431 = vector.shape_cast %get3A_430 : vector<1x16xf32> to vector<16xf32>
      %get3A_432 = arith.index_cast %add3A_373 : i32 to index
      %get3A_433 = arith.constant 64 : index
      %get3A_434 = tpu.vector_load %arg13[%get3A_432, %get3A_433] {strides = array<i32>} : memref<128x128xf32, #tpu.memory_space<vmem>>, vector<1x16xf32>,
      %get3A_435 = vector.shape_cast %get3A_434 : vector<1x16xf32> to vector<16xf32>
      %add3A_436 = arith.addf %get3A_431, %get3A_435 : vector<16xf32>
      %swap3A_437 = arith.index_cast %add3A_373 : i32 to index
      %swap3A_438 = arith.constant 64 : index
      %swap3A_439 = tpu.vector_load %arg15[%swap3A_437, %swap3A_438] {strides = array<i32>} : memref<128x128xf32, #tpu.memory_space<vmem>>, vector<1x16xf32>,
      %swap3A_440 = vector.shape_cast %swap3A_439 : vector<1x16xf32> to vector<16xf32>
      %swap3A_441 = vector.shape_cast %add3A_436 : vector<16xf32> to vector<1x16xf32>
      tpu.vector_store %arg15[%swap3A_437, %swap3A_438], %swap3A_441 {strides = array<i32>} : memref<128x128xf32, #tpu.memory_space<vmem>>, vector<1x16xf32>,
      %get3A_442 = arith.index_cast %add3A_373 : i32 to index
      %get3A_443 = arith.constant 80 : index
      %get3A_444 = tpu.vector_load %arg11[%get3A_442, %get3A_443] {strides = array<i32>} : memref<128x128xf32, #tpu.memory_space<vmem>>, vector<1x16xf32>,
      %get3A_445 = vector.shape_cast %get3A_444 : vector<1x16xf32> to vector<16xf32>
      %get3A_446 = arith.index_cast %add3A_373 : i32 to index
      %get3A_447 = arith.constant 80 : index
      %get3A_448 = tpu.vector_load %arg13[%get3A_446, %get3A_447] {strides = array<i32>} : memref<128x128xf32, #tpu.memory_space<vmem>>, vector<1x16xf32>,
      %get3A_449 = vector.shape_cast %get3A_448 : vector<1x16xf32> to vector<16xf32>
      %add3A_450 = arith.addf %get3A_445, %get3A_449 : vector<16xf32>
      %swap3A_451 = arith.index_cast %add3A_373 : i32 to index
      %swap3A_452 = arith.constant 80 : index
      %swap3A_453 = tpu.vector_load %arg15[%swap3A_451, %swap3A_452] {strides = array<i32>} : memref<128x128xf32, #tpu.memory_space<vmem>>, vector<1x16xf32>,
      %swap3A_454 = vector.shape_cast %swap3A_453 : vector<1x16xf32> to vector<16xf32>
      %swap3A_455 = vector.shape_cast %add3A_450 : vector<16xf32> to vector<1x16xf32>
      tpu.vector_store %arg15[%swap3A_451, %swap3A_452], %swap3A_455 {strides = array<i32>} : memref<128x128xf32, #tpu.memory_space<vmem>>, vector<1x16xf32>,
      %get3A_456 = arith.index_cast %add3A_373 : i32 to index
      %get3A_457 = arith.constant 96 : index
      %get3A_458 = tpu.vector_load %arg11[%get3A_456, %get3A_457] {strides = array<i32>} : memref<128x128xf32, #tpu.memory_space<vmem>>, vector<1x16xf32>,
      %get3A_459 = vector.shape_cast %get3A_458 : vector<1x16xf32> to vector<16xf32>
      %get3A_460 = arith.index_cast %add3A_373 : i32 to index
      %get3A_461 = arith.constant 96 : index
      %get3A_462 = tpu.vector_load %arg13[%get3A_460, %get3A_461] {strides = array<i32>} : memref<128x128xf32, #tpu.memory_space<vmem>>, vector<1x16xf32>,
      %get3A_463 = vector.shape_cast %get3A_462 : vector<1x16xf32> to vector<16xf32>
      %add3A_464 = arith.addf %get3A_459, %get3A_463 : vector<16xf32>
      %swap3A_465 = arith.index_cast %add3A_373 : i32 to index
      %swap3A_466 = arith.constant 96 : index
      %swap3A_467 = tpu.vector_load %arg15[%swap3A_465, %swap3A_466] {strides = array<i32>} : memref<128x128xf32, #tpu.memory_space<vmem>>, vector<1x16xf32>,
      %swap3A_468 = vector.shape_cast %swap3A_467 : vector<1x16xf32> to vector<16xf32>
      %swap3A_469 = vector.shape_cast %add3A_464 : vector<16xf32> to vector<1x16xf32>
      tpu.vector_store %arg15[%swap3A_465, %swap3A_466], %swap3A_469 {strides = array<i32>} : memref<128x128xf32, #tpu.memory_space<vmem>>, vector<1x16xf32>,
      %get3A_470 = arith.index_cast %add3A_373 : i32 to index
      %get3A_471 = arith.constant 112 : index
      %get3A_472 = tpu.vector_load %arg11[%get3A_470, %get3A_471] {strides = array<i32>} : memref<128x128xf32, #tpu.memory_space<vmem>>, vector<1x16xf32>,
      %get3A_473 = vector.shape_cast %get3A_472 : vector<1x16xf32> to vector<16xf32>
      %get3A_474 = arith.index_cast %add3A_373 : i32 to index
      %get3A_475 = arith.constant 112 : index
      %get3A_476 = tpu.vector_load %arg13[%get3A_474, %get3A_475] {strides = array<i32>} : memref<128x128xf32, #tpu.memory_space<vmem>>, vector<1x16xf32>,
      %get3A_477 = vector.shape_cast %get3A_476 : vector<1x16xf32> to vector<16xf32>
      %add3A_478 = arith.addf %get3A_473, %get3A_477 : vector<16xf32>
      %swap3A_479 = arith.index_cast %add3A_373 : i32 to index
      %swap3A_480 = arith.constant 112 : index
      %swap3A_481 = tpu.vector_load %arg15[%swap3A_479, %swap3A_480] {strides = array<i32>} : memref<128x128xf32, #tpu.memory_space<vmem>>, vector<1x16xf32>,
      %swap3A_482 = vector.shape_cast %swap3A_481 : vector<1x16xf32> to vector<16xf32>
      %swap3A_483 = vector.shape_cast %add3A_478 : vector<16xf32> to vector<1x16xf32>
      tpu.vector_store %arg15[%swap3A_479, %swap3A_480], %swap3A_483 {strides = array<i32>} : memref<128x128xf32, #tpu.memory_space<vmem>>, vector<1x16xf32>,
    }
    %scan3A_219 = arith.constant 64 : i32
    %add3A_220 = arith.constant 2 : i32
    %add3A_221 = arith.addi %mul3A_2, %add3A_220 : i32
    %mul3A_222 = arith.constant 128 : i32
    %mul3A_223 = arith.muli %add3A_221, %mul3A_222 : i32
    %dma_start3A_224 = arith.constant 0 : i32
    %dma_start3A_225 = arith.constant 0 : i32
    %dma_start3A_226 = tpu.memref_slice %arg15[%dma_start3A_224, %dma_start3A_225] : memref<128x128xf32, #tpu.memory_space<vmem>> -> memref<64x128xf32, #tpu.memory_space<vmem>>
    %dma_start3A_227 = arith.constant 0 : i32
    %dma_start3A_228 = tpu.memref_slice %arg6[%mul3A_223, %dma_start3A_227] : memref<16384x128xf32, #tpu.memory_space<hbm>> -> memref<64x128xf32, #tpu.memory_space<hbm>>
    %dma_start3A_229 = arith.constant 0 : i32
    %dma_start3A_230 = tpu.memref_slice %arg6[%mul3A_223, %dma_start3A_229] : memref<16384x128xf32, #tpu.memory_space<hbm>> -> memref<64x128xf32, #tpu.memory_space<hbm>>
    %dma_start3A_231 = arith.constant 0 : i32
    %dma_start3A_232 = arith.constant 0 : i32
    %dma_start3A_233 = tpu.memref_slice %arg15[%dma_start3A_231, %dma_start3A_232] : memref<128x128xf32, #tpu.memory_space<vmem>> -> memref<64x128xf32, #tpu.memory_space<vmem>>
    tpu.enqueue_dma source(%dma_start3A_233 : memref<64x128xf32, #tpu.memory_space<vmem>>) target(%dma_start3A_230 : memref<64x128xf32, #tpu.memory_space<hbm>>) target_semaphore(%arg19 : memref<!tpu.dma_semaphore, #tpu.memory_space<semaphore_mem>>)
    %scan3A_234 = arith.constant 0 : i32
    %scan3A_235 = arith.constant 64 : i32
    %scan3A_236 = arith.addi %scan3A_234, %scan3A_235 : i32
    %scan3A_237 = arith.constant 1 : i32
    scf.for %scan3A_369 = %scan3A_234 to %scan3A_236 step %scan3A_237  : i32 {
      %mul3A_370 = arith.constant 1 : i32
      %mul3A_371 = arith.muli %scan3A_369, %mul3A_370 : i32
      %add3A_372 = arith.constant 64 : i32
      %add3A_373 = arith.addi %add3A_372, %mul3A_371 : i32
      %get3A = arith.index_cast %add3A_373 : i32 to index
      %get3A_374 = arith.constant 0 : index
      %get3A_375 = tpu.vector_load %arg11[%get3A, %get3A_374] {strides = array<i32>} : memref<128x128xf32, #tpu.memory_space<vmem>>, vector<1x16xf32>,
      %get3A_376 = vector.shape_cast %get3A_375 : vector<1x16xf32> to vector<16xf32>
      %get3A_377 = arith.index_cast %add3A_373 : i32 to index
      %get3A_378 = arith.constant 0 : index
      %get3A_379 = tpu.vector_load %arg13[%get3A_377, %get3A_378] {strides = array<i32>} : memref<128x128xf32, #tpu.memory_space<vmem>>, vector<1x16xf32>,
      %get3A_380 = vector.shape_cast %get3A_379 : vector<1x16xf32> to vector<16xf32>
      %add3A_381 = arith.addf %get3A_376, %get3A_380 : vector<16xf32>
      %swap3A = arith.index_cast %add3A_373 : i32 to index
      %swap3A_382 = arith.constant 0 : index
      %swap3A_383 = tpu.vector_load %arg15[%swap3A, %swap3A_382] {strides = array<i32>} : memref<128x128xf32, #tpu.memory_space<vmem>>, vector<1x16xf32>,
      %swap3A_384 = vector.shape_cast %swap3A_383 : vector<1x16xf32> to vector<16xf32>
      %swap3A_385 = vector.shape_cast %add3A_381 : vector<16xf32> to vector<1x16xf32>
      tpu.vector_store %arg15[%swap3A, %swap3A_382], %swap3A_385 {strides = array<i32>} : memref<128x128xf32, #tpu.memory_space<vmem>>, vector<1x16xf32>,
      %get3A_386 = arith.index_cast %add3A_373 : i32 to index
      %get3A_387 = arith.constant 16 : index
      %get3A_388 = tpu.vector_load %arg11[%get3A_386, %get3A_387] {strides = array<i32>} : memref<128x128xf32, #tpu.memory_space<vmem>>, vector<1x16xf32>,
      %get3A_389 = vector.shape_cast %get3A_388 : vector<1x16xf32> to vector<16xf32>
      %get3A_390 = arith.index_cast %add3A_373 : i32 to index
      %get3A_391 = arith.constant 16 : index
      %get3A_392 = tpu.vector_load %arg13[%get3A_390, %get3A_391] {strides = array<i32>} : memref<128x128xf32, #tpu.memory_space<vmem>>, vector<1x16xf32>,
      %get3A_393 = vector.shape_cast %get3A_392 : vector<1x16xf32> to vector<16xf32>
      %add3A_394 = arith.addf %get3A_389, %get3A_393 : vector<16xf32>
      %swap3A_395 = arith.index_cast %add3A_373 : i32 to index
      %swap3A_396 = arith.constant 16 : index
      %swap3A_397 = tpu.vector_load %arg15[%swap3A_395, %swap3A_396] {strides = array<i32>} : memref<128x128xf32, #tpu.memory_space<vmem>>, vector<1x16xf32>,
      %swap3A_398 = vector.shape_cast %swap3A_397 : vector<1x16xf32> to vector<16xf32>
      %swap3A_399 = vector.shape_cast %add3A_394 : vector<16xf32> to vector<1x16xf32>
      tpu.vector_store %arg15[%swap3A_395, %swap3A_396], %swap3A_399 {strides = array<i32>} : memref<128x128xf32, #tpu.memory_space<vmem>>, vector<1x16xf32>,
      %get3A_400 = arith.index_cast %add3A_373 : i32 to index
      %get3A_401 = arith.constant 32 : index
      %get3A_402 = tpu.vector_load %arg11[%get3A_400, %get3A_401] {strides = array<i32>} : memref<128x128xf32, #tpu.memory_space<vmem>>, vector<1x16xf32>,
      %get3A_403 = vector.shape_cast %get3A_402 : vector<1x16xf32> to vector<16xf32>
      %get3A_404 = arith.index_cast %add3A_373 : i32 to index
      %get3A_405 = arith.constant 32 : index
      %get3A_406 = tpu.vector_load %arg13[%get3A_404, %get3A_405] {strides = array<i32>} : memref<128x128xf32, #tpu.memory_space<vmem>>, vector<1x16xf32>,
      %get3A_407 = vector.shape_cast %get3A_406 : vector<1x16xf32> to vector<16xf32>
      %add3A_408 = arith.addf %get3A_403, %get3A_407 : vector<16xf32>
      %swap3A_409 = arith.index_cast %add3A_373 : i32 to index
      %swap3A_410 = arith.constant 32 : index
      %swap3A_411 = tpu.vector_load %arg15[%swap3A_409, %swap3A_410] {strides = array<i32>} : memref<128x128xf32, #tpu.memory_space<vmem>>, vector<1x16xf32>,
      %swap3A_412 = vector.shape_cast %swap3A_411 : vector<1x16xf32> to vector<16xf32>
      %swap3A_413 = vector.shape_cast %add3A_408 : vector<16xf32> to vector<1x16xf32>
      tpu.vector_store %arg15[%swap3A_409, %swap3A_410], %swap3A_413 {strides = array<i32>} : memref<128x128xf32, #tpu.memory_space<vmem>>, vector<1x16xf32>,
      %get3A_414 = arith.index_cast %add3A_373 : i32 to index
      %get3A_415 = arith.constant 48 : index
      %get3A_416 = tpu.vector_load %arg11[%get3A_414, %get3A_415] {strides = array<i32>} : memref<128x128xf32, #tpu.memory_space<vmem>>, vector<1x16xf32>,
      %get3A_417 = vector.shape_cast %get3A_416 : vector<1x16xf32> to vector<16xf32>
      %get3A_418 = arith.index_cast %add3A_373 : i32 to index
      %get3A_419 = arith.constant 48 : index
      %get3A_420 = tpu.vector_load %arg13[%get3A_418, %get3A_419] {strides = array<i32>} : memref<128x128xf32, #tpu.memory_space<vmem>>, vector<1x16xf32>,
      %get3A_421 = vector.shape_cast %get3A_420 : vector<1x16xf32> to vector<16xf32>
      %add3A_422 = arith.addf %get3A_417, %get3A_421 : vector<16xf32>
      %swap3A_423 = arith.index_cast %add3A_373 : i32 to index
      %swap3A_424 = arith.constant 48 : index
      %swap3A_425 = tpu.vector_load %arg15[%swap3A_423, %swap3A_424] {strides = array<i32>} : memref<128x128xf32, #tpu.memory_space<vmem>>, vector<1x16xf32>,
      %swap3A_426 = vector.shape_cast %swap3A_425 : vector<1x16xf32> to vector<16xf32>
      %swap3A_427 = vector.shape_cast %add3A_422 : vector<16xf32> to vector<1x16xf32>
      tpu.vector_store %arg15[%swap3A_423, %swap3A_424], %swap3A_427 {strides = array<i32>} : memref<128x128xf32, #tpu.memory_space<vmem>>, vector<1x16xf32>,
      %get3A_428 = arith.index_cast %add3A_373 : i32 to index
      %get3A_429 = arith.constant 64 : index
      %get3A_430 = tpu.vector_load %arg11[%get3A_428, %get3A_429] {strides = array<i32>} : memref<128x128xf32, #tpu.memory_space<vmem>>, vector<1x16xf32>,
      %get3A_431 = vector.shape_cast %get3A_430 : vector<1x16xf32> to vector<16xf32>
      %get3A_432 = arith.index_cast %add3A_373 : i32 to index
      %get3A_433 = arith.constant 64 : index
      %get3A_434 = tpu.vector_load %arg13[%get3A_432, %get3A_433] {strides = array<i32>} : memref<128x128xf32, #tpu.memory_space<vmem>>, vector<1x16xf32>,
      %get3A_435 = vector.shape_cast %get3A_434 : vector<1x16xf32> to vector<16xf32>
      %add3A_436 = arith.addf %get3A_431, %get3A_435 : vector<16xf32>
      %swap3A_437 = arith.index_cast %add3A_373 : i32 to index
      %swap3A_438 = arith.constant 64 : index
      %swap3A_439 = tpu.vector_load %arg15[%swap3A_437, %swap3A_438] {strides = array<i32>} : memref<128x128xf32, #tpu.memory_space<vmem>>, vector<1x16xf32>,
      %swap3A_440 = vector.shape_cast %swap3A_439 : vector<1x16xf32> to vector<16xf32>
      %swap3A_441 = vector.shape_cast %add3A_436 : vector<16xf32> to vector<1x16xf32>
      tpu.vector_store %arg15[%swap3A_437, %swap3A_438], %swap3A_441 {strides = array<i32>} : memref<128x128xf32, #tpu.memory_space<vmem>>, vector<1x16xf32>,
      %get3A_442 = arith.index_cast %add3A_373 : i32 to index
      %get3A_443 = arith.constant 80 : index
      %get3A_444 = tpu.vector_load %arg11[%get3A_442, %get3A_443] {strides = array<i32>} : memref<128x128xf32, #tpu.memory_space<vmem>>, vector<1x16xf32>,
      %get3A_445 = vector.shape_cast %get3A_444 : vector<1x16xf32> to vector<16xf32>
      %get3A_446 = arith.index_cast %add3A_373 : i32 to index
      %get3A_447 = arith.constant 80 : index
      %get3A_448 = tpu.vector_load %arg13[%get3A_446, %get3A_447] {strides = array<i32>} : memref<128x128xf32, #tpu.memory_space<vmem>>, vector<1x16xf32>,
      %get3A_449 = vector.shape_cast %get3A_448 : vector<1x16xf32> to vector<16xf32>
      %add3A_450 = arith.addf %get3A_445, %get3A_449 : vector<16xf32>
      %swap3A_451 = arith.index_cast %add3A_373 : i32 to index
      %swap3A_452 = arith.constant 80 : index
      %swap3A_453 = tpu.vector_load %arg15[%swap3A_451, %swap3A_452] {strides = array<i32>} : memref<128x128xf32, #tpu.memory_space<vmem>>, vector<1x16xf32>,
      %swap3A_454 = vector.shape_cast %swap3A_453 : vector<1x16xf32> to vector<16xf32>
      %swap3A_455 = vector.shape_cast %add3A_450 : vector<16xf32> to vector<1x16xf32>
      tpu.vector_store %arg15[%swap3A_451, %swap3A_452], %swap3A_455 {strides = array<i32>} : memref<128x128xf32, #tpu.memory_space<vmem>>, vector<1x16xf32>,
      %get3A_456 = arith.index_cast %add3A_373 : i32 to index
      %get3A_457 = arith.constant 96 : index
      %get3A_458 = tpu.vector_load %arg11[%get3A_456, %get3A_457] {strides = array<i32>} : memref<128x128xf32, #tpu.memory_space<vmem>>, vector<1x16xf32>,
      %get3A_459 = vector.shape_cast %get3A_458 : vector<1x16xf32> to vector<16xf32>
      %get3A_460 = arith.index_cast %add3A_373 : i32 to index
      %get3A_461 = arith.constant 96 : index
      %get3A_462 = tpu.vector_load %arg13[%get3A_460, %get3A_461] {strides = array<i32>} : memref<128x128xf32, #tpu.memory_space<vmem>>, vector<1x16xf32>,
      %get3A_463 = vector.shape_cast %get3A_462 : vector<1x16xf32> to vector<16xf32>
      %add3A_464 = arith.addf %get3A_459, %get3A_463 : vector<16xf32>
      %swap3A_465 = arith.index_cast %add3A_373 : i32 to index
      %swap3A_466 = arith.constant 96 : index
      %swap3A_467 = tpu.vector_load %arg15[%swap3A_465, %swap3A_466] {strides = array<i32>} : memref<128x128xf32, #tpu.memory_space<vmem>>, vector<1x16xf32>,
      %swap3A_468 = vector.shape_cast %swap3A_467 : vector<1x16xf32> to vector<16xf32>
      %swap3A_469 = vector.shape_cast %add3A_464 : vector<16xf32> to vector<1x16xf32>
      tpu.vector_store %arg15[%swap3A_465, %swap3A_466], %swap3A_469 {strides = array<i32>} : memref<128x128xf32, #tpu.memory_space<vmem>>, vector<1x16xf32>,
      %get3A_470 = arith.index_cast %add3A_373 : i32 to index
      %get3A_471 = arith.constant 112 : index
      %get3A_472 = tpu.vector_load %arg11[%get3A_470, %get3A_471] {strides = array<i32>} : memref<128x128xf32, #tpu.memory_space<vmem>>, vector<1x16xf32>,
      %get3A_473 = vector.shape_cast %get3A_472 : vector<1x16xf32> to vector<16xf32>
      %get3A_474 = arith.index_cast %add3A_373 : i32 to index
      %get3A_475 = arith.constant 112 : index
      %get3A_476 = tpu.vector_load %arg13[%get3A_474, %get3A_475] {strides = array<i32>} : memref<128x128xf32, #tpu.memory_space<vmem>>, vector<1x16xf32>,
      %get3A_477 = vector.shape_cast %get3A_476 : vector<1x16xf32> to vector<16xf32>
      %add3A_478 = arith.addf %get3A_473, %get3A_477 : vector<16xf32>
      %swap3A_479 = arith.index_cast %add3A_373 : i32 to index
      %swap3A_480 = arith.constant 112 : index
      %swap3A_481 = tpu.vector_load %arg15[%swap3A_479, %swap3A_480] {strides = array<i32>} : memref<128x128xf32, #tpu.memory_space<vmem>>, vector<1x16xf32>,
      %swap3A_482 = vector.shape_cast %swap3A_481 : vector<1x16xf32> to vector<16xf32>
      %swap3A_483 = vector.shape_cast %add3A_478 : vector<16xf32> to vector<1x16xf32>
      tpu.vector_store %arg15[%swap3A_479, %swap3A_480], %swap3A_483 {strides = array<i32>} : memref<128x128xf32, #tpu.memory_space<vmem>>, vector<1x16xf32>,
    }
    %scan3A_238 = arith.constant 64 : i32
    %add3A_239 = arith.constant 2 : i32
    %add3A_240 = arith.addi %mul3A_2, %add3A_239 : i32
    %mul3A_241 = arith.constant 128 : i32
    %mul3A_242 = arith.muli %add3A_240, %mul3A_241 : i32
    %add3A_243 = arith.constant 64 : i32
    %add3A_244 = arith.addi %mul3A_242, %add3A_243 : i32
    %dma_start3A_245 = arith.constant 64 : i32
    %dma_start3A_246 = arith.constant 0 : i32
    %dma_start3A_247 = tpu.memref_slice %arg15[%dma_start3A_245, %dma_start3A_246] : memref<128x128xf32, #tpu.memory_space<vmem>> -> memref<64x128xf32, #tpu.memory_space<vmem>>
    %dma_start3A_248 = arith.constant 0 : i32
    %dma_start3A_249 = tpu.memref_slice %arg6[%add3A_244, %dma_start3A_248] : memref<16384x128xf32, #tpu.memory_space<hbm>> -> memref<64x128xf32, #tpu.memory_space<hbm>>
    %dma_start3A_250 = arith.constant 0 : i32
    %dma_start3A_251 = tpu.memref_slice %arg6[%add3A_244, %dma_start3A_250] : memref<16384x128xf32, #tpu.memory_space<hbm>> -> memref<64x128xf32, #tpu.memory_space<hbm>>
    %dma_start3A_252 = arith.constant 64 : i32
    %dma_start3A_253 = arith.constant 0 : i32
    %dma_start3A_254 = tpu.memref_slice %arg15[%dma_start3A_252, %dma_start3A_253] : memref<128x128xf32, #tpu.memory_space<vmem>> -> memref<64x128xf32, #tpu.memory_space<vmem>>
    tpu.enqueue_dma source(%dma_start3A_254 : memref<64x128xf32, #tpu.memory_space<vmem>>) target(%dma_start3A_251 : memref<64x128xf32, #tpu.memory_space<hbm>>) target_semaphore(%arg19 : memref<!tpu.dma_semaphore, #tpu.memory_space<semaphore_mem>>)
    %dma_wait3A_255 = arith.constant 3 : i32
    %dma_wait3A_256 = arith.constant 0 : i32
    %dma_wait3A_257 = tpu.memref_slice %arg7[%dma_wait3A_255, %dma_wait3A_256] : memref<4x128xi32, #tpu.memory_space<vmem>> -> memref<1x128xi32, #tpu.memory_space<vmem>>
    %dma_wait3A_258 = tpu.memref_squeeze %dma_wait3A_257 : memref<1x128xi32, #tpu.memory_space<vmem>> -> memref<128xi32, #tpu.memory_space<vmem>>
    %dma_wait3A_259 = arith.constant 0 : i32
    %dma_wait3A_260 = arith.constant 0 : i32
    %dma_wait3A_261 = tpu.memref_slice %arg17[%dma_wait3A_259, %dma_wait3A_260] : memref<3072x128xf32, #tpu.memory_space<vmem_shared>> -> memref<3072x128xf32, #tpu.memory_space<vmem_shared>>
    tpu.wait_indirect_dma semaphore(%arg18 : memref<!tpu.dma_semaphore, #tpu.memory_space<semaphore_mem>>) src(%dma_wait3A_261 : memref<3072x128xf32, #tpu.memory_space<vmem_shared>>) dst(%arg12 : memref<128x128xf32, #tpu.memory_space<vmem>>)
    %dma_wait3A_262 = arith.constant 3 : i32
    %dma_wait3A_263 = arith.constant 0 : i32
    %dma_wait3A_264 = tpu.memref_slice %arg10[%dma_wait3A_262, %dma_wait3A_263] : memref<4x128xi32, #tpu.memory_space<vmem>> -> memref<1x128xi32, #tpu.memory_space<vmem>>
    %dma_wait3A_265 = tpu.memref_squeeze %dma_wait3A_264 : memref<1x128xi32, #tpu.memory_space<vmem>> -> memref<128xi32, #tpu.memory_space<vmem>>
    %dma_wait3A_266 = arith.constant 0 : i32
    %dma_wait3A_267 = arith.constant 0 : i32
    %dma_wait3A_268 = tpu.memref_slice %arg17[%dma_wait3A_266, %dma_wait3A_267] : memref<3072x128xf32, #tpu.memory_space<vmem_shared>> -> memref<3072x128xf32, #tpu.memory_space<vmem_shared>>
    tpu.wait_indirect_dma semaphore(%arg18 : memref<!tpu.dma_semaphore, #tpu.memory_space<semaphore_mem>>) src(%dma_wait3A_268 : memref<3072x128xf32, #tpu.memory_space<vmem_shared>>) dst(%arg14 : memref<128x128xf32, #tpu.memory_space<vmem>>)
    %dma_wait3A_269 = arith.constant 0 : i32
    %dma_wait3A_270 = arith.constant 0 : i32
    %dma_wait3A_271 = tpu.memref_slice %arg16[%dma_wait3A_269, %dma_wait3A_270] : memref<128x128xf32, #tpu.memory_space<vmem>> -> memref<64x128xf32, #tpu.memory_space<vmem>>
    %dma_wait3A_272 = arith.constant 0 : i32
    %dma_wait3A_273 = tpu.memref_slice %arg6[%mul3A_135, %dma_wait3A_272] : memref<16384x128xf32, #tpu.memory_space<hbm>> -> memref<64x128xf32, #tpu.memory_space<hbm>>
    %dma_wait3A_274 = arith.constant 0 : i32
    %dma_wait3A_275 = tpu.memref_slice %arg6[%mul3A_135, %dma_wait3A_274] : memref<16384x128xf32, #tpu.memory_space<hbm>> -> memref<64x128xf32, #tpu.memory_space<hbm>>
    %dma_wait3A_276 = arith.constant 0 : i32
    %dma_wait3A_277 = arith.constant 0 : i32
    %dma_wait3A_278 = tpu.memref_slice %arg16[%dma_wait3A_276, %dma_wait3A_277] : memref<128x128xf32, #tpu.memory_space<vmem>> -> memref<64x128xf32, #tpu.memory_space<vmem>>
    tpu.wait_dma2 semaphore(%arg19 : memref<!tpu.dma_semaphore, #tpu.memory_space<semaphore_mem>>) src(%dma_wait3A_278 : memref<64x128xf32, #tpu.memory_space<vmem>>) dst(%dma_wait3A_275 : memref<64x128xf32, #tpu.memory_space<hbm>>)
    %dma_wait3A_279 = arith.constant 64 : i32
    %dma_wait3A_280 = arith.constant 0 : i32
    %dma_wait3A_281 = tpu.memref_slice %arg16[%dma_wait3A_279, %dma_wait3A_280] : memref<128x128xf32, #tpu.memory_space<vmem>> -> memref<64x128xf32, #tpu.memory_space<vmem>>
    %dma_wait3A_282 = arith.constant 0 : i32
    %dma_wait3A_283 = tpu.memref_slice %arg6[%add3A_156, %dma_wait3A_282] : memref<16384x128xf32, #tpu.memory_space<hbm>> -> memref<64x128xf32, #tpu.memory_space<hbm>>
    %dma_wait3A_284 = arith.constant 0 : i32
    %dma_wait3A_285 = tpu.memref_slice %arg6[%add3A_156, %dma_wait3A_284] : memref<16384x128xf32, #tpu.memory_space<hbm>> -> memref<64x128xf32, #tpu.memory_space<hbm>>
    %dma_wait3A_286 = arith.constant 64 : i32
    %dma_wait3A_287 = arith.constant 0 : i32
    %dma_wait3A_288 = tpu.memref_slice %arg16[%dma_wait3A_286, %dma_wait3A_287] : memref<128x128xf32, #tpu.memory_space<vmem>> -> memref<64x128xf32, #tpu.memory_space<vmem>>
    tpu.wait_dma2 semaphore(%arg19 : memref<!tpu.dma_semaphore, #tpu.memory_space<semaphore_mem>>) src(%dma_wait3A_288 : memref<64x128xf32, #tpu.memory_space<vmem>>) dst(%dma_wait3A_285 : memref<64x128xf32, #tpu.memory_space<hbm>>)
    %scan3A_289 = arith.constant 0 : i32
    %scan3A_290 = arith.constant 64 : i32
    %scan3A_291 = arith.addi %scan3A_289, %scan3A_290 : i32
    %scan3A_292 = arith.constant 1 : i32
    scf.for %scan3A_369 = %scan3A_289 to %scan3A_291 step %scan3A_292  : i32 {
      %mul3A_370 = arith.constant 1 : i32
      %mul3A_371 = arith.muli %scan3A_369, %mul3A_370 : i32
      %add3A_372 = arith.constant 0 : i32
      %add3A_373 = arith.addi %add3A_372, %mul3A_371 : i32
      %get3A = arith.index_cast %add3A_373 : i32 to index
      %get3A_374 = arith.constant 0 : index
      %get3A_375 = tpu.vector_load %arg12[%get3A, %get3A_374] {strides = array<i32>} : memref<128x128xf32, #tpu.memory_space<vmem>>, vector<1x16xf32>,
      %get3A_376 = vector.shape_cast %get3A_375 : vector<1x16xf32> to vector<16xf32>
      %get3A_377 = arith.index_cast %add3A_373 : i32 to index
      %get3A_378 = arith.constant 0 : index
      %get3A_379 = tpu.vector_load %arg14[%get3A_377, %get3A_378] {strides = array<i32>} : memref<128x128xf32, #tpu.memory_space<vmem>>, vector<1x16xf32>,
      %get3A_380 = vector.shape_cast %get3A_379 : vector<1x16xf32> to vector<16xf32>
      %add3A_381 = arith.addf %get3A_376, %get3A_380 : vector<16xf32>
      %swap3A = arith.index_cast %add3A_373 : i32 to index
      %swap3A_382 = arith.constant 0 : index
      %swap3A_383 = tpu.vector_load %arg16[%swap3A, %swap3A_382] {strides = array<i32>} : memref<128x128xf32, #tpu.memory_space<vmem>>, vector<1x16xf32>,
      %swap3A_384 = vector.shape_cast %swap3A_383 : vector<1x16xf32> to vector<16xf32>
      %swap3A_385 = vector.shape_cast %add3A_381 : vector<16xf32> to vector<1x16xf32>
      tpu.vector_store %arg16[%swap3A, %swap3A_382], %swap3A_385 {strides = array<i32>} : memref<128x128xf32, #tpu.memory_space<vmem>>, vector<1x16xf32>,
      %get3A_386 = arith.index_cast %add3A_373 : i32 to index
      %get3A_387 = arith.constant 16 : index
      %get3A_388 = tpu.vector_load %arg12[%get3A_386, %get3A_387] {strides = array<i32>} : memref<128x128xf32, #tpu.memory_space<vmem>>, vector<1x16xf32>,
      %get3A_389 = vector.shape_cast %get3A_388 : vector<1x16xf32> to vector<16xf32>
      %get3A_390 = arith.index_cast %add3A_373 : i32 to index
      %get3A_391 = arith.constant 16 : index
      %get3A_392 = tpu.vector_load %arg14[%get3A_390, %get3A_391] {strides = array<i32>} : memref<128x128xf32, #tpu.memory_space<vmem>>, vector<1x16xf32>,
      %get3A_393 = vector.shape_cast %get3A_392 : vector<1x16xf32> to vector<16xf32>
      %add3A_394 = arith.addf %get3A_389, %get3A_393 : vector<16xf32>
      %swap3A_395 = arith.index_cast %add3A_373 : i32 to index
      %swap3A_396 = arith.constant 16 : index
      %swap3A_397 = tpu.vector_load %arg16[%swap3A_395, %swap3A_396] {strides = array<i32>} : memref<128x128xf32, #tpu.memory_space<vmem>>, vector<1x16xf32>,
      %swap3A_398 = vector.shape_cast %swap3A_397 : vector<1x16xf32> to vector<16xf32>
      %swap3A_399 = vector.shape_cast %add3A_394 : vector<16xf32> to vector<1x16xf32>
      tpu.vector_store %arg16[%swap3A_395, %swap3A_396], %swap3A_399 {strides = array<i32>} : memref<128x128xf32, #tpu.memory_space<vmem>>, vector<1x16xf32>,
      %get3A_400 = arith.index_cast %add3A_373 : i32 to index
      %get3A_401 = arith.constant 32 : index
      %get3A_402 = tpu.vector_load %arg12[%get3A_400, %get3A_401] {strides = array<i32>} : memref<128x128xf32, #tpu.memory_space<vmem>>, vector<1x16xf32>,
      %get3A_403 = vector.shape_cast %get3A_402 : vector<1x16xf32> to vector<16xf32>
      %get3A_404 = arith.index_cast %add3A_373 : i32 to index
      %get3A_405 = arith.constant 32 : index
      %get3A_406 = tpu.vector_load %arg14[%get3A_404, %get3A_405] {strides = array<i32>} : memref<128x128xf32, #tpu.memory_space<vmem>>, vector<1x16xf32>,
      %get3A_407 = vector.shape_cast %get3A_406 : vector<1x16xf32> to vector<16xf32>
      %add3A_408 = arith.addf %get3A_403, %get3A_407 : vector<16xf32>
      %swap3A_409 = arith.index_cast %add3A_373 : i32 to index
      %swap3A_410 = arith.constant 32 : index
      %swap3A_411 = tpu.vector_load %arg16[%swap3A_409, %swap3A_410] {strides = array<i32>} : memref<128x128xf32, #tpu.memory_space<vmem>>, vector<1x16xf32>,
      %swap3A_412 = vector.shape_cast %swap3A_411 : vector<1x16xf32> to vector<16xf32>
      %swap3A_413 = vector.shape_cast %add3A_408 : vector<16xf32> to vector<1x16xf32>
      tpu.vector_store %arg16[%swap3A_409, %swap3A_410], %swap3A_413 {strides = array<i32>} : memref<128x128xf32, #tpu.memory_space<vmem>>, vector<1x16xf32>,
      %get3A_414 = arith.index_cast %add3A_373 : i32 to index
      %get3A_415 = arith.constant 48 : index
      %get3A_416 = tpu.vector_load %arg12[%get3A_414, %get3A_415] {strides = array<i32>} : memref<128x128xf32, #tpu.memory_space<vmem>>, vector<1x16xf32>,
      %get3A_417 = vector.shape_cast %get3A_416 : vector<1x16xf32> to vector<16xf32>
      %get3A_418 = arith.index_cast %add3A_373 : i32 to index
      %get3A_419 = arith.constant 48 : index
      %get3A_420 = tpu.vector_load %arg14[%get3A_418, %get3A_419] {strides = array<i32>} : memref<128x128xf32, #tpu.memory_space<vmem>>, vector<1x16xf32>,
      %get3A_421 = vector.shape_cast %get3A_420 : vector<1x16xf32> to vector<16xf32>
      %add3A_422 = arith.addf %get3A_417, %get3A_421 : vector<16xf32>
      %swap3A_423 = arith.index_cast %add3A_373 : i32 to index
      %swap3A_424 = arith.constant 48 : index
      %swap3A_425 = tpu.vector_load %arg16[%swap3A_423, %swap3A_424] {strides = array<i32>} : memref<128x128xf32, #tpu.memory_space<vmem>>, vector<1x16xf32>,
      %swap3A_426 = vector.shape_cast %swap3A_425 : vector<1x16xf32> to vector<16xf32>
      %swap3A_427 = vector.shape_cast %add3A_422 : vector<16xf32> to vector<1x16xf32>
      tpu.vector_store %arg16[%swap3A_423, %swap3A_424], %swap3A_427 {strides = array<i32>} : memref<128x128xf32, #tpu.memory_space<vmem>>, vector<1x16xf32>,
      %get3A_428 = arith.index_cast %add3A_373 : i32 to index
      %get3A_429 = arith.constant 64 : index
      %get3A_430 = tpu.vector_load %arg12[%get3A_428, %get3A_429] {strides = array<i32>} : memref<128x128xf32, #tpu.memory_space<vmem>>, vector<1x16xf32>,
      %get3A_431 = vector.shape_cast %get3A_430 : vector<1x16xf32> to vector<16xf32>
      %get3A_432 = arith.index_cast %add3A_373 : i32 to index
      %get3A_433 = arith.constant 64 : index
      %get3A_434 = tpu.vector_load %arg14[%get3A_432, %get3A_433] {strides = array<i32>} : memref<128x128xf32, #tpu.memory_space<vmem>>, vector<1x16xf32>,
      %get3A_435 = vector.shape_cast %get3A_434 : vector<1x16xf32> to vector<16xf32>
      %add3A_436 = arith.addf %get3A_431, %get3A_435 : vector<16xf32>
      %swap3A_437 = arith.index_cast %add3A_373 : i32 to index
      %swap3A_438 = arith.constant 64 : index
      %swap3A_439 = tpu.vector_load %arg16[%swap3A_437, %swap3A_438] {strides = array<i32>} : memref<128x128xf32, #tpu.memory_space<vmem>>, vector<1x16xf32>,
      %swap3A_440 = vector.shape_cast %swap3A_439 : vector<1x16xf32> to vector<16xf32>
      %swap3A_441 = vector.shape_cast %add3A_436 : vector<16xf32> to vector<1x16xf32>
      tpu.vector_store %arg16[%swap3A_437, %swap3A_438], %swap3A_441 {strides = array<i32>} : memref<128x128xf32, #tpu.memory_space<vmem>>, vector<1x16xf32>,
      %get3A_442 = arith.index_cast %add3A_373 : i32 to index
      %get3A_443 = arith.constant 80 : index
      %get3A_444 = tpu.vector_load %arg12[%get3A_442, %get3A_443] {strides = array<i32>} : memref<128x128xf32, #tpu.memory_space<vmem>>, vector<1x16xf32>,
      %get3A_445 = vector.shape_cast %get3A_444 : vector<1x16xf32> to vector<16xf32>
      %get3A_446 = arith.index_cast %add3A_373 : i32 to index
      %get3A_447 = arith.constant 80 : index
      %get3A_448 = tpu.vector_load %arg14[%get3A_446, %get3A_447] {strides = array<i32>} : memref<128x128xf32, #tpu.memory_space<vmem>>, vector<1x16xf32>,
      %get3A_449 = vector.shape_cast %get3A_448 : vector<1x16xf32> to vector<16xf32>
      %add3A_450 = arith.addf %get3A_445, %get3A_449 : vector<16xf32>
      %swap3A_451 = arith.index_cast %add3A_373 : i32 to index
      %swap3A_452 = arith.constant 80 : index
      %swap3A_453 = tpu.vector_load %arg16[%swap3A_451, %swap3A_452] {strides = array<i32>} : memref<128x128xf32, #tpu.memory_space<vmem>>, vector<1x16xf32>,
      %swap3A_454 = vector.shape_cast %swap3A_453 : vector<1x16xf32> to vector<16xf32>
      %swap3A_455 = vector.shape_cast %add3A_450 : vector<16xf32> to vector<1x16xf32>
      tpu.vector_store %arg16[%swap3A_451, %swap3A_452], %swap3A_455 {strides = array<i32>} : memref<128x128xf32, #tpu.memory_space<vmem>>, vector<1x16xf32>,
      %get3A_456 = arith.index_cast %add3A_373 : i32 to index
      %get3A_457 = arith.constant 96 : index
      %get3A_458 = tpu.vector_load %arg12[%get3A_456, %get3A_457] {strides = array<i32>} : memref<128x128xf32, #tpu.memory_space<vmem>>, vector<1x16xf32>,
      %get3A_459 = vector.shape_cast %get3A_458 : vector<1x16xf32> to vector<16xf32>
      %get3A_460 = arith.index_cast %add3A_373 : i32 to index
      %get3A_461 = arith.constant 96 : index
      %get3A_462 = tpu.vector_load %arg14[%get3A_460, %get3A_461] {strides = array<i32>} : memref<128x128xf32, #tpu.memory_space<vmem>>, vector<1x16xf32>,
      %get3A_463 = vector.shape_cast %get3A_462 : vector<1x16xf32> to vector<16xf32>
      %add3A_464 = arith.addf %get3A_459, %get3A_463 : vector<16xf32>
      %swap3A_465 = arith.index_cast %add3A_373 : i32 to index
      %swap3A_466 = arith.constant 96 : index
      %swap3A_467 = tpu.vector_load %arg16[%swap3A_465, %swap3A_466] {strides = array<i32>} : memref<128x128xf32, #tpu.memory_space<vmem>>, vector<1x16xf32>,
      %swap3A_468 = vector.shape_cast %swap3A_467 : vector<1x16xf32> to vector<16xf32>
      %swap3A_469 = vector.shape_cast %add3A_464 : vector<16xf32> to vector<1x16xf32>
      tpu.vector_store %arg16[%swap3A_465, %swap3A_466], %swap3A_469 {strides = array<i32>} : memref<128x128xf32, #tpu.memory_space<vmem>>, vector<1x16xf32>,
      %get3A_470 = arith.index_cast %add3A_373 : i32 to index
      %get3A_471 = arith.constant 112 : index
      %get3A_472 = tpu.vector_load %arg12[%get3A_470, %get3A_471] {strides = array<i32>} : memref<128x128xf32, #tpu.memory_space<vmem>>, vector<1x16xf32>,
      %get3A_473 = vector.shape_cast %get3A_472 : vector<1x16xf32> to vector<16xf32>
      %get3A_474 = arith.index_cast %add3A_373 : i32 to index
      %get3A_475 = arith.constant 112 : index
      %get3A_476 = tpu.vector_load %arg14[%get3A_474, %get3A_475] {strides = array<i32>} : memref<128x128xf32, #tpu.memory_space<vmem>>, vector<1x16xf32>,
      %get3A_477 = vector.shape_cast %get3A_476 : vector<1x16xf32> to vector<16xf32>
      %add3A_478 = arith.addf %get3A_473, %get3A_477 : vector<16xf32>
      %swap3A_479 = arith.index_cast %add3A_373 : i32 to index
      %swap3A_480 = arith.constant 112 : index
      %swap3A_481 = tpu.vector_load %arg16[%swap3A_479, %swap3A_480] {strides = array<i32>} : memref<128x128xf32, #tpu.memory_space<vmem>>, vector<1x16xf32>,
      %swap3A_482 = vector.shape_cast %swap3A_481 : vector<1x16xf32> to vector<16xf32>
      %swap3A_483 = vector.shape_cast %add3A_478 : vector<16xf32> to vector<1x16xf32>
      tpu.vector_store %arg16[%swap3A_479, %swap3A_480], %swap3A_483 {strides = array<i32>} : memref<128x128xf32, #tpu.memory_space<vmem>>, vector<1x16xf32>,
    }
    %scan3A_293 = arith.constant 64 : i32
    %add3A_294 = arith.constant 3 : i32
    %add3A_295 = arith.addi %mul3A_2, %add3A_294 : i32
    %mul3A_296 = arith.constant 128 : i32
    %mul3A_297 = arith.muli %add3A_295, %mul3A_296 : i32
    %dma_start3A_298 = arith.constant 0 : i32
    %dma_start3A_299 = arith.constant 0 : i32
    %dma_start3A_300 = tpu.memref_slice %arg16[%dma_start3A_298, %dma_start3A_299] : memref<128x128xf32, #tpu.memory_space<vmem>> -> memref<64x128xf32, #tpu.memory_space<vmem>>
    %dma_start3A_301 = arith.constant 0 : i32
    %dma_start3A_302 = tpu.memref_slice %arg6[%mul3A_297, %dma_start3A_301] : memref<16384x128xf32, #tpu.memory_space<hbm>> -> memref<64x128xf32, #tpu.memory_space<hbm>>
    %dma_start3A_303 = arith.constant 0 : i32
    %dma_start3A_304 = tpu.memref_slice %arg6[%mul3A_297, %dma_start3A_303] : memref<16384x128xf32, #tpu.memory_space<hbm>> -> memref<64x128xf32, #tpu.memory_space<hbm>>
    %dma_start3A_305 = arith.constant 0 : i32
    %dma_start3A_306 = arith.constant 0 : i32
    %dma_start3A_307 = tpu.memref_slice %arg16[%dma_start3A_305, %dma_start3A_306] : memref<128x128xf32, #tpu.memory_space<vmem>> -> memref<64x128xf32, #tpu.memory_space<vmem>>
    tpu.enqueue_dma source(%dma_start3A_307 : memref<64x128xf32, #tpu.memory_space<vmem>>) target(%dma_start3A_304 : memref<64x128xf32, #tpu.memory_space<hbm>>) target_semaphore(%arg19 : memref<!tpu.dma_semaphore, #tpu.memory_space<semaphore_mem>>)
    %scan3A_308 = arith.constant 0 : i32
    %scan3A_309 = arith.constant 64 : i32
    %scan3A_310 = arith.addi %scan3A_308, %scan3A_309 : i32
    %scan3A_311 = arith.constant 1 : i32
    scf.for %scan3A_369 = %scan3A_308 to %scan3A_310 step %scan3A_311  : i32 {
      %mul3A_370 = arith.constant 1 : i32
      %mul3A_371 = arith.muli %scan3A_369, %mul3A_370 : i32
      %add3A_372 = arith.constant 64 : i32
      %add3A_373 = arith.addi %add3A_372, %mul3A_371 : i32
      %get3A = arith.index_cast %add3A_373 : i32 to index
      %get3A_374 = arith.constant 0 : index
      %get3A_375 = tpu.vector_load %arg12[%get3A, %get3A_374] {strides = array<i32>} : memref<128x128xf32, #tpu.memory_space<vmem>>, vector<1x16xf32>,
      %get3A_376 = vector.shape_cast %get3A_375 : vector<1x16xf32> to vector<16xf32>
      %get3A_377 = arith.index_cast %add3A_373 : i32 to index
      %get3A_378 = arith.constant 0 : index
      %get3A_379 = tpu.vector_load %arg14[%get3A_377, %get3A_378] {strides = array<i32>} : memref<128x128xf32, #tpu.memory_space<vmem>>, vector<1x16xf32>,
      %get3A_380 = vector.shape_cast %get3A_379 : vector<1x16xf32> to vector<16xf32>
      %add3A_381 = arith.addf %get3A_376, %get3A_380 : vector<16xf32>
      %swap3A = arith.index_cast %add3A_373 : i32 to index
      %swap3A_382 = arith.constant 0 : index
      %swap3A_383 = tpu.vector_load %arg16[%swap3A, %swap3A_382] {strides = array<i32>} : memref<128x128xf32, #tpu.memory_space<vmem>>, vector<1x16xf32>,
      %swap3A_384 = vector.shape_cast %swap3A_383 : vector<1x16xf32> to vector<16xf32>
      %swap3A_385 = vector.shape_cast %add3A_381 : vector<16xf32> to vector<1x16xf32>
      tpu.vector_store %arg16[%swap3A, %swap3A_382], %swap3A_385 {strides = array<i32>} : memref<128x128xf32, #tpu.memory_space<vmem>>, vector<1x16xf32>,
      %get3A_386 = arith.index_cast %add3A_373 : i32 to index
      %get3A_387 = arith.constant 16 : index
      %get3A_388 = tpu.vector_load %arg12[%get3A_386, %get3A_387] {strides = array<i32>} : memref<128x128xf32, #tpu.memory_space<vmem>>, vector<1x16xf32>,
      %get3A_389 = vector.shape_cast %get3A_388 : vector<1x16xf32> to vector<16xf32>
      %get3A_390 = arith.index_cast %add3A_373 : i32 to index
      %get3A_391 = arith.constant 16 : index
      %get3A_392 = tpu.vector_load %arg14[%get3A_390, %get3A_391] {strides = array<i32>} : memref<128x128xf32, #tpu.memory_space<vmem>>, vector<1x16xf32>,
      %get3A_393 = vector.shape_cast %get3A_392 : vector<1x16xf32> to vector<16xf32>
      %add3A_394 = arith.addf %get3A_389, %get3A_393 : vector<16xf32>
      %swap3A_395 = arith.index_cast %add3A_373 : i32 to index
      %swap3A_396 = arith.constant 16 : index
      %swap3A_397 = tpu.vector_load %arg16[%swap3A_395, %swap3A_396] {strides = array<i32>} : memref<128x128xf32, #tpu.memory_space<vmem>>, vector<1x16xf32>,
      %swap3A_398 = vector.shape_cast %swap3A_397 : vector<1x16xf32> to vector<16xf32>
      %swap3A_399 = vector.shape_cast %add3A_394 : vector<16xf32> to vector<1x16xf32>
      tpu.vector_store %arg16[%swap3A_395, %swap3A_396], %swap3A_399 {strides = array<i32>} : memref<128x128xf32, #tpu.memory_space<vmem>>, vector<1x16xf32>,
      %get3A_400 = arith.index_cast %add3A_373 : i32 to index
      %get3A_401 = arith.constant 32 : index
      %get3A_402 = tpu.vector_load %arg12[%get3A_400, %get3A_401] {strides = array<i32>} : memref<128x128xf32, #tpu.memory_space<vmem>>, vector<1x16xf32>,
      %get3A_403 = vector.shape_cast %get3A_402 : vector<1x16xf32> to vector<16xf32>
      %get3A_404 = arith.index_cast %add3A_373 : i32 to index
      %get3A_405 = arith.constant 32 : index
      %get3A_406 = tpu.vector_load %arg14[%get3A_404, %get3A_405] {strides = array<i32>} : memref<128x128xf32, #tpu.memory_space<vmem>>, vector<1x16xf32>,
      %get3A_407 = vector.shape_cast %get3A_406 : vector<1x16xf32> to vector<16xf32>
      %add3A_408 = arith.addf %get3A_403, %get3A_407 : vector<16xf32>
      %swap3A_409 = arith.index_cast %add3A_373 : i32 to index
      %swap3A_410 = arith.constant 32 : index
      %swap3A_411 = tpu.vector_load %arg16[%swap3A_409, %swap3A_410] {strides = array<i32>} : memref<128x128xf32, #tpu.memory_space<vmem>>, vector<1x16xf32>,
      %swap3A_412 = vector.shape_cast %swap3A_411 : vector<1x16xf32> to vector<16xf32>
      %swap3A_413 = vector.shape_cast %add3A_408 : vector<16xf32> to vector<1x16xf32>
      tpu.vector_store %arg16[%swap3A_409, %swap3A_410], %swap3A_413 {strides = array<i32>} : memref<128x128xf32, #tpu.memory_space<vmem>>, vector<1x16xf32>,
      %get3A_414 = arith.index_cast %add3A_373 : i32 to index
      %get3A_415 = arith.constant 48 : index
      %get3A_416 = tpu.vector_load %arg12[%get3A_414, %get3A_415] {strides = array<i32>} : memref<128x128xf32, #tpu.memory_space<vmem>>, vector<1x16xf32>,
      %get3A_417 = vector.shape_cast %get3A_416 : vector<1x16xf32> to vector<16xf32>
      %get3A_418 = arith.index_cast %add3A_373 : i32 to index
      %get3A_419 = arith.constant 48 : index
      %get3A_420 = tpu.vector_load %arg14[%get3A_418, %get3A_419] {strides = array<i32>} : memref<128x128xf32, #tpu.memory_space<vmem>>, vector<1x16xf32>,
      %get3A_421 = vector.shape_cast %get3A_420 : vector<1x16xf32> to vector<16xf32>
      %add3A_422 = arith.addf %get3A_417, %get3A_421 : vector<16xf32>
      %swap3A_423 = arith.index_cast %add3A_373 : i32 to index
      %swap3A_424 = arith.constant 48 : index
      %swap3A_425 = tpu.vector_load %arg16[%swap3A_423, %swap3A_424] {strides = array<i32>} : memref<128x128xf32, #tpu.memory_space<vmem>>, vector<1x16xf32>,
      %swap3A_426 = vector.shape_cast %swap3A_425 : vector<1x16xf32> to vector<16xf32>
      %swap3A_427 = vector.shape_cast %add3A_422 : vector<16xf32> to vector<1x16xf32>
      tpu.vector_store %arg16[%swap3A_423, %swap3A_424], %swap3A_427 {strides = array<i32>} : memref<128x128xf32, #tpu.memory_space<vmem>>, vector<1x16xf32>,
      %get3A_428 = arith.index_cast %add3A_373 : i32 to index
      %get3A_429 = arith.constant 64 : index
      %get3A_430 = tpu.vector_load %arg12[%get3A_428, %get3A_429] {strides = array<i32>} : memref<128x128xf32, #tpu.memory_space<vmem>>, vector<1x16xf32>,
      %get3A_431 = vector.shape_cast %get3A_430 : vector<1x16xf32> to vector<16xf32>
      %get3A_432 = arith.index_cast %add3A_373 : i32 to index
      %get3A_433 = arith.constant 64 : index
      %get3A_434 = tpu.vector_load %arg14[%get3A_432, %get3A_433] {strides = array<i32>} : memref<128x128xf32, #tpu.memory_space<vmem>>, vector<1x16xf32>,
      %get3A_435 = vector.shape_cast %get3A_434 : vector<1x16xf32> to vector<16xf32>
      %add3A_436 = arith.addf %get3A_431, %get3A_435 : vector<16xf32>
      %swap3A_437 = arith.index_cast %add3A_373 : i32 to index
      %swap3A_438 = arith.constant 64 : index
      %swap3A_439 = tpu.vector_load %arg16[%swap3A_437, %swap3A_438] {strides = array<i32>} : memref<128x128xf32, #tpu.memory_space<vmem>>, vector<1x16xf32>,
      %swap3A_440 = vector.shape_cast %swap3A_439 : vector<1x16xf32> to vector<16xf32>
      %swap3A_441 = vector.shape_cast %add3A_436 : vector<16xf32> to vector<1x16xf32>
      tpu.vector_store %arg16[%swap3A_437, %swap3A_438], %swap3A_441 {strides = array<i32>} : memref<128x128xf32, #tpu.memory_space<vmem>>, vector<1x16xf32>,
      %get3A_442 = arith.index_cast %add3A_373 : i32 to index
      %get3A_443 = arith.constant 80 : index
      %get3A_444 = tpu.vector_load %arg12[%get3A_442, %get3A_443] {strides = array<i32>} : memref<128x128xf32, #tpu.memory_space<vmem>>, vector<1x16xf32>,
      %get3A_445 = vector.shape_cast %get3A_444 : vector<1x16xf32> to vector<16xf32>
      %get3A_446 = arith.index_cast %add3A_373 : i32 to index
      %get3A_447 = arith.constant 80 : index
      %get3A_448 = tpu.vector_load %arg14[%get3A_446, %get3A_447] {strides = array<i32>} : memref<128x128xf32, #tpu.memory_space<vmem>>, vector<1x16xf32>,
      %get3A_449 = vector.shape_cast %get3A_448 : vector<1x16xf32> to vector<16xf32>
      %add3A_450 = arith.addf %get3A_445, %get3A_449 : vector<16xf32>
      %swap3A_451 = arith.index_cast %add3A_373 : i32 to index
      %swap3A_452 = arith.constant 80 : index
      %swap3A_453 = tpu.vector_load %arg16[%swap3A_451, %swap3A_452] {strides = array<i32>} : memref<128x128xf32, #tpu.memory_space<vmem>>, vector<1x16xf32>,
      %swap3A_454 = vector.shape_cast %swap3A_453 : vector<1x16xf32> to vector<16xf32>
      %swap3A_455 = vector.shape_cast %add3A_450 : vector<16xf32> to vector<1x16xf32>
      tpu.vector_store %arg16[%swap3A_451, %swap3A_452], %swap3A_455 {strides = array<i32>} : memref<128x128xf32, #tpu.memory_space<vmem>>, vector<1x16xf32>,
      %get3A_456 = arith.index_cast %add3A_373 : i32 to index
      %get3A_457 = arith.constant 96 : index
      %get3A_458 = tpu.vector_load %arg12[%get3A_456, %get3A_457] {strides = array<i32>} : memref<128x128xf32, #tpu.memory_space<vmem>>, vector<1x16xf32>,
      %get3A_459 = vector.shape_cast %get3A_458 : vector<1x16xf32> to vector<16xf32>
      %get3A_460 = arith.index_cast %add3A_373 : i32 to index
      %get3A_461 = arith.constant 96 : index
      %get3A_462 = tpu.vector_load %arg14[%get3A_460, %get3A_461] {strides = array<i32>} : memref<128x128xf32, #tpu.memory_space<vmem>>, vector<1x16xf32>,
      %get3A_463 = vector.shape_cast %get3A_462 : vector<1x16xf32> to vector<16xf32>
      %add3A_464 = arith.addf %get3A_459, %get3A_463 : vector<16xf32>
      %swap3A_465 = arith.index_cast %add3A_373 : i32 to index
      %swap3A_466 = arith.constant 96 : index
      %swap3A_467 = tpu.vector_load %arg16[%swap3A_465, %swap3A_466] {strides = array<i32>} : memref<128x128xf32, #tpu.memory_space<vmem>>, vector<1x16xf32>,
      %swap3A_468 = vector.shape_cast %swap3A_467 : vector<1x16xf32> to vector<16xf32>
      %swap3A_469 = vector.shape_cast %add3A_464 : vector<16xf32> to vector<1x16xf32>
      tpu.vector_store %arg16[%swap3A_465, %swap3A_466], %swap3A_469 {strides = array<i32>} : memref<128x128xf32, #tpu.memory_space<vmem>>, vector<1x16xf32>,
      %get3A_470 = arith.index_cast %add3A_373 : i32 to index
      %get3A_471 = arith.constant 112 : index
      %get3A_472 = tpu.vector_load %arg12[%get3A_470, %get3A_471] {strides = array<i32>} : memref<128x128xf32, #tpu.memory_space<vmem>>, vector<1x16xf32>,
      %get3A_473 = vector.shape_cast %get3A_472 : vector<1x16xf32> to vector<16xf32>
      %get3A_474 = arith.index_cast %add3A_373 : i32 to index
      %get3A_475 = arith.constant 112 : index
      %get3A_476 = tpu.vector_load %arg14[%get3A_474, %get3A_475] {strides = array<i32>} : memref<128x128xf32, #tpu.memory_space<vmem>>, vector<1x16xf32>,
      %get3A_477 = vector.shape_cast %get3A_476 : vector<1x16xf32> to vector<16xf32>
      %add3A_478 = arith.addf %get3A_473, %get3A_477 : vector<16xf32>
      %swap3A_479 = arith.index_cast %add3A_373 : i32 to index
      %swap3A_480 = arith.constant 112 : index
      %swap3A_481 = tpu.vector_load %arg16[%swap3A_479, %swap3A_480] {strides = array<i32>} : memref<128x128xf32, #tpu.memory_space<vmem>>, vector<1x16xf32>,
      %swap3A_482 = vector.shape_cast %swap3A_481 : vector<1x16xf32> to vector<16xf32>
      %swap3A_483 = vector.shape_cast %add3A_478 : vector<16xf32> to vector<1x16xf32>
      tpu.vector_store %arg16[%swap3A_479, %swap3A_480], %swap3A_483 {strides = array<i32>} : memref<128x128xf32, #tpu.memory_space<vmem>>, vector<1x16xf32>,
    }
    %scan3A_312 = arith.constant 64 : i32
    %add3A_313 = arith.constant 3 : i32
    %add3A_314 = arith.addi %mul3A_2, %add3A_313 : i32
    %mul3A_315 = arith.constant 128 : i32
    %mul3A_316 = arith.muli %add3A_314, %mul3A_315 : i32
    %add3A_317 = arith.constant 64 : i32
    %add3A_318 = arith.addi %mul3A_316, %add3A_317 : i32
    %dma_start3A_319 = arith.constant 64 : i32
    %dma_start3A_320 = arith.constant 0 : i32
    %dma_start3A_321 = tpu.memref_slice %arg16[%dma_start3A_319, %dma_start3A_320] : memref<128x128xf32, #tpu.memory_space<vmem>> -> memref<64x128xf32, #tpu.memory_space<vmem>>
    %dma_start3A_322 = arith.constant 0 : i32
    %dma_start3A_323 = tpu.memref_slice %arg6[%add3A_318, %dma_start3A_322] : memref<16384x128xf32, #tpu.memory_space<hbm>> -> memref<64x128xf32, #tpu.memory_space<hbm>>
    %dma_start3A_324 = arith.constant 0 : i32
    %dma_start3A_325 = tpu.memref_slice %arg6[%add3A_318, %dma_start3A_324] : memref<16384x128xf32, #tpu.memory_space<hbm>> -> memref<64x128xf32, #tpu.memory_space<hbm>>
    %dma_start3A_326 = arith.constant 64 : i32
    %dma_start3A_327 = arith.constant 0 : i32
    %dma_start3A_328 = tpu.memref_slice %arg16[%dma_start3A_326, %dma_start3A_327] : memref<128x128xf32, #tpu.memory_space<vmem>> -> memref<64x128xf32, #tpu.memory_space<vmem>>
    tpu.enqueue_dma source(%dma_start3A_328 : memref<64x128xf32, #tpu.memory_space<vmem>>) target(%dma_start3A_325 : memref<64x128xf32, #tpu.memory_space<hbm>>) target_semaphore(%arg19 : memref<!tpu.dma_semaphore, #tpu.memory_space<semaphore_mem>>)
    %dma_wait3A_329 = arith.constant 0 : i32
    %dma_wait3A_330 = arith.constant 0 : i32
    %dma_wait3A_331 = tpu.memref_slice %arg15[%dma_wait3A_329, %dma_wait3A_330] : memref<128x128xf32, #tpu.memory_space<vmem>> -> memref<64x128xf32, #tpu.memory_space<vmem>>
    %dma_wait3A_332 = arith.constant 0 : i32
    %dma_wait3A_333 = tpu.memref_slice %arg6[%mul3A_223, %dma_wait3A_332] : memref<16384x128xf32, #tpu.memory_space<hbm>> -> memref<64x128xf32, #tpu.memory_space<hbm>>
    %dma_wait3A_334 = arith.constant 0 : i32
    %dma_wait3A_335 = tpu.memref_slice %arg6[%mul3A_223, %dma_wait3A_334] : memref<16384x128xf32, #tpu.memory_space<hbm>> -> memref<64x128xf32, #tpu.memory_space<hbm>>
    %dma_wait3A_336 = arith.constant 0 : i32
    %dma_wait3A_337 = arith.constant 0 : i32
    %dma_wait3A_338 = tpu.memref_slice %arg15[%dma_wait3A_336, %dma_wait3A_337] : memref<128x128xf32, #tpu.memory_space<vmem>> -> memref<64x128xf32, #tpu.memory_space<vmem>>
    tpu.wait_dma2 semaphore(%arg19 : memref<!tpu.dma_semaphore, #tpu.memory_space<semaphore_mem>>) src(%dma_wait3A_338 : memref<64x128xf32, #tpu.memory_space<vmem>>) dst(%dma_wait3A_335 : memref<64x128xf32, #tpu.memory_space<hbm>>)
    %dma_wait3A_339 = arith.constant 64 : i32
    %dma_wait3A_340 = arith.constant 0 : i32
    %dma_wait3A_341 = tpu.memref_slice %arg15[%dma_wait3A_339, %dma_wait3A_340] : memref<128x128xf32, #tpu.memory_space<vmem>> -> memref<64x128xf32, #tpu.memory_space<vmem>>
    %dma_wait3A_342 = arith.constant 0 : i32
    %dma_wait3A_343 = tpu.memref_slice %arg6[%add3A_244, %dma_wait3A_342] : memref<16384x128xf32, #tpu.memory_space<hbm>> -> memref<64x128xf32, #tpu.memory_space<hbm>>
    %dma_wait3A_344 = arith.constant 0 : i32
    %dma_wait3A_345 = tpu.memref_slice %arg6[%add3A_244, %dma_wait3A_344] : memref<16384x128xf32, #tpu.memory_space<hbm>> -> memref<64x128xf32, #tpu.memory_space<hbm>>
    %dma_wait3A_346 = arith.constant 64 : i32
    %dma_wait3A_347 = arith.constant 0 : i32
    %dma_wait3A_348 = tpu.memref_slice %arg15[%dma_wait3A_346, %dma_wait3A_347] : memref<128x128xf32, #tpu.memory_space<vmem>> -> memref<64x128xf32, #tpu.memory_space<vmem>>
    tpu.wait_dma2 semaphore(%arg19 : memref<!tpu.dma_semaphore, #tpu.memory_space<semaphore_mem>>) src(%dma_wait3A_348 : memref<64x128xf32, #tpu.memory_space<vmem>>) dst(%dma_wait3A_345 : memref<64x128xf32, #tpu.memory_space<hbm>>)
    %dma_wait3A_349 = arith.constant 0 : i32
    %dma_wait3A_350 = arith.constant 0 : i32
    %dma_wait3A_351 = tpu.memref_slice %arg16[%dma_wait3A_349, %dma_wait3A_350] : memref<128x128xf32, #tpu.memory_space<vmem>> -> memref<64x128xf32, #tpu.memory_space<vmem>>
    %dma_wait3A_352 = arith.constant 0 : i32
    %dma_wait3A_353 = tpu.memref_slice %arg6[%mul3A_297, %dma_wait3A_352] : memref<16384x128xf32, #tpu.memory_space<hbm>> -> memref<64x128xf32, #tpu.memory_space<hbm>>
    %dma_wait3A_354 = arith.constant 0 : i32
    %dma_wait3A_355 = tpu.memref_slice %arg6[%mul3A_297, %dma_wait3A_354] : memref<16384x128xf32, #tpu.memory_space<hbm>> -> memref<64x128xf32, #tpu.memory_space<hbm>>
    %dma_wait3A_356 = arith.constant 0 : i32
    %dma_wait3A_357 = arith.constant 0 : i32
    %dma_wait3A_358 = tpu.memref_slice %arg16[%dma_wait3A_356, %dma_wait3A_357] : memref<128x128xf32, #tpu.memory_space<vmem>> -> memref<64x128xf32, #tpu.memory_space<vmem>>
    tpu.wait_dma2 semaphore(%arg19 : memref<!tpu.dma_semaphore, #tpu.memory_space<semaphore_mem>>) src(%dma_wait3A_358 : memref<64x128xf32, #tpu.memory_space<vmem>>) dst(%dma_wait3A_355 : memref<64x128xf32, #tpu.memory_space<hbm>>)
    %dma_wait3A_359 = arith.constant 64 : i32
    %dma_wait3A_360 = arith.constant 0 : i32
    %dma_wait3A_361 = tpu.memref_slice %arg16[%dma_wait3A_359, %dma_wait3A_360] : memref<128x128xf32, #tpu.memory_space<vmem>> -> memref<64x128xf32, #tpu.memory_space<vmem>>
    %dma_wait3A_362 = arith.constant 0 : i32
    %dma_wait3A_363 = tpu.memref_slice %arg6[%add3A_318, %dma_wait3A_362] : memref<16384x128xf32, #tpu.memory_space<hbm>> -> memref<64x128xf32, #tpu.memory_space<hbm>>
    %dma_wait3A_364 = arith.constant 0 : i32
    %dma_wait3A_365 = tpu.memref_slice %arg6[%add3A_318, %dma_wait3A_364] : memref<16384x128xf32, #tpu.memory_space<hbm>> -> memref<64x128xf32, #tpu.memory_space<hbm>>
    %dma_wait3A_366 = arith.constant 64 : i32
    %dma_wait3A_367 = arith.constant 0 : i32
    %dma_wait3A_368 = tpu.memref_slice %arg16[%dma_wait3A_366, %dma_wait3A_367] : memref<128x128xf32, #tpu.memory_space<vmem>> -> memref<64x128xf32, #tpu.memory_space<vmem>>
    tpu.wait_dma2 semaphore(%arg19 : memref<!tpu.dma_semaphore, #tpu.memory_space<semaphore_mem>>) src(%dma_wait3A_368 : memref<64x128xf32, #tpu.memory_space<vmem>>) dst(%dma_wait3A_365 : memref<64x128xf32, #tpu.memory_space<hbm>>)
    return
  }
}

</mosaic_0001>

<sc_bundles>
// kernel: kernel.3.cloned.1.call-start
scs
__scs_entry_jumppad:
0x0: {  	(pc) =	sbr.rel $0x88, $3  }
0x1: {  	(tag) =	ssettag $0x0;
	lr =	simm.s32 $0x1  }
0x2: {  	[smem:$0x3F9B] =	sst lr;
	_ =	strace $0xD0000000  }
0x3: {  	_ = 	snop  }
0x4: {  	_ = 	snop  }
0x5: {  	_ = 	snop  }
0x6: {  	_ = 	snop  }
0x7: {  	_ = 	snop  }
__scs_overlays_trampoline_lowered:
0x8: {  	[smem:$0x3FAA] =	sst s0  }
0x9: {  	[smem:$0x3FAB] =	sst s1  }
0xa: {  	[smem:$0x3FAC] =	sst s2  }
0xb: {  	[smem:$0x3FAD] =	sst s3  }
0xc: {  	[smem:$0x3FAE] =	sst s4  }
0xd: {  	[smem:$0x3FAF] =	sst s5  }
0xe: {  	[smem:$0x3FB0] =	sst s6  }
0xf: {  	[smem:$0x3FB1] =	sst s7  }
0x10: {  	[smem:$0x3FB2] =	sst s8  }
0x11: {  	[smem:$0x3FB3] =	sst s9;
	s0 =	simm.s32 @!p0 $0x0  }
0x12: {  	s1 =	sld [smem:$0x3F99];
	s0 =	simm.s32 @p0 $0x1  }
0x13: {  	[smem:$0x3FB4] =	sst s0;
	s0 =	simm.s32 @!p1 $0x0  }
0x14: {  	s2 =	sld [smem:$0x3F98];
	s0 =	simm.s32 @p1 $0x1  }
0x15: {  	[smem:$0x3FB5] =	sst s0;
	s0 =	simm.s32 @!p2 $0x0  }
0x16: {  	s3 =	sld [smem:$0x3FDB];
	s0 =	simm.s32 @p2 $0x1  }
0x17: {  	s4 =	simm.s32 $0x1BF5;
	[smem:$0x3FB7] =	sst s0  }
0x18: {  	s0 =	sld [smem:$0x3F9A];
	_ =	swait.ge [sflag:s4], $0x0  }
0x19: {  	s7 =	sld [smem:$0x3F9B]  }
0x1a: {  	s8 =	sadd.s32 $0xFFFFE003, lr  }
0x1b: {  	s9 =	sadd.s32 $0xFFFFFEF7, lr;
	s5 =	simm.s32 $0xFFFFFFFF;
	p2 =	slt.u32 s8, $0xFFFFF086  }
0x1c: {  	p1 =	slt.u32 s9, $0xF7A;
	s5 =	simm.s32 @!p2 $0x0  }
0x1d: {  	s5 =	simm.s32 @p1 $0x1;
	p0 =	seq.s32 s7, s2  }
0x1e: {  	s7 =	smul.u32 @!p0 $0xF7A, s2;
	p2 =	seq.s32 @!p0 s5, $0x0  }
0x1f: {  	s9 =	smul.u32 $0xF7A, s1;
	s8 =	simm.s32 @!p0 $0x1BF5;
	p2 =	por !p2, p0  }
0x20: {  	[sflag:s8] =	ssyncset.s32 @!p0 $0xFFFFF086;
	s6 =	sadd.s32 @!p0 s3, s7;
	s7 =	simm.s32 @!p0 $0x108  }
0x21: {  	s3 =	sadd.s32 s3, s9;
	s6 =	sadd.s32 @!p0 $0x88, s6;
	s7 =	simm.s32 @p2 $0x1082  }
0x22: {  	[simem:s7], [sflag:s8] =	dma.local @!p0 [hbm:s6], $0xF7A  }
0x23: {  	s9 =	sor.u32 $0xD0000000, s2;
	s6 =	simm.s32 $0x108;
	_ =	swait.ge @!p0 [sflag:s8], $0x0  }
0x24: {  	s3 =	sadd.s32 $0x88, s3;
	s6 =	simm.s32 @!p1 $0x1082;
	[sflag:s4] =	ssyncset.s32 $0xFFFFF086  }
0x25: {  	[simem:s6], [sflag:s4] =	dma.local [hbm:s3], $0xF7A  }
0x26: {  	[smem:$0x3F9B] =	sst s1;
	(tag) =	ssettag s2;
	_ =	strace s9  }
0x27: {  	s1 =	sld [smem:$0x3FAB]  }
0x28: {  	s2 =	sld [smem:$0x3FAC]  }
0x29: {  	s4 =	sld [smem:$0x3FAE]  }
0x2a: {  	p0 =	seq.s32 s5, $0x0;
	s5 =	sld [smem:$0x3FAF]  }
0x2b: {  	s6 =	sld [smem:$0x3FB0]  }
0x2c: {  	s7 =	sld [smem:$0x3FB1]  }
0x2d: {  	s3 =	simm.s32 $0x108;
	s8 =	sld [smem:$0x3FB2]  }
0x2e: {  	s3 =	simm.s32 @!p0 $0x1082;
	s9 =	sld [smem:$0x3FB3]  }
0x2f: {  	lr =	sadd.s32 s0, s3;
	s0 =	sld [smem:$0x3FAA]  }
0x30: {  	s3 =	sld [smem:$0x3FAD]  }
0x31: {  	[smem:$0x3FB6] =	sst s10  }
0x32: {  	s10 =	sld [smem:$0x3FB4];
	_ =	sdelay $0x3  }
0x33: {  	p0 =	seq.s32 s10, $0x1;
	s10 =	sld [smem:$0x3FB6];
	_ =	sdelay $0x3  }
0x34: {  	[smem:$0x3FB6] =	sst s10  }
0x35: {  	s10 =	sld [smem:$0x3FB5];
	_ =	sdelay $0x3  }
0x36: {  	p1 =	seq.s32 s10, $0x1;
	s10 =	sld [smem:$0x3FB6];
	_ =	sdelay $0x3  }
0x37: {  	[smem:$0x3FB6] =	sst s10  }
0x38: {  	s10 =	sld [smem:$0x3FB7]  }
0x39: {  	_ = 	snop;
	(pc) =	sbr.ind lr, $3  }
0x3a: {  	_ = 	snop  }
0x3b: {  	_ = 	snop  }
0x3c: {  	p2 =	seq.s32 s10, $0x1;
	s10 =	sld [smem:$0x3FB6]  }
0x3d: {  	_ =	shalt  }
0x3e: {  	_ =	shalt  }
0x3f: {  	_ =	shalt  }
0x40: {  	_ =	shalt  }
0x41: {  	_ =	shalt  }
0x42: {  	_ =	shalt  }
0x43: {  	_ =	shalt  }
0x44: {  	_ =	shalt  }
0x45: {  	_ =	shalt  }
0x46: {  	_ =	shalt  }
0x47: {  	_ =	shalt  }
0x48: {  	_ =	shalt  }
0x49: {  	_ =	shalt  }
0x4a: {  	_ =	shalt  }
0x4b: {  	_ =	shalt  }
0x4c: {  	_ =	shalt  }
0x4d: {  	_ =	shalt  }
0x4e: {  	_ =	shalt  }
0x4f: {  	_ =	shalt  }
0x50: {  	_ =	shalt  }
0x51: {  	_ =	shalt  }
0x52: {  	_ =	shalt  }
0x53: {  	_ =	shalt  }
0x54: {  	_ =	shalt  }
0x55: {  	_ =	shalt  }
0x56: {  	_ =	shalt  }
0x57: {  	_ =	shalt  }
0x58: {  	_ =	shalt  }
0x59: {  	_ =	shalt  }
0x5a: {  	_ =	shalt  }
0x5b: {  	_ =	shalt  }
0x5c: {  	_ =	shalt  }
0x5d: {  	_ =	shalt  }
0x5e: {  	_ =	shalt  }
0x5f: {  	_ =	shalt  }
0x60: {  	_ =	shalt  }
0x61: {  	_ =	shalt  }
0x62: {  	_ =	shalt  }
0x63: {  	_ =	shalt  }
0x64: {  	_ =	shalt  }
0x65: {  	_ =	shalt  }
0x66: {  	_ =	shalt  }
0x67: {  	_ =	shalt  }
0x68: {  	_ =	shalt  }
0x69: {  	_ =	shalt  }
0x6a: {  	_ =	shalt  }
0x6b: {  	_ =	shalt  }
0x6c: {  	_ =	shalt  }
0x6d: {  	_ =	shalt  }
0x6e: {  	_ =	shalt  }
0x6f: {  	_ =	shalt  }
0x70: {  	_ =	shalt  }
0x71: {  	_ =	shalt  }
0x72: {  	_ =	shalt  }
0x73: {  	_ =	shalt  }
0x74: {  	_ =	shalt  }
0x75: {  	_ =	shalt  }
0x76: {  	_ =	shalt  }
0x77: {  	_ =	shalt  }
0x78: {  	_ =	shalt  }
0x79: {  	_ =	shalt  }
0x7a: {  	_ =	shalt  }
0x7b: {  	_ =	shalt  }
0x7c: {  	_ =	shalt  }
0x7d: {  	_ =	shalt  }
0x7e: {  	_ =	shalt  }
0x7f: {  	_ =	shalt  }
0x80: {  	_ =	shalt  }
0x81: {  	_ =	shalt  }
0x82: {  	_ =	shalt  }
0x83: {  	_ =	shalt  }
0x84: {  	_ =	shalt  }
0x85: {  	_ =	shalt  }
0x86: {  	_ =	shalt  }
0x87: {  	_ =	shalt  }
.Lfunc_end0:
.L_simem_size_0:
called_computation_lowered:
.L_overlay_start_0:
0x88: {  	s2 =	sld [smem:$0x3FD9]  }
0x89: {  	s3 =	sld [smem:$0x3FFE];
	_ =	sdelay $0x1  }
0x8a: {  	s1 =	srdreg.scid  }
0x8b: {  	s0 =	sand.u32 $0x1, s1  }
0x8c: {  	s17 =	sshll.u32 s0, $0xA;
	s2 =	sadd.s32 s3, s2  }
0x8d: {  	s2 =	sadd.s32 s2, s17  }
0x8e: {  	[smem:$0x3FC2] =	sst s2  }
0x8f: {  	_ = 	snop  }
0x90: {  	s2 =	sld [smem:$0x3FC9]  }
0x91: {  	s18 =	sld [smem:$0x3FC8]  }
0x92: {  	s4 =	sld [smem:$0x3FC7]  }
0x93: {  	s5 =	sld [smem:$0x3FD0];
	(tm) =	ssettm $0x1  }
0x94: {  	s6 =	sld [smem:$0x3FFB];
	_ =	sdelay $0x3  }
0x95: {  	_ =	strace s6  }
0x96: {  	s6 =	sld [smem:$0x3FFC];
	_ =	sdelay $0x3  }
0x97: {  	_ =	strace s6  }
0x98: {  	s6 =	sld [smem:$0x3FFD];
	_ =	sdelay $0x3  }
0x99: {  	_ =	strace s6  }
0x9a: {  	_ =	strace $0x8FFFFFFF  }
0x9b: {  	s19 =	sld [smem:$0x3FDB];
	_ =	sdelay $0x1  }
0x9c: {  	s7 =	simm.s32 $_scs_section_size  }
0x9d: {  	s8 =	simm.s32 $_size__tile_overlayer_lowered;
	s9 =	simm.s32 $_tile_overlayer_lowered  }
0x9e: {  	s22 =	simm.s32 $0x1BFF;
	s21 =	sshll.u32 s9, $0x1;
	s6 =	sadd.s32 s7, s19  }
0x9f: {  	s10 =	simm.s32 $0x0;
	s20 =	sshll.u32 s8, $0x1;
	s8 =	sadd.s32 s21, s6  }
0xa0: {  	[timem:s10], [sflag:s22] =	dma.local [hbm:s8], s20  }
0xa1: {  	_ =	swait.ge [sflag:s22], s20  }
0xa2: {  	s7 =	ssub.s32 $0x0, s20;
	[sflag:s22] =	ssyncset.done $0x0  }
0xa3: {  	[sflag:s22] =	ssyncadd.s32 s7;
	_ =	sdelay $0x1  }
0xa4: {  	s23 =	simm.s32 $0x1B8B  }
0xa5: {  	_ =	swait.ge [sflag:s23], $0x1  }
0xa6: {  	[sflag:s23] =	ssyncset.done $0x0  }
0xa7: {  	s25 =	simm.s32 $0x1B8E;
	s24 =	sld [smem:$0x3FFE];
	[sflag:s23] =	ssyncadd.s32 $0xFFFFFFFF  }
0xa8: {  	s26 =	simm.s32 $execute0_lowered;
	[smem:$0x3FD2] =	sst s25  }
0xa9: {  	s8 =	sshll.u32 s26, $0x1;
	_ =	strace $0x80000046;
	[dreg:$0x1] =	wrdreg $0xFFFFFFFF  }
0xaa: {  	s28 =	simm.s32 $_size_execute0_lowered;
	s6 =	sadd.s32 s6, s8;
	[dreg:$0x0] =	wrdreg $0x0  }
0xab: {  	s8 =	sshll.u32 s28, $0x1;
	[dreg:$0x2] =	wrdreg s6  }
0xac: {  	[dreg:$0x3] =	wrdreg s8  }
0xad: {  	[dreg:$0x4] =	wrdreg $0xC0  }
0xae: {  	_ =	task [dreg:s10], $0x5FFFF  }
0xaf: {  	[dreg:$0x1] =	wrdreg $0xFFFFFFFF  }
0xb0: {  	[dreg:$0x0] =	wrdreg $0x60  }
0xb1: {  	[dreg:$0x2] =	wrdreg s2  }
0xb2: {  	[dreg:$0x3] =	wrdreg s18  }
0xb3: {  	[dreg:$0x4] =	wrdreg s4  }
0xb4: {  	[dreg:$0x5] =	wrdreg s24  }
0xb5: {  	[dreg:$0x6] =	wrdreg s5  }
0xb6: {  	[dreg:$0x7] =	wrdreg $0x188000  }
0xb7: {  	[dreg:$0x8] =	wrdreg $0x9  }
0xb8: {  	_ =	task.clear_ibuf [dreg:s10], $0x9FFFF;
	_ =	strace $0x90000046  }
0xb9: {  	s29 =	simm.s32 $0x9;
	_ =	strace $0x80000048  }
0xba: {  	_ =	swait.ge [sflag:s29], $0x1  }
0xbb: {  	[sflag:s29] =	ssyncadd.s32 $0xFFFFFFFF  }
0xbc: {  	_ =	strace $0x90000048  }
0xbd: {  	_ =	sfence  }
0xbe: {  	s30 =	sld [smem:$0x0];
	_ =	sdelay $0x2  }
0xbf: {  	s31 =	sshll.u32 s1, $0xD;
	s1 =	sshrl.u32 s1, $0x2  }
0xc0: {  	s3 =	sand.u32 $0x4000, s31;
	s1 =	sadd.s32 s1, s30  }
0xc1: {  	s0 =	sor.u32 s3, s0;
	s1 =	sshll.u32 s1, $0x11  }
0xc2: {  	s0 =	sor.u32 s1, s0  }
0xc3: {  	s0 =	sadd.s32 $0x8F2B, s0  }
0xc4: {  	[sflag:s0] =	ssyncadd.remote.s32 $0x1  }
0xc5: {  	_ =	sfence.sel $0xFFFF  }
0xc6: {  	[dreg:$0x0] =	wrdreg $0xFFFFFFFF;
	(pc) =	sbr.abs _section_cstart, $3  }
0xc7: {  	[dreg:$0x1] =	wrdreg $0xFFFFFFFF  }
0xc8: {  	_ =	task.clear_ibuf [dreg:s10], $0x2FFFF;
	_ =	strace $0x9FFFFFFF  }
0xc9: {  	(tm) =	ssettm $0x7FFFFFFF  }
tec
execute0_lowered:
.L_overlay_start_1:
0x0: {  	(tag) =	ssettag $0x1  }
0x1: {  	s0 =	rddreg [dreg:$0x0]  }
0x2: {  	s1 =	rddreg [dreg:$0x1]  }
0x3: {  	s4 =	rddreg [dreg:$0x2]  }
0x4: {  	s5 =	rddreg [dreg:$0x3]  }
0x5: {  	s7 =	rddreg [dreg:$0x4]  }
0x6: {  	s2 =	rddreg [dreg:$0x5]  }
0x7: {  	s12 =	stileid.u32;
	s6 =	srdreg.scid;
	s3 =	simm.s32 $0x0  }
0x8: {  	s19 =	simm.s32 $0x4;
	s28 =	simm.s32 $0x4800;
	s30 =	simm.s32 $0xC800  }
0x9: {  	s31 =	simm.s32 $0x1;
	s29 =	simm.s32 $0x16800;
	s8 =	smul.u32 $0xC00, s12  }
0xa: {  	s6 =	sand.u32 $0x1, s6;
	[smem:$0x7FF] =	sst s3;
	s10 =	smul.u32 $0x18000, s12  }
0xb: {  	s21 =	sshll.u32 s12, $0x7;
	s23 =	sshll.u32 s12, $0xE;
	s24 =	sshll.u32 s12, $0x6  }
0xc: {  	s9 =	ssub.s32 $0x2, s6;
	_ =	strace $0x80000047;
	s22 =	sshll.u32 s6, $0x6  }
0xd: {  	s6 =	sshll.u32 s6, $0xD;
	s26 =	sor.u32 $0x1C03, s24;
	s11 =	sshrl.u32 s9, $0x1  }
0xe: {  	s5 =	sadd.s32 s8, s5;
	s20 =	sshrl.u32 s10, $0x2;
	s25 =	sor.u32 s6, s23  }
0xf: {  	[dreg:$0x8] =	wrdreg s26;
	s23 =	simm.s32 $0x80;
	s26 =	simm.s32 $0x8800  }
0x10: {  	s17 =	ssub.s32 s9, s11;
	s18 =	sadd.s32 s20, s2;
	s5 =	sadd.s32 $0x600, s5  }
0x11: {  	s7 =	sadd.s32 s7, s25;
	s25 =	simm.s32 $0x14800;
	s20 =	simm.s32 $0x2  }
0x12: {  	[dreg:$0x7] =	wrdreg s5;
	s5 =	sor.u32 s22, s21;
	s10 =	sadd.s32 $0x400, s7  }
0x13: {  	s11 =	sadd.s32 $0x800, s7;
	s12 =	sadd.s32 $0xC00, s7;
	s13 =	sadd.s32 $0x1000, s7  }
0x14: {  	s14 =	sadd.s32 $0x1400, s7;
	s15 =	sadd.s32 $0x1800, s7;
	s16 =	sadd.s32 $0x1C00, s7  }
0x15: {  	s17 =	smax.u32 s17, $0x1;
	s18 =	sshrl.u32 s18, $0x3;
	s22 =	simm.s32 $0x3  }
0x16: {  	s21 =	simm.s32 $0x0;
	s6 =	sadd.s32 s0, s5;
	s8 =	sadd.s32 s1, s5  }
0x17: {  	s9 =	sadd.s32 s4, s5;
	s0 =	simm.s32 $0x10800;
	s1 =	simm.s32 $0x12800  }
.LBB2_1:
0x18: {  	s4 =	rddreg [dreg:$0x7]  }
0x19: {  	s5 =	rddreg [dreg:$0x8]  }
0x1a: {  	[spmem:s18], [sflag:s5] =	dma.local [hbm:s4], $0xC00  }
0x1b: {  	[tilespmem:s3], [sflag:$0x4] =	stream.linear.gather [hbm4b:s6+s3], $0x200, $0x38;
	[tilespmem:$0x1E800] =	vst v63  }
0x1c: {  	_ =	swait.ge [sflag:s19], $0x200  }
0x1d: {  	[sflag:s19] =	ssyncset.done $0x0  }
0x1e: {  	s24 =	simm.s32 $0x200;
	[sflag:s19] =	ssyncadd.s32 $0xFFFFFE00  }
0x1f: {  	[tilespmem:s24], [sflag:$0x4] =	stream.linear.gather [hbm4b:s8+s3], $0x200, $0x38;
	[tilespmem:$0x1E800] =	vst v63  }
0x20: {  	_ =	swait.ge [sflag:s19], $0x200  }
0x21: {  	[sflag:s19] =	ssyncset.done $0x0  }
0x22: {  	s5 =	simm.s32 $0x400;
	[sflag:s19] =	ssyncadd.s32 $0xFFFFFE00  }
0x23: {  	[tilespmem:s5], [sflag:$0x4] =	stream.linear.gather [hbm4b:s9+s3], $0x200, $0x38;
	[tilespmem:$0x1E800] =	vst v63  }
0x24: {  	_ =	swait.ge [sflag:s19], $0x200  }
0x25: {  	[sflag:s19] =	ssyncset.done $0x0  }
0x26: {  	[sflag:s19] =	ssyncadd.s32 $0xFFFFFE00  }
0x27: {  	v0 =	vld [tilespmem:$0x400]  }
0x28: {  	v1 =	vld [tilespmem:$0x200]  }
0x29: {  	v2 =	vld [tilespmem:$0x410]  }
0x2a: {  	v3 =	vld [tilespmem:$0x210]  }
0x2b: {  	v4 =	vld [tilespmem:$0x420]  }
0x2c: {  	v5 =	vld [tilespmem:$0x220]  }
0x2d: {  	v6 =	vld [tilespmem:$0x430]  }
0x2e: {  	v7 =	vld [tilespmem:$0x230]  }
0x2f: {  	v8 =	vld [tilespmem:$0x440]  }
0x30: {  	v9 =	vld [tilespmem:$0x240]  }
0x31: {  	v10 =	vld [tilespmem:$0x450]  }
0x32: {  	v11 =	vld [tilespmem:$0x250]  }
0x33: {  	v12 =	vld [tilespmem:$0x460]  }
0x34: {  	v13 =	vld [tilespmem:$0x260]  }
0x35: {  	v14 =	vld [tilespmem:$0x470]  }
0x36: {  	v15 =	vld [tilespmem:$0x270]  }
0x37: {  	v16 =	vld [tilespmem:$0x480]  }
0x38: {  	v17 =	vld [tilespmem:$0x280]  }
0x39: {  	v18 =	vld [tilespmem:$0x490]  }
0x3a: {  	v19 =	vld [tilespmem:$0x290]  }
0x3b: {  	v20 =	vld [tilespmem:$0x4A0]  }
0x3c: {  	v21 =	vld [tilespmem:$0x2A0]  }
0x3d: {  	v22 =	vld [tilespmem:$0x4B0]  }
0x3e: {  	v23 =	vld [tilespmem:$0x2B0]  }
0x3f: {  	v24 =	vld [tilespmem:$0x4C0]  }
0x40: {  	v25 =	vld [tilespmem:$0x2C0]  }
0x41: {  	v26 =	vld [tilespmem:$0x4D0]  }
0x42: {  	v27 =	vld [tilespmem:$0x2D0]  }
0x43: {  	v28 =	vld [tilespmem:$0x4E0]  }
0x44: {  	v29 =	vld [tilespmem:$0x2E0]  }
0x45: {  	v30 =	vld [tilespmem:$0x4F0]  }
0x46: {  	v31 =	vld [tilespmem:$0x2F0]  }
0x47: {  	v32 =	vld [tilespmem:$0x500]  }
0x48: {  	v33 =	vld [tilespmem:$0x300]  }
0x49: {  	v34 =	vld [tilespmem:$0x510]  }
0x4a: {  	v35 =	vld [tilespmem:$0x310];
	v0 =	vmul.u32 $0x3E8, v0  }
0x4b: {  	v36 =	vld [tilespmem:$0x520];
	v2 =	vmul.u32 $0x3E8, v2  }
0x4c: {  	v45 =	vld [tilespmem:$0x340];
	v0 =	vadd.s32 v1, v0;
	v1 =	vmul.u32 $0x3E8, v4  }
0x4d: {  	v46 =	vld [tilespmem:$0x550];
	v2 =	vadd.s32 v3, v2;
	v3 =	vmul.u32 $0x3E8, v6;
	v0 =	vadd.s32 $0x3E8, v0  }
0x4e: {  	v47 =	vld [tilespmem:$0x350];
	[tilespmem:$0x600] =	vst v0;
	v0 =	vadd.s32 $0x3E8, v2;
	v1 =	vadd.s32 v5, v1;
	v2 =	vmul.u32 $0x3E8, v8  }
0x4f: {  	v48 =	vld [tilespmem:$0x560];
	[tilespmem:$0x610] =	vst v0;
	v0 =	vadd.s32 $0x3E8, v1;
	v1 =	vadd.s32 v7, v3;
	v3 =	vmul.u32 $0x3E8, v10  }
0x50: {  	v49 =	vld [tilespmem:$0x360];
	[tilespmem:$0x620] =	vst v0;
	v0 =	vadd.s32 $0x3E8, v1;
	v1 =	vadd.s32 v9, v2;
	v2 =	vmul.u32 $0x3E8, v12  }
0x51: {  	v50 =	vld [tilespmem:$0x570];
	[tilespmem:$0x630] =	vst v0;
	v0 =	vadd.s32 $0x3E8, v1;
	v1 =	vadd.s32 v11, v3;
	v3 =	vmul.u32 $0x3E8, v14  }
0x52: {  	v51 =	vld [tilespmem:$0x370];
	[tilespmem:$0x640] =	vst v0;
	v0 =	vadd.s32 $0x3E8, v1;
	v1 =	vadd.s32 v13, v2;
	v2 =	vmul.u32 $0x3E8, v16  }
0x53: {  	v52 =	vld [tilespmem:$0x580];
	[tilespmem:$0x650] =	vst v0;
	v0 =	vadd.s32 $0x3E8, v1;
	v1 =	vadd.s32 v15, v3;
	v3 =	vmul.u32 $0x3E8, v18  }
0x54: {  	v53 =	vld [tilespmem:$0x380];
	[tilespmem:$0x660] =	vst v0;
	v0 =	vadd.s32 $0x3E8, v1;
	v1 =	vadd.s32 v17, v2;
	v2 =	vmul.u32 $0x3E8, v20  }
0x55: {  	v54 =	vld [tilespmem:$0x590];
	[tilespmem:$0x670] =	vst v0;
	v0 =	vadd.s32 $0x3E8, v1;
	v1 =	vadd.s32 v19, v3;
	v3 =	vmul.u32 $0x3E8, v22  }
0x56: {  	v55 =	vld [tilespmem:$0x390];
	[tilespmem:$0x680] =	vst v0;
	v0 =	vadd.s32 $0x3E8, v1;
	v1 =	vadd.s32 v21, v2;
	v2 =	vmul.u32 $0x3E8, v24  }
0x57: {  	v4 =	vld [tilespmem:$0x320];
	[tilespmem:$0x690] =	vst v0;
	v0 =	vadd.s32 $0x3E8, v1;
	v1 =	vadd.s32 v23, v3;
	v3 =	vmul.u32 $0x3E8, v26  }
0x58: {  	v6 =	vld [tilespmem:$0x530];
	[tilespmem:$0x6A0] =	vst v0;
	v0 =	vadd.s32 $0x3E8, v1;
	v1 =	vadd.s32 v25, v2;
	v2 =	vmul.u32 $0x3E8, v28  }
0x59: {  	v7 =	vld [tilespmem:$0x540];
	[tilespmem:$0x6B0] =	vst v0;
	v0 =	vadd.s32 $0x3E8, v1;
	v1 =	vadd.s32 v27, v3;
	v3 =	vmul.u32 $0x3E8, v30  }
0x5a: {  	v5 =	vld [tilespmem:$0x330];
	[tilespmem:$0x6C0] =	vst v0;
	v0 =	vadd.s32 $0x3E8, v1;
	v1 =	vadd.s32 v29, v2;
	v2 =	vmul.u32 $0x3E8, v32  }
0x5b: {  	v56 =	vld [tilespmem:$0x5A0];
	[tilespmem:$0x6D0] =	vst v0;
	v0 =	vadd.s32 $0x3E8, v1;
	v1 =	vadd.s32 v31, v3;
	v3 =	vmul.u32 $0x3E8, v34  }
0x5c: {  	v57 =	vld [tilespmem:$0x3A0];
	[tilespmem:$0x6E0] =	vst v0;
	v0 =	vadd.s32 $0x3E8, v1;
	v1 =	vadd.s32 v33, v2;
	v2 =	vmul.u32 $0x3E8, v36  }
0x5d: {  	v58 =	vld [tilespmem:$0x5D0];
	[tilespmem:$0x6F0] =	vst v0;
	v0 =	vadd.s32 $0x3E8, v1;
	v1 =	vadd.s32 v35, v3;
	v3 =	vmul.u32 $0x3E8, v6  }
0x5e: {  	v59 =	vld [tilespmem:$0x3D0];
	[tilespmem:$0x700] =	vst v0;
	v0 =	vadd.s32 $0x3E8, v1;
	v1 =	vadd.s32 v4, v2;
	v2 =	vmul.u32 $0x3E8, v7  }
0x5f: {  	v60 =	vld [tilespmem:$0x5E0];
	[tilespmem:$0x710] =	vst v0;
	v0 =	vadd.s32 $0x3E8, v1;
	v1 =	vadd.s32 v5, v3;
	v3 =	vmul.u32 $0x3E8, v46  }
0x60: {  	v6 =	vld [tilespmem:$0x5B0];
	[tilespmem:$0x720] =	vst v0;
	v0 =	vadd.s32 $0x3E8, v1;
	v1 =	vadd.s32 v45, v2;
	v2 =	vmul.u32 $0x3E8, v48  }
0x61: {  	v5 =	vld [tilespmem:$0x5C0];
	[tilespmem:$0x730] =	vst v0;
	v0 =	vadd.s32 $0x3E8, v1;
	v1 =	vadd.s32 v47, v3;
	v3 =	vmul.u32 $0x3E8, v50  }
0x62: {  	v4 =	vld [tilespmem:$0x3B0];
	[tilespmem:$0x740] =	vst v0;
	v0 =	vadd.s32 $0x3E8, v1;
	v1 =	vadd.s32 v49, v2;
	v2 =	vmul.u32 $0x3E8, v52  }
0x63: {  	v7 =	vld [tilespmem:$0x3C0];
	[tilespmem:$0x750] =	vst v0;
	v0 =	vadd.s32 $0x3E8, v1;
	v1 =	vadd.s32 v51, v3;
	v3 =	vmul.u32 $0x3E8, v54  }
0x64: {  	v61 =	vld [tilespmem:$0x5F0];
	[tilespmem:$0x760] =	vst v0;
	v0 =	vadd.s32 $0x3E8, v1;
	v1 =	vadd.s32 v53, v2;
	v2 =	vmul.u32 $0x3E8, v56  }
0x65: {  	[tilespmem:$0x770] =	vst v0;
	v0 =	vadd.s32 $0x3E8, v1;
	v1 =	vadd.s32 v55, v3;
	v3 =	vmul.u32 $0x3E8, v6;
	v6 =	vld [tilespmem:$0x3E0]  }
0x66: {  	[tilespmem:$0x780] =	vst v0;
	v0 =	vadd.s32 $0x3E8, v1;
	v1 =	vadd.s32 v57, v2;
	v2 =	vmul.u32 $0x3E8, v5;
	v5 =	vld [tilespmem:$0x3F0]  }
0x67: {  	[tilespmem:$0x790] =	vst v0;
	v0 =	vadd.s32 v4, v3;
	v1 =	vadd.s32 $0x3E8, v1;
	v3 =	vmul.u32 $0x3E8, v58  }
0x68: {  	[tilespmem:$0x7A0] =	vst v1;
	v1 =	vadd.s32 v7, v2;
	v0 =	vadd.s32 $0x3E8, v0;
	v2 =	vmul.u32 $0x3E8, v60  }
0x69: {  	[tilespmem:$0x7B0] =	vst v0;
	v0 =	vadd.s32 $0x3E8, v1;
	v1 =	vadd.s32 v59, v3;
	v3 =	vmul.u32 $0x3E8, v61  }
0x6a: {  	[tilespmem:$0x7C0] =	vst v0;
	v0 =	vadd.s32 $0x3E8, v1;
	v1 =	vadd.s32 v6, v2  }
0x6b: {  	[tilespmem:$0x7D0] =	vst v0;
	v0 =	vadd.s32 $0x3E8, v1;
	v1 =	vadd.s32 v5, v3  }
0x6c: {  	[tilespmem:$0x7E0] =	vst v0;
	v0 =	vadd.s32 $0x3E8, v1  }
0x6d: {  	[tilespmem:$0x7F0] =	vst v0  }
0x6e: {  	_ =	swait.ge [sflag:s22], $0xC00  }
0x6f: {  	[sflag:s22] =	ssyncset.done $0x0  }
0x70: {  	[sflag:s22] =	ssyncadd.s32 $0xFFFFF400  }
0x71: {  	s24 =	simm.s32 $0x800;
	[bflag:$0x0] =	sbarrier.arrive $0xFFFF  }
0x72: {  	[tilespmem:s24], [sflag:$0x1] =	stream.indirect.gather [spmem:s2], $0x80, s3, s23, $0xb8;
	[tilespmem:$0x1E800] =	vst v63  }
0x73: {  	s5 =	simm.s32 $0x600  }
0x74: {  	[tilespmem:s26], [sflag:$0x1] =	stream.indirect.gather [spmem:s2], $0x80, s5, s23, $0xb8;
	[tilespmem:$0x1E800] =	vst v63  }
0x75: {  	_ = 	snop  }
0x76: {  	[tilespmem:s28], [sflag:$0x1] =	stream.indirect.gather [spmem:s2], $0x80, s23, s23, $0xb8;
	[tilespmem:$0x1E800] =	vst v63  }
0x77: {  	s24 =	simm.s32 $0x680  }
0x78: {  	[tilespmem:s30], [sflag:$0x1] =	stream.indirect.gather [spmem:s2], $0x80, s24, s23, $0xb8;
	[tilespmem:$0x1E800] =	vst v63  }
0x79: {  	_ =	swait.ge [sflag:s31], $0x4000  }
0x7a: {  	[sflag:s31] =	ssyncset.done $0x0  }
0x7b: {  	[sflag:s31] =	ssyncadd.s32 $0xFFFFC000  }
0x7c: {  	_ =	swait.ge [sflag:s31], $0x4000  }
0x7d: {  	[sflag:s31] =	ssyncset.done $0x0  }
0x7e: {  	s4 =	simm.s32 $0x0;
	[sflag:s31] =	ssyncadd.s32 $0xFFFFC000  }
0x7f: {  	v0 =	vld [tilespmem:s4+$0x870]  }
0x80: {  	v1 =	vld [tilespmem:s4+$0x8870]  }
0x81: {  	v2 =	vld [tilespmem:s4+$0x800]  }
0x82: {  	v3 =	vld [tilespmem:s4+$0x8800]  }
0x83: {  	v4 =	vld [tilespmem:s4+$0x810]  }
0x84: {  	v5 =	vld [tilespmem:s4+$0x8810]  }
0x85: {  	v6 =	vld [tilespmem:s4+$0x820]  }
0x86: {  	v7 =	vld [tilespmem:s4+$0x830]  }
0x87: {  	v0 =	vadd.f32 v1, v0;
	v1 =	vld [tilespmem:s4+$0x8820]  }
0x88: {  	v62 =	vld [tilespmem:s4+$0x8830]  }
0x89: {  	v63 =	vld [tilespmem:s4+$0x8840];
	v2 =	vadd.f32 v3, v2  }
0x8a: {  	[tilespmem:s4+$0x10870] =	vst v0;
	v0 =	vadd.f32 v5, v4;
	v5 =	vld [tilespmem:s4+$0x840]  }
0x8b: {  	v3 =	vld [tilespmem:s4+$0x8850];
	[tilespmem:s4+$0x10800] =	vst v2  }
0x8c: {  	v2 =	vld [tilespmem:s4+$0x850];
	[tilespmem:s4+$0x10810] =	vst v0;
	v0 =	vadd.f32 v1, v6  }
0x8d: {  	v4 =	vld [tilespmem:s4+$0x8860];
	v6 =	vadd.f32 v62, v7  }
0x8e: {  	s24 =	simm.s32 $0x80;
	[tilespmem:s4+$0x10820] =	vst v0;
	v0 =	vld [tilespmem:s4+$0x860]  }
0x8f: {  	s5 =	simm.s32 $0x400;
	v5 =	vadd.f32 v63, v5;
	v1 =	vld [tilespmem:s24+$0x870];
	[tilespmem:s4+$0x10830] =	vst v6  }
.LBB2_2:
0x90: {  	p0 =	sne.s32 s5, $0x7E00;
	v6 =	vld [tilespmem:s24+$0x8870]  }
0x91: {  	v7 =	vld [tilespmem:s24+$0x800];
	[tilespmem:s4+$0x10840] =	vst v5;
	v2 =	vadd.f32 v3, v2  }
0x92: {  	v3 =	vld [tilespmem:s24+$0x8800]  }
0x93: {  	v5 =	vld [tilespmem:s24+$0x810];
	[tilespmem:s4+$0x10850] =	vst v2;
	v0 =	vadd.f32 v4, v0  }
0x94: {  	v2 =	vld [tilespmem:s24+$0x8810]  }
0x95: {  	v4 =	vld [tilespmem:s24+$0x820];
	v1 =	vadd.f32 v6, v1;
	[tilespmem:s4+$0x10860] =	vst v0;
	s4 =	smov.u32 s24  }
0x96: {  	v0 =	vld [tilespmem:s4+$0x8820]  }
0x97: {  	v3 =	vadd.f32 v3, v7;
	v6 =	vld [tilespmem:s4+$0x830];
	[tilespmem:s4+$0x10870] =	vst v1  }
0x98: {  	v1 =	vld [tilespmem:s4+$0x8830]  }
0x99: {  	[tilespmem:s4+$0x10800] =	vst v3;
	v2 =	vadd.f32 v2, v5;
	v5 =	vld [tilespmem:s4+$0x840]  }
0x9a: {  	v7 =	vld [tilespmem:s4+$0x8840]  }
.Ltmp0:
0x9b: {  	[tilespmem:s4+$0x10810] =	vst v2;
	v0 =	vadd.f32 v0, v4;
	v2 =	vld [tilespmem:s4+$0x850];
	(pc) =	sbr.rel @p0 .LBB2_2-.Ltmp0, $4  }
0x9c: {  	v3 =	vld [tilespmem:s4+$0x8850]  }
0x9d: {  	[tilespmem:s4+$0x10820] =	vst v0;
	v6 =	vadd.f32 v1, v6;
	v0 =	vld [tilespmem:s4+$0x860]  }
0x9e: {  	s24 =	sshra.s32 s5, $0x2;
	v4 =	vld [tilespmem:s4+$0x8860]  }
0x9f: {  	s5 =	sadd.s32 $0x200, s5;
	v1 =	vld [tilespmem:s24+$0x870];
	[tilespmem:s4+$0x10830] =	vst v6;
	v5 =	vadd.f32 v7, v5  }
0xa0: {  	v6 =	vld [tilespmem:s24+$0x8870]  }
0xa1: {  	v7 =	vld [tilespmem:s24+$0x800];
	[tilespmem:s4+$0x10840] =	vst v5;
	v2 =	vadd.f32 v3, v2  }
0xa2: {  	v3 =	vld [tilespmem:s24+$0x8800]  }
0xa3: {  	v5 =	vld [tilespmem:s24+$0x810];
	[tilespmem:s4+$0x10850] =	vst v2;
	v0 =	vadd.f32 v4, v0  }
0xa4: {  	v2 =	vld [tilespmem:s24+$0x8810]  }
0xa5: {  	v4 =	vld [tilespmem:s24+$0x820];
	[tilespmem:s4+$0x10860] =	vst v0  }
0xa6: {  	v0 =	vadd.f32 v6, v1;
	v1 =	vld [tilespmem:s24+$0x8820]  }
0xa7: {  	v6 =	vld [tilespmem:s24+$0x830]  }
0xa8: {  	v3 =	vadd.f32 v3, v7;
	[tilespmem:s24+$0x10870] =	vst v0;
	v0 =	vld [tilespmem:s24+$0x8830]  }
0xa9: {  	v7 =	vld [tilespmem:s24+$0x8860]  }
0xaa: {  	[tilespmem:s24+$0x10800] =	vst v3;
	v2 =	vadd.f32 v2, v5;
	v3 =	vld [tilespmem:s24+$0x840]  }
0xab: {  	v5 =	vld [tilespmem:s24+$0x8840]  }
0xac: {  	[tilespmem:s24+$0x10810] =	vst v2;
	v1 =	vadd.f32 v1, v4;
	v2 =	vld [tilespmem:s24+$0x850]  }
0xad: {  	v4 =	vld [tilespmem:s24+$0x8850]  }
0xae: {  	[tilespmem:s24+$0x10820] =	vst v1;
	v1 =	vld [tilespmem:s24+$0x860];
	_ =	sdelay $0x1  }
0xaf: {  	v0 =	vadd.f32 v0, v6  }
0xb0: {  	v3 =	vadd.f32 v5, v3  }
0xb1: {  	[tilespmem:s24+$0x10830] =	vst v0;
	v0 =	vadd.f32 v4, v2  }
0xb2: {  	[tilespmem:s24+$0x10840] =	vst v3;
	v1 =	vadd.f32 v7, v1  }
0xb3: {  	[tilespmem:s24+$0x10850] =	vst v0  }
0xb4: {  	s4 =	simm.s32 $0x0;
	[tilespmem:s24+$0x10860] =	vst v1;
	s24 =	simm.s32 $0x0  }
0xb5: {  	[hbm4b:s7+s24] =	stream.linear.scatter [tilespmem:s0], [sflag:$0x2], $0x2000, $0x38;
	[tilespmem:$0x1E800] =	vst v63  }
0xb6: {  	v0 =	vld [tilespmem:s4+$0x2870]  }
0xb7: {  	v1 =	vld [tilespmem:s4+$0xA870]  }
0xb8: {  	v2 =	vld [tilespmem:s4+$0x2800]  }
0xb9: {  	v3 =	vld [tilespmem:s4+$0xA800]  }
0xba: {  	v4 =	vld [tilespmem:s4+$0x2810]  }
0xbb: {  	v5 =	vld [tilespmem:s4+$0xA810]  }
0xbc: {  	v6 =	vld [tilespmem:s4+$0x2820]  }
0xbd: {  	v7 =	vld [tilespmem:s4+$0x2830]  }
0xbe: {  	v0 =	vadd.f32 v1, v0;
	v1 =	vld [tilespmem:s4+$0xA820]  }
0xbf: {  	v8 =	vld [tilespmem:s4+$0xA830]  }
0xc0: {  	v9 =	vld [tilespmem:s4+$0xA840];
	v2 =	vadd.f32 v3, v2  }
0xc1: {  	[tilespmem:s4+$0x12870] =	vst v0;
	v0 =	vadd.f32 v5, v4;
	v5 =	vld [tilespmem:s4+$0x2840]  }
0xc2: {  	v3 =	vld [tilespmem:s4+$0xA850];
	[tilespmem:s4+$0x12800] =	vst v2  }
0xc3: {  	v2 =	vld [tilespmem:s4+$0x2850];
	[tilespmem:s4+$0x12810] =	vst v0;
	v0 =	vadd.f32 v1, v6  }
0xc4: {  	v4 =	vld [tilespmem:s4+$0xA860];
	v6 =	vadd.f32 v8, v7  }
0xc5: {  	s24 =	simm.s32 $0x80;
	[tilespmem:s4+$0x12820] =	vst v0;
	v0 =	vld [tilespmem:s4+$0x2860]  }
0xc6: {  	s5 =	simm.s32 $0x400;
	v5 =	vadd.f32 v9, v5;
	v1 =	vld [tilespmem:s24+$0x2870];
	[tilespmem:s4+$0x12830] =	vst v6  }
.LBB2_4:
0xc7: {  	p0 =	sne.s32 s5, $0x7E00;
	v6 =	vld [tilespmem:s24+$0xA870]  }
0xc8: {  	v7 =	vld [tilespmem:s24+$0x2800];
	[tilespmem:s4+$0x12840] =	vst v5;
	v2 =	vadd.f32 v3, v2  }
0xc9: {  	v3 =	vld [tilespmem:s24+$0xA800]  }
0xca: {  	v5 =	vld [tilespmem:s24+$0x2810];
	[tilespmem:s4+$0x12850] =	vst v2;
	v0 =	vadd.f32 v4, v0  }
0xcb: {  	v2 =	vld [tilespmem:s24+$0xA810]  }
0xcc: {  	v4 =	vld [tilespmem:s24+$0x2820];
	v1 =	vadd.f32 v6, v1;
	[tilespmem:s4+$0x12860] =	vst v0;
	s4 =	smov.u32 s24  }
0xcd: {  	v0 =	vld [tilespmem:s4+$0xA820]  }
0xce: {  	v3 =	vadd.f32 v3, v7;
	v6 =	vld [tilespmem:s4+$0x2830];
	[tilespmem:s4+$0x12870] =	vst v1  }
0xcf: {  	v1 =	vld [tilespmem:s4+$0xA830]  }
0xd0: {  	[tilespmem:s4+$0x12800] =	vst v3;
	v2 =	vadd.f32 v2, v5;
	v5 =	vld [tilespmem:s4+$0x2840]  }
0xd1: {  	v7 =	vld [tilespmem:s4+$0xA840]  }
.Ltmp1:
0xd2: {  	[tilespmem:s4+$0x12810] =	vst v2;
	v0 =	vadd.f32 v0, v4;
	v2 =	vld [tilespmem:s4+$0x2850];
	(pc) =	sbr.rel @p0 .LBB2_4-.Ltmp1, $4  }
0xd3: {  	v3 =	vld [tilespmem:s4+$0xA850]  }
0xd4: {  	[tilespmem:s4+$0x12820] =	vst v0;
	v6 =	vadd.f32 v1, v6;
	v0 =	vld [tilespmem:s4+$0x2860]  }
0xd5: {  	s24 =	sshra.s32 s5, $0x2;
	v4 =	vld [tilespmem:s4+$0xA860]  }
0xd6: {  	s5 =	sadd.s32 $0x200, s5;
	v1 =	vld [tilespmem:s24+$0x2870];
	[tilespmem:s4+$0x12830] =	vst v6;
	v5 =	vadd.f32 v7, v5  }
0xd7: {  	v6 =	vld [tilespmem:s24+$0xA870]  }
0xd8: {  	v7 =	vld [tilespmem:s24+$0x2800];
	[tilespmem:s4+$0x12840] =	vst v5;
	v2 =	vadd.f32 v3, v2  }
0xd9: {  	v3 =	vld [tilespmem:s24+$0xA800]  }
0xda: {  	v5 =	vld [tilespmem:s24+$0x2810];
	[tilespmem:s4+$0x12850] =	vst v2;
	v0 =	vadd.f32 v4, v0  }
0xdb: {  	v2 =	vld [tilespmem:s24+$0xA810]  }
0xdc: {  	v4 =	vld [tilespmem:s24+$0x2820];
	[tilespmem:s4+$0x12860] =	vst v0  }
0xdd: {  	v0 =	vadd.f32 v6, v1;
	v1 =	vld [tilespmem:s24+$0xA820]  }
0xde: {  	v6 =	vld [tilespmem:s24+$0x2830]  }
0xdf: {  	v3 =	vadd.f32 v3, v7;
	[tilespmem:s24+$0x12870] =	vst v0;
	v0 =	vld [tilespmem:s24+$0xA830]  }
0xe0: {  	v7 =	vld [tilespmem:s24+$0xA860]  }
0xe1: {  	[tilespmem:s24+$0x12800] =	vst v3;
	v2 =	vadd.f32 v2, v5;
	v3 =	vld [tilespmem:s24+$0x2840]  }
0xe2: {  	v5 =	vld [tilespmem:s24+$0xA840]  }
0xe3: {  	[tilespmem:s24+$0x12810] =	vst v2;
	v1 =	vadd.f32 v1, v4;
	v2 =	vld [tilespmem:s24+$0x2850]  }
0xe4: {  	v4 =	vld [tilespmem:s24+$0xA850]  }
0xe5: {  	[tilespmem:s24+$0x12820] =	vst v1;
	v1 =	vld [tilespmem:s24+$0x2860];
	_ =	sdelay $0x1  }
0xe6: {  	v0 =	vadd.f32 v0, v6  }
0xe7: {  	v3 =	vadd.f32 v5, v3  }
0xe8: {  	[tilespmem:s24+$0x12830] =	vst v0;
	v0 =	vadd.f32 v4, v2  }
0xe9: {  	[tilespmem:s24+$0x12840] =	vst v3;
	v1 =	vadd.f32 v7, v1  }
0xea: {  	[tilespmem:s24+$0x12850] =	vst v0  }
0xeb: {  	s5 =	simm.s32 $0x0;
	[tilespmem:s24+$0x12860] =	vst v1  }
0xec: {  	[hbm4b:s10+s5] =	stream.linear.scatter [tilespmem:s1], [sflag:$0x2], $0x2000, $0x38;
	[tilespmem:$0x1E800] =	vst v63  }
0xed: {  	s24 =	simm.s32 $0x800;
	s5 =	simm.s32 $0x100  }
0xee: {  	[tilespmem:s24], [sflag:$0x1] =	stream.indirect.gather [spmem:s2], $0x80, s5, s23, $0xb8;
	[tilespmem:$0x1E800] =	vst v63  }
0xef: {  	s24 =	simm.s32 $0x700  }
0xf0: {  	[tilespmem:s26], [sflag:$0x1] =	stream.indirect.gather [spmem:s2], $0x80, s24, s23, $0xb8;
	[tilespmem:$0x1E800] =	vst v63  }
0xf1: {  	_ =	swait.ge [sflag:s31], $0x4000  }
0xf2: {  	[sflag:s31] =	ssyncset.done $0x0  }
0xf3: {  	[sflag:s31] =	ssyncadd.s32 $0xFFFFC000  }
0xf4: {  	_ =	swait.ge [sflag:s31], $0x4000  }
0xf5: {  	[sflag:s31] =	ssyncset.done $0x0  }
0xf6: {  	s4 =	simm.s32 $0x0;
	[sflag:s31] =	ssyncadd.s32 $0xFFFFC000  }
0xf7: {  	v0 =	vld [tilespmem:s4+$0x4870]  }
0xf8: {  	v1 =	vld [tilespmem:s4+$0xC870]  }
0xf9: {  	v2 =	vld [tilespmem:s4+$0x4800]  }
0xfa: {  	v3 =	vld [tilespmem:s4+$0xC800]  }
0xfb: {  	v4 =	vld [tilespmem:s4+$0x4810]  }
0xfc: {  	v5 =	vld [tilespmem:s4+$0xC810]  }
0xfd: {  	v6 =	vld [tilespmem:s4+$0x4820]  }
0xfe: {  	v7 =	vld [tilespmem:s4+$0x4830]  }
0xff: {  	v0 =	vadd.f32 v1, v0;
	v1 =	vld [tilespmem:s4+$0xC820]  }
0x100: {  	v8 =	vld [tilespmem:s4+$0xC830]  }
0x101: {  	v9 =	vld [tilespmem:s4+$0xC840];
	v2 =	vadd.f32 v3, v2  }
0x102: {  	[tilespmem:s4+$0x14870] =	vst v0;
	v0 =	vadd.f32 v5, v4;
	v5 =	vld [tilespmem:s4+$0x4840]  }
0x103: {  	v3 =	vld [tilespmem:s4+$0xC850];
	[tilespmem:s4+$0x14800] =	vst v2  }
0x104: {  	v2 =	vld [tilespmem:s4+$0x4850];
	[tilespmem:s4+$0x14810] =	vst v0;
	v0 =	vadd.f32 v1, v6  }
0x105: {  	v4 =	vld [tilespmem:s4+$0xC860];
	v6 =	vadd.f32 v8, v7  }
0x106: {  	s24 =	simm.s32 $0x80;
	[tilespmem:s4+$0x14820] =	vst v0;
	v0 =	vld [tilespmem:s4+$0x4860]  }
0x107: {  	s5 =	simm.s32 $0x400;
	v5 =	vadd.f32 v9, v5;
	v1 =	vld [tilespmem:s24+$0x4870];
	[tilespmem:s4+$0x14830] =	vst v6  }
.LBB2_6:
0x108: {  	p0 =	sne.s32 s5, $0x7E00;
	v6 =	vld [tilespmem:s24+$0xC870]  }
0x109: {  	v7 =	vld [tilespmem:s24+$0x4800];
	[tilespmem:s4+$0x14840] =	vst v5;
	v2 =	vadd.f32 v3, v2  }
0x10a: {  	v3 =	vld [tilespmem:s24+$0xC800]  }
0x10b: {  	v5 =	vld [tilespmem:s24+$0x4810];
	[tilespmem:s4+$0x14850] =	vst v2;
	v0 =	vadd.f32 v4, v0  }
0x10c: {  	v2 =	vld [tilespmem:s24+$0xC810]  }
0x10d: {  	v4 =	vld [tilespmem:s24+$0x4820];
	v1 =	vadd.f32 v6, v1;
	[tilespmem:s4+$0x14860] =	vst v0;
	s4 =	smov.u32 s24  }
0x10e: {  	v0 =	vld [tilespmem:s4+$0xC820]  }
0x10f: {  	v3 =	vadd.f32 v3, v7;
	v6 =	vld [tilespmem:s4+$0x4830];
	[tilespmem:s4+$0x14870] =	vst v1  }
0x110: {  	v1 =	vld [tilespmem:s4+$0xC830]  }
0x111: {  	[tilespmem:s4+$0x14800] =	vst v3;
	v2 =	vadd.f32 v2, v5;
	v5 =	vld [tilespmem:s4+$0x4840]  }
0x112: {  	v7 =	vld [tilespmem:s4+$0xC840]  }
.Ltmp2:
0x113: {  	[tilespmem:s4+$0x14810] =	vst v2;
	v0 =	vadd.f32 v0, v4;
	v2 =	vld [tilespmem:s4+$0x4850];
	(pc) =	sbr.rel @p0 .LBB2_6-.Ltmp2, $4  }
0x114: {  	v3 =	vld [tilespmem:s4+$0xC850]  }
0x115: {  	[tilespmem:s4+$0x14820] =	vst v0;
	v6 =	vadd.f32 v1, v6;
	v0 =	vld [tilespmem:s4+$0x4860]  }
0x116: {  	s24 =	sshra.s32 s5, $0x2;
	v4 =	vld [tilespmem:s4+$0xC860]  }
0x117: {  	s5 =	sadd.s32 $0x200, s5;
	v1 =	vld [tilespmem:s24+$0x4870];
	[tilespmem:s4+$0x14830] =	vst v6;
	v5 =	vadd.f32 v7, v5  }
0x118: {  	v6 =	vld [tilespmem:s24+$0xC870]  }
0x119: {  	v7 =	vld [tilespmem:s24+$0x4800];
	[tilespmem:s4+$0x14840] =	vst v5;
	v2 =	vadd.f32 v3, v2  }
0x11a: {  	v3 =	vld [tilespmem:s24+$0xC800]  }
0x11b: {  	v5 =	vld [tilespmem:s24+$0x4810];
	[tilespmem:s4+$0x14850] =	vst v2;
	v0 =	vadd.f32 v4, v0  }
0x11c: {  	v2 =	vld [tilespmem:s24+$0xC810]  }
0x11d: {  	v4 =	vld [tilespmem:s24+$0x4820];
	[tilespmem:s4+$0x14860] =	vst v0  }
0x11e: {  	v0 =	vadd.f32 v6, v1;
	v1 =	vld [tilespmem:s24+$0xC820]  }
0x11f: {  	v6 =	vld [tilespmem:s24+$0x4830]  }
0x120: {  	v3 =	vadd.f32 v3, v7;
	[tilespmem:s24+$0x14870] =	vst v0;
	v0 =	vld [tilespmem:s24+$0xC830]  }
0x121: {  	v7 =	vld [tilespmem:s24+$0xC860]  }
0x122: {  	[tilespmem:s24+$0x14800] =	vst v3;
	v2 =	vadd.f32 v2, v5;
	v3 =	vld [tilespmem:s24+$0x4840]  }
0x123: {  	v5 =	vld [tilespmem:s24+$0xC840]  }
0x124: {  	[tilespmem:s24+$0x14810] =	vst v2;
	v1 =	vadd.f32 v1, v4;
	v2 =	vld [tilespmem:s24+$0x4850]  }
0x125: {  	v4 =	vld [tilespmem:s24+$0xC850]  }
0x126: {  	[tilespmem:s24+$0x14820] =	vst v1;
	v1 =	vld [tilespmem:s24+$0x4860];
	_ =	sdelay $0x1  }
0x127: {  	v0 =	vadd.f32 v0, v6  }
0x128: {  	v3 =	vadd.f32 v5, v3  }
0x129: {  	[tilespmem:s24+$0x14830] =	vst v0;
	v0 =	vadd.f32 v4, v2  }
0x12a: {  	[tilespmem:s24+$0x14840] =	vst v3;
	v1 =	vadd.f32 v7, v1  }
0x12b: {  	[tilespmem:s24+$0x14850] =	vst v0  }
0x12c: {  	s4 =	simm.s32 $0x0;
	[tilespmem:s24+$0x14860] =	vst v1;
	s24 =	simm.s32 $0x0  }
0x12d: {  	[hbm4b:s11+s24] =	stream.linear.scatter [tilespmem:s25], [sflag:$0x2], $0x2000, $0x38;
	[tilespmem:$0x1E800] =	vst v63  }
0x12e: {  	v0 =	vld [tilespmem:s4+$0x6870]  }
0x12f: {  	v1 =	vld [tilespmem:s4+$0xE870]  }
0x130: {  	v2 =	vld [tilespmem:s4+$0x6800]  }
0x131: {  	v3 =	vld [tilespmem:s4+$0xE800]  }
0x132: {  	v4 =	vld [tilespmem:s4+$0x6810]  }
0x133: {  	v5 =	vld [tilespmem:s4+$0xE810]  }
0x134: {  	v6 =	vld [tilespmem:s4+$0x6820]  }
0x135: {  	v7 =	vld [tilespmem:s4+$0x6830]  }
0x136: {  	v0 =	vadd.f32 v1, v0;
	v1 =	vld [tilespmem:s4+$0xE820]  }
0x137: {  	v8 =	vld [tilespmem:s4+$0xE830]  }
0x138: {  	v9 =	vld [tilespmem:s4+$0xE840];
	v2 =	vadd.f32 v3, v2  }
0x139: {  	[tilespmem:s4+$0x16870] =	vst v0;
	v0 =	vadd.f32 v5, v4;
	v5 =	vld [tilespmem:s4+$0x6840]  }
0x13a: {  	v3 =	vld [tilespmem:s4+$0xE850];
	[tilespmem:s4+$0x16800] =	vst v2  }
0x13b: {  	v2 =	vld [tilespmem:s4+$0x6850];
	[tilespmem:s4+$0x16810] =	vst v0;
	v0 =	vadd.f32 v1, v6  }
0x13c: {  	v4 =	vld [tilespmem:s4+$0xE860];
	v6 =	vadd.f32 v8, v7  }
0x13d: {  	s24 =	simm.s32 $0x80;
	[tilespmem:s4+$0x16820] =	vst v0;
	v0 =	vld [tilespmem:s4+$0x6860]  }
0x13e: {  	s5 =	simm.s32 $0x400;
	v5 =	vadd.f32 v9, v5;
	v1 =	vld [tilespmem:s24+$0x6870];
	[tilespmem:s4+$0x16830] =	vst v6  }
.LBB2_8:
0x13f: {  	p0 =	sne.s32 s5, $0x7E00;
	v6 =	vld [tilespmem:s24+$0xE870]  }
0x140: {  	v7 =	vld [tilespmem:s24+$0x6800];
	[tilespmem:s4+$0x16840] =	vst v5;
	v2 =	vadd.f32 v3, v2  }
0x141: {  	v3 =	vld [tilespmem:s24+$0xE800]  }
0x142: {  	v5 =	vld [tilespmem:s24+$0x6810];
	[tilespmem:s4+$0x16850] =	vst v2;
	v0 =	vadd.f32 v4, v0  }
0x143: {  	v2 =	vld [tilespmem:s24+$0xE810]  }
0x144: {  	v4 =	vld [tilespmem:s24+$0x6820];
	v1 =	vadd.f32 v6, v1;
	[tilespmem:s4+$0x16860] =	vst v0;
	s4 =	smov.u32 s24  }
0x145: {  	v0 =	vld [tilespmem:s4+$0xE820]  }
0x146: {  	v3 =	vadd.f32 v3, v7;
	v6 =	vld [tilespmem:s4+$0x6830];
	[tilespmem:s4+$0x16870] =	vst v1  }
0x147: {  	v1 =	vld [tilespmem:s4+$0xE830]  }
0x148: {  	[tilespmem:s4+$0x16800] =	vst v3;
	v2 =	vadd.f32 v2, v5;
	v5 =	vld [tilespmem:s4+$0x6840]  }
0x149: {  	v7 =	vld [tilespmem:s4+$0xE840]  }
.Ltmp3:
0x14a: {  	[tilespmem:s4+$0x16810] =	vst v2;
	v0 =	vadd.f32 v0, v4;
	v2 =	vld [tilespmem:s4+$0x6850];
	(pc) =	sbr.rel @p0 .LBB2_8-.Ltmp3, $4  }
0x14b: {  	v3 =	vld [tilespmem:s4+$0xE850]  }
0x14c: {  	[tilespmem:s4+$0x16820] =	vst v0;
	v6 =	vadd.f32 v1, v6;
	v0 =	vld [tilespmem:s4+$0x6860]  }
0x14d: {  	s24 =	sshra.s32 s5, $0x2;
	v4 =	vld [tilespmem:s4+$0xE860]  }
0x14e: {  	s5 =	sadd.s32 $0x200, s5;
	v1 =	vld [tilespmem:s24+$0x6870];
	[tilespmem:s4+$0x16830] =	vst v6;
	v5 =	vadd.f32 v7, v5  }
0x14f: {  	v6 =	vld [tilespmem:s24+$0xE870]  }
0x150: {  	v7 =	vld [tilespmem:s24+$0x6800];
	[tilespmem:s4+$0x16840] =	vst v5;
	v2 =	vadd.f32 v3, v2  }
0x151: {  	v3 =	vld [tilespmem:s24+$0xE800]  }
0x152: {  	v5 =	vld [tilespmem:s24+$0x6810];
	[tilespmem:s4+$0x16850] =	vst v2;
	v0 =	vadd.f32 v4, v0  }
0x153: {  	v2 =	vld [tilespmem:s24+$0xE810]  }
0x154: {  	v4 =	vld [tilespmem:s24+$0x6820];
	[tilespmem:s4+$0x16860] =	vst v0  }
0x155: {  	v0 =	vadd.f32 v6, v1;
	v1 =	vld [tilespmem:s24+$0xE820]  }
0x156: {  	v6 =	vld [tilespmem:s24+$0x6830]  }
0x157: {  	v3 =	vadd.f32 v3, v7;
	[tilespmem:s24+$0x16870] =	vst v0;
	v0 =	vld [tilespmem:s24+$0xE830]  }
0x158: {  	v7 =	vld [tilespmem:s24+$0xE860]  }
0x159: {  	[tilespmem:s24+$0x16800] =	vst v3;
	v2 =	vadd.f32 v2, v5;
	v3 =	vld [tilespmem:s24+$0x6840]  }
0x15a: {  	v5 =	vld [tilespmem:s24+$0xE840]  }
0x15b: {  	[tilespmem:s24+$0x16810] =	vst v2;
	v1 =	vadd.f32 v1, v4;
	v2 =	vld [tilespmem:s24+$0x6850]  }
0x15c: {  	v4 =	vld [tilespmem:s24+$0xE850]  }
0x15d: {  	[tilespmem:s24+$0x16820] =	vst v1;
	v1 =	vld [tilespmem:s24+$0x6860];
	_ =	sdelay $0x1  }
0x15e: {  	v0 =	vadd.f32 v0, v6  }
0x15f: {  	v3 =	vadd.f32 v5, v3  }
0x160: {  	[tilespmem:s24+$0x16830] =	vst v0;
	v0 =	vadd.f32 v4, v2  }
0x161: {  	[tilespmem:s24+$0x16840] =	vst v3;
	v1 =	vadd.f32 v7, v1  }
0x162: {  	[tilespmem:s24+$0x16850] =	vst v0  }
0x163: {  	[tilespmem:s24+$0x16860] =	vst v1;
	s24 =	simm.s32 $0x0  }
0x164: {  	[hbm4b:s12+s24] =	stream.linear.scatter [tilespmem:s29], [sflag:$0x2], $0x2000, $0x38;
	[tilespmem:$0x1E800] =	vst v63  }
0x165: {  	s5 =	simm.s32 $0x180  }
0x166: {  	[tilespmem:s28], [sflag:$0x1] =	stream.indirect.gather [spmem:s2], $0x80, s5, s23, $0xb8;
	[tilespmem:$0x1E800] =	vst v63  }
0x167: {  	s24 =	simm.s32 $0x780  }
0x168: {  	[tilespmem:s30], [sflag:$0x1] =	stream.indirect.gather [spmem:s2], $0x80, s24, s23, $0xb8;
	[tilespmem:$0x1E800] =	vst v63  }
0x169: {  	_ =	swait.ge [sflag:s31], $0x4000  }
0x16a: {  	[sflag:s31] =	ssyncset.done $0x0  }
0x16b: {  	[sflag:s31] =	ssyncadd.s32 $0xFFFFC000  }
0x16c: {  	_ =	swait.ge [sflag:s31], $0x4000  }
0x16d: {  	[sflag:s31] =	ssyncset.done $0x0  }
0x16e: {  	[sflag:s31] =	ssyncadd.s32 $0xFFFFC000  }
0x16f: {  	_ =	swait.ge [sflag:s20], $0x2000  }
0x170: {  	[sflag:s20] =	ssyncset.done $0x0  }
0x171: {  	[sflag:s20] =	ssyncadd.s32 $0xFFFFE000  }
0x172: {  	_ =	swait.ge [sflag:s20], $0x2000  }
0x173: {  	[sflag:s20] =	ssyncset.done $0x0  }
0x174: {  	s4 =	simm.s32 $0x0;
	[sflag:s20] =	ssyncadd.s32 $0xFFFFE000  }
0x175: {  	v0 =	vld [tilespmem:s4+$0x870]  }
0x176: {  	v1 =	vld [tilespmem:s4+$0x8870]  }
0x177: {  	v2 =	vld [tilespmem:s4+$0x800]  }
0x178: {  	v3 =	vld [tilespmem:s4+$0x8800]  }
0x179: {  	v4 =	vld [tilespmem:s4+$0x810]  }
0x17a: {  	v5 =	vld [tilespmem:s4+$0x8810]  }
0x17b: {  	v6 =	vld [tilespmem:s4+$0x820]  }
0x17c: {  	v7 =	vld [tilespmem:s4+$0x830]  }
0x17d: {  	v0 =	vadd.f32 v1, v0;
	v1 =	vld [tilespmem:s4+$0x8820]  }
0x17e: {  	v8 =	vld [tilespmem:s4+$0x8830]  }
0x17f: {  	v9 =	vld [tilespmem:s4+$0x8840];
	v2 =	vadd.f32 v3, v2  }
0x180: {  	[tilespmem:s4+$0x10870] =	vst v0;
	v0 =	vadd.f32 v5, v4;
	v5 =	vld [tilespmem:s4+$0x840]  }
0x181: {  	v3 =	vld [tilespmem:s4+$0x8850];
	[tilespmem:s4+$0x10800] =	vst v2  }
0x182: {  	v2 =	vld [tilespmem:s4+$0x850];
	[tilespmem:s4+$0x10810] =	vst v0;
	v0 =	vadd.f32 v1, v6  }
0x183: {  	v4 =	vld [tilespmem:s4+$0x8860];
	v6 =	vadd.f32 v8, v7  }
0x184: {  	s24 =	simm.s32 $0x80;
	[tilespmem:s4+$0x10820] =	vst v0;
	v0 =	vld [tilespmem:s4+$0x860]  }
0x185: {  	s5 =	simm.s32 $0x400;
	v5 =	vadd.f32 v9, v5;
	v1 =	vld [tilespmem:s24+$0x870];
	[tilespmem:s4+$0x10830] =	vst v6  }
.LBB2_10:
0x186: {  	p0 =	sne.s32 s5, $0x7E00;
	v6 =	vld [tilespmem:s24+$0x8870]  }
0x187: {  	v7 =	vld [tilespmem:s24+$0x800];
	[tilespmem:s4+$0x10840] =	vst v5;
	v2 =	vadd.f32 v3, v2  }
0x188: {  	v3 =	vld [tilespmem:s24+$0x8800]  }
0x189: {  	v5 =	vld [tilespmem:s24+$0x810];
	[tilespmem:s4+$0x10850] =	vst v2;
	v0 =	vadd.f32 v4, v0  }
0x18a: {  	v2 =	vld [tilespmem:s24+$0x8810]  }
0x18b: {  	v4 =	vld [tilespmem:s24+$0x820];
	v1 =	vadd.f32 v6, v1;
	[tilespmem:s4+$0x10860] =	vst v0;
	s4 =	smov.u32 s24  }
0x18c: {  	v0 =	vld [tilespmem:s4+$0x8820]  }
0x18d: {  	v3 =	vadd.f32 v3, v7;
	v6 =	vld [tilespmem:s4+$0x830];
	[tilespmem:s4+$0x10870] =	vst v1  }
0x18e: {  	v1 =	vld [tilespmem:s4+$0x8830]  }
0x18f: {  	[tilespmem:s4+$0x10800] =	vst v3;
	v2 =	vadd.f32 v2, v5;
	v5 =	vld [tilespmem:s4+$0x840]  }
0x190: {  	v7 =	vld [tilespmem:s4+$0x8840]  }
.Ltmp4:
0x191: {  	[tilespmem:s4+$0x10810] =	vst v2;
	v0 =	vadd.f32 v0, v4;
	v2 =	vld [tilespmem:s4+$0x850];
	(pc) =	sbr.rel @p0 .LBB2_10-.Ltmp4, $4  }
0x192: {  	v3 =	vld [tilespmem:s4+$0x8850]  }
0x193: {  	[tilespmem:s4+$0x10820] =	vst v0;
	v6 =	vadd.f32 v1, v6;
	v0 =	vld [tilespmem:s4+$0x860]  }
0x194: {  	s24 =	sshra.s32 s5, $0x2;
	v4 =	vld [tilespmem:s4+$0x8860]  }
0x195: {  	s5 =	sadd.s32 $0x200, s5;
	v1 =	vld [tilespmem:s24+$0x870];
	[tilespmem:s4+$0x10830] =	vst v6;
	v5 =	vadd.f32 v7, v5  }
0x196: {  	v6 =	vld [tilespmem:s24+$0x8870]  }
0x197: {  	v7 =	vld [tilespmem:s24+$0x800];
	[tilespmem:s4+$0x10840] =	vst v5;
	v2 =	vadd.f32 v3, v2  }
0x198: {  	v3 =	vld [tilespmem:s24+$0x8800]  }
0x199: {  	v5 =	vld [tilespmem:s24+$0x810];
	[tilespmem:s4+$0x10850] =	vst v2;
	v0 =	vadd.f32 v4, v0  }
0x19a: {  	v2 =	vld [tilespmem:s24+$0x8810]  }
0x19b: {  	v4 =	vld [tilespmem:s24+$0x820];
	[tilespmem:s4+$0x10860] =	vst v0  }
0x19c: {  	v0 =	vadd.f32 v6, v1;
	v1 =	vld [tilespmem:s24+$0x8820]  }
0x19d: {  	v6 =	vld [tilespmem:s24+$0x830]  }
0x19e: {  	v3 =	vadd.f32 v3, v7;
	[tilespmem:s24+$0x10870] =	vst v0;
	v0 =	vld [tilespmem:s24+$0x8830]  }
0x19f: {  	v7 =	vld [tilespmem:s24+$0x8860]  }
0x1a0: {  	[tilespmem:s24+$0x10800] =	vst v3;
	v2 =	vadd.f32 v2, v5;
	v3 =	vld [tilespmem:s24+$0x840]  }
0x1a1: {  	v5 =	vld [tilespmem:s24+$0x8840]  }
0x1a2: {  	[tilespmem:s24+$0x10810] =	vst v2;
	v1 =	vadd.f32 v1, v4;
	v2 =	vld [tilespmem:s24+$0x850]  }
0x1a3: {  	v4 =	vld [tilespmem:s24+$0x8850]  }
0x1a4: {  	[tilespmem:s24+$0x10820] =	vst v1;
	v1 =	vld [tilespmem:s24+$0x860];
	_ =	sdelay $0x1  }
0x1a5: {  	v0 =	vadd.f32 v0, v6  }
0x1a6: {  	v3 =	vadd.f32 v5, v3  }
0x1a7: {  	[tilespmem:s24+$0x10830] =	vst v0;
	v0 =	vadd.f32 v4, v2  }
0x1a8: {  	[tilespmem:s24+$0x10840] =	vst v3;
	v1 =	vadd.f32 v7, v1  }
0x1a9: {  	[tilespmem:s24+$0x10850] =	vst v0  }
0x1aa: {  	s4 =	simm.s32 $0x0;
	[tilespmem:s24+$0x10860] =	vst v1;
	s24 =	simm.s32 $0x0  }
0x1ab: {  	[hbm4b:s13+s24] =	stream.linear.scatter [tilespmem:s0], [sflag:$0x2], $0x2000, $0x38;
	[tilespmem:$0x1E800] =	vst v63  }
0x1ac: {  	v0 =	vld [tilespmem:s4+$0x2870]  }
0x1ad: {  	v1 =	vld [tilespmem:s4+$0xA870]  }
0x1ae: {  	v2 =	vld [tilespmem:s4+$0x2800]  }
0x1af: {  	v3 =	vld [tilespmem:s4+$0xA800]  }
0x1b0: {  	v4 =	vld [tilespmem:s4+$0x2810]  }
0x1b1: {  	v5 =	vld [tilespmem:s4+$0xA810]  }
0x1b2: {  	v6 =	vld [tilespmem:s4+$0x2820]  }
0x1b3: {  	v7 =	vld [tilespmem:s4+$0x2830]  }
0x1b4: {  	v0 =	vadd.f32 v1, v0;
	v1 =	vld [tilespmem:s4+$0xA820]  }
0x1b5: {  	v8 =	vld [tilespmem:s4+$0xA830]  }
0x1b6: {  	v9 =	vld [tilespmem:s4+$0xA840];
	v2 =	vadd.f32 v3, v2  }
0x1b7: {  	[tilespmem:s4+$0x12870] =	vst v0;
	v0 =	vadd.f32 v5, v4;
	v5 =	vld [tilespmem:s4+$0x2840]  }
0x1b8: {  	v3 =	vld [tilespmem:s4+$0xA850];
	[tilespmem:s4+$0x12800] =	vst v2  }
0x1b9: {  	v2 =	vld [tilespmem:s4+$0x2850];
	[tilespmem:s4+$0x12810] =	vst v0;
	v0 =	vadd.f32 v1, v6  }
0x1ba: {  	v4 =	vld [tilespmem:s4+$0xA860];
	v6 =	vadd.f32 v8, v7  }
0x1bb: {  	s24 =	simm.s32 $0x80;
	[tilespmem:s4+$0x12820] =	vst v0;
	v0 =	vld [tilespmem:s4+$0x2860]  }
0x1bc: {  	s5 =	simm.s32 $0x400;
	v5 =	vadd.f32 v9, v5;
	v1 =	vld [tilespmem:s24+$0x2870];
	[tilespmem:s4+$0x12830] =	vst v6  }
.LBB2_12:
0x1bd: {  	p0 =	sne.s32 s5, $0x7E00;
	v6 =	vld [tilespmem:s24+$0xA870]  }
0x1be: {  	v7 =	vld [tilespmem:s24+$0x2800];
	[tilespmem:s4+$0x12840] =	vst v5;
	v2 =	vadd.f32 v3, v2  }
0x1bf: {  	v3 =	vld [tilespmem:s24+$0xA800]  }
0x1c0: {  	v5 =	vld [tilespmem:s24+$0x2810];
	[tilespmem:s4+$0x12850] =	vst v2;
	v0 =	vadd.f32 v4, v0  }
0x1c1: {  	v2 =	vld [tilespmem:s24+$0xA810]  }
0x1c2: {  	v4 =	vld [tilespmem:s24+$0x2820];
	v1 =	vadd.f32 v6, v1;
	[tilespmem:s4+$0x12860] =	vst v0;
	s4 =	smov.u32 s24  }
0x1c3: {  	v0 =	vld [tilespmem:s4+$0xA820]  }
0x1c4: {  	v3 =	vadd.f32 v3, v7;
	v6 =	vld [tilespmem:s4+$0x2830];
	[tilespmem:s4+$0x12870] =	vst v1  }
0x1c5: {  	v1 =	vld [tilespmem:s4+$0xA830]  }
0x1c6: {  	[tilespmem:s4+$0x12800] =	vst v3;
	v2 =	vadd.f32 v2, v5;
	v5 =	vld [tilespmem:s4+$0x2840]  }
0x1c7: {  	v7 =	vld [tilespmem:s4+$0xA840]  }
.Ltmp5:
0x1c8: {  	[tilespmem:s4+$0x12810] =	vst v2;
	v0 =	vadd.f32 v0, v4;
	v2 =	vld [tilespmem:s4+$0x2850];
	(pc) =	sbr.rel @p0 .LBB2_12-.Ltmp5, $4  }
0x1c9: {  	v3 =	vld [tilespmem:s4+$0xA850]  }
0x1ca: {  	[tilespmem:s4+$0x12820] =	vst v0;
	v6 =	vadd.f32 v1, v6;
	v0 =	vld [tilespmem:s4+$0x2860]  }
0x1cb: {  	s24 =	sshra.s32 s5, $0x2;
	v4 =	vld [tilespmem:s4+$0xA860]  }
0x1cc: {  	s5 =	sadd.s32 $0x200, s5;
	v1 =	vld [tilespmem:s24+$0x2870];
	[tilespmem:s4+$0x12830] =	vst v6;
	v5 =	vadd.f32 v7, v5  }
0x1cd: {  	v6 =	vld [tilespmem:s24+$0xA870]  }
0x1ce: {  	v7 =	vld [tilespmem:s24+$0x2800];
	[tilespmem:s4+$0x12840] =	vst v5;
	v2 =	vadd.f32 v3, v2  }
0x1cf: {  	v3 =	vld [tilespmem:s24+$0xA800]  }
0x1d0: {  	v5 =	vld [tilespmem:s24+$0x2810];
	[tilespmem:s4+$0x12850] =	vst v2;
	v0 =	vadd.f32 v4, v0  }
0x1d1: {  	v2 =	vld [tilespmem:s24+$0xA810]  }
0x1d2: {  	v4 =	vld [tilespmem:s24+$0x2820];
	[tilespmem:s4+$0x12860] =	vst v0  }
0x1d3: {  	v0 =	vadd.f32 v6, v1;
	v1 =	vld [tilespmem:s24+$0xA820]  }
0x1d4: {  	v6 =	vld [tilespmem:s24+$0x2830]  }
0x1d5: {  	v3 =	vadd.f32 v3, v7;
	[tilespmem:s24+$0x12870] =	vst v0;
	v0 =	vld [tilespmem:s24+$0xA830]  }
0x1d6: {  	v7 =	vld [tilespmem:s24+$0xA860]  }
0x1d7: {  	[tilespmem:s24+$0x12800] =	vst v3;
	v2 =	vadd.f32 v2, v5;
	v3 =	vld [tilespmem:s24+$0x2840]  }
0x1d8: {  	v5 =	vld [tilespmem:s24+$0xA840]  }
0x1d9: {  	[tilespmem:s24+$0x12810] =	vst v2;
	v1 =	vadd.f32 v1, v4;
	v2 =	vld [tilespmem:s24+$0x2850]  }
0x1da: {  	v4 =	vld [tilespmem:s24+$0xA850]  }
0x1db: {  	[tilespmem:s24+$0x12820] =	vst v1;
	v1 =	vld [tilespmem:s24+$0x2860];
	_ =	sdelay $0x1  }
0x1dc: {  	v0 =	vadd.f32 v0, v6  }
0x1dd: {  	v3 =	vadd.f32 v5, v3  }
0x1de: {  	[tilespmem:s24+$0x12830] =	vst v0;
	v0 =	vadd.f32 v4, v2  }
0x1df: {  	[tilespmem:s24+$0x12840] =	vst v3;
	v1 =	vadd.f32 v7, v1  }
0x1e0: {  	[tilespmem:s24+$0x12850] =	vst v0  }
0x1e1: {  	[tilespmem:s24+$0x12860] =	vst v1;
	s24 =	simm.s32 $0x0  }
0x1e2: {  	[hbm4b:s14+s24] =	stream.linear.scatter [tilespmem:s1], [sflag:$0x2], $0x2000, $0x38;
	[tilespmem:$0x1E800] =	vst v63  }
0x1e3: {  	_ =	swait.ge [sflag:s31], $0x4000  }
0x1e4: {  	[sflag:s31] =	ssyncset.done $0x0  }
0x1e5: {  	[sflag:s31] =	ssyncadd.s32 $0xFFFFC000  }
0x1e6: {  	_ =	swait.ge [sflag:s31], $0x4000  }
0x1e7: {  	[sflag:s31] =	ssyncset.done $0x0  }
0x1e8: {  	[sflag:s31] =	ssyncadd.s32 $0xFFFFC000  }
0x1e9: {  	_ =	swait.ge [sflag:s20], $0x2000  }
0x1ea: {  	[sflag:s20] =	ssyncset.done $0x0  }
0x1eb: {  	[sflag:s20] =	ssyncadd.s32 $0xFFFFE000  }
0x1ec: {  	_ =	swait.ge [sflag:s20], $0x2000  }
0x1ed: {  	[sflag:s20] =	ssyncset.done $0x0  }
0x1ee: {  	s4 =	simm.s32 $0x0;
	[sflag:s20] =	ssyncadd.s32 $0xFFFFE000  }
0x1ef: {  	v0 =	vld [tilespmem:s4+$0x4870]  }
0x1f0: {  	v1 =	vld [tilespmem:s4+$0xC870]  }
0x1f1: {  	v2 =	vld [tilespmem:s4+$0x4800]  }
0x1f2: {  	v3 =	vld [tilespmem:s4+$0xC800]  }
0x1f3: {  	v4 =	vld [tilespmem:s4+$0x4810]  }
0x1f4: {  	v5 =	vld [tilespmem:s4+$0xC810]  }
0x1f5: {  	v6 =	vld [tilespmem:s4+$0x4820]  }
0x1f6: {  	v7 =	vld [tilespmem:s4+$0x4830]  }
0x1f7: {  	v0 =	vadd.f32 v1, v0;
	v1 =	vld [tilespmem:s4+$0xC820]  }
0x1f8: {  	v8 =	vld [tilespmem:s4+$0xC830]  }
0x1f9: {  	v9 =	vld [tilespmem:s4+$0xC840];
	v2 =	vadd.f32 v3, v2  }
0x1fa: {  	[tilespmem:s4+$0x14870] =	vst v0;
	v0 =	vadd.f32 v5, v4;
	v5 =	vld [tilespmem:s4+$0x4840]  }
0x1fb: {  	v3 =	vld [tilespmem:s4+$0xC850];
	[tilespmem:s4+$0x14800] =	vst v2  }
0x1fc: {  	v2 =	vld [tilespmem:s4+$0x4850];
	[tilespmem:s4+$0x14810] =	vst v0;
	v0 =	vadd.f32 v1, v6  }
0x1fd: {  	v4 =	vld [tilespmem:s4+$0xC860];
	v6 =	vadd.f32 v8, v7  }
0x1fe: {  	s24 =	simm.s32 $0x80;
	[tilespmem:s4+$0x14820] =	vst v0;
	v0 =	vld [tilespmem:s4+$0x4860]  }
0x1ff: {  	s5 =	simm.s32 $0x400;
	v5 =	vadd.f32 v9, v5;
	v1 =	vld [tilespmem:s24+$0x4870];
	[tilespmem:s4+$0x14830] =	vst v6  }
.LBB2_14:
0x200: {  	p0 =	sne.s32 s5, $0x7E00;
	v6 =	vld [tilespmem:s24+$0xC870]  }
0x201: {  	v7 =	vld [tilespmem:s24+$0x4800];
	[tilespmem:s4+$0x14840] =	vst v5;
	v2 =	vadd.f32 v3, v2  }
0x202: {  	v3 =	vld [tilespmem:s24+$0xC800]  }
0x203: {  	v5 =	vld [tilespmem:s24+$0x4810];
	[tilespmem:s4+$0x14850] =	vst v2;
	v0 =	vadd.f32 v4, v0  }
0x204: {  	v2 =	vld [tilespmem:s24+$0xC810]  }
0x205: {  	v4 =	vld [tilespmem:s24+$0x4820];
	v1 =	vadd.f32 v6, v1;
	[tilespmem:s4+$0x14860] =	vst v0;
	s4 =	smov.u32 s24  }
0x206: {  	v0 =	vld [tilespmem:s4+$0xC820]  }
0x207: {  	v3 =	vadd.f32 v3, v7;
	v6 =	vld [tilespmem:s4+$0x4830];
	[tilespmem:s4+$0x14870] =	vst v1  }
0x208: {  	v1 =	vld [tilespmem:s4+$0xC830]  }
0x209: {  	[tilespmem:s4+$0x14800] =	vst v3;
	v2 =	vadd.f32 v2, v5;
	v5 =	vld [tilespmem:s4+$0x4840]  }
0x20a: {  	v7 =	vld [tilespmem:s4+$0xC840]  }
.Ltmp6:
0x20b: {  	[tilespmem:s4+$0x14810] =	vst v2;
	v0 =	vadd.f32 v0, v4;
	v2 =	vld [tilespmem:s4+$0x4850];
	(pc) =	sbr.rel @p0 .LBB2_14-.Ltmp6, $4  }
0x20c: {  	v3 =	vld [tilespmem:s4+$0xC850]  }
0x20d: {  	[tilespmem:s4+$0x14820] =	vst v0;
	v6 =	vadd.f32 v1, v6;
	v0 =	vld [tilespmem:s4+$0x4860]  }
0x20e: {  	s24 =	sshra.s32 s5, $0x2;
	v4 =	vld [tilespmem:s4+$0xC860]  }
0x20f: {  	s5 =	sadd.s32 $0x200, s5;
	v1 =	vld [tilespmem:s24+$0x4870];
	[tilespmem:s4+$0x14830] =	vst v6;
	v5 =	vadd.f32 v7, v5  }
0x210: {  	v6 =	vld [tilespmem:s24+$0xC870]  }
0x211: {  	v7 =	vld [tilespmem:s24+$0x4800];
	[tilespmem:s4+$0x14840] =	vst v5;
	v2 =	vadd.f32 v3, v2  }
0x212: {  	v3 =	vld [tilespmem:s24+$0xC800]  }
0x213: {  	v5 =	vld [tilespmem:s24+$0x4810];
	[tilespmem:s4+$0x14850] =	vst v2;
	v0 =	vadd.f32 v4, v0  }
0x214: {  	v2 =	vld [tilespmem:s24+$0xC810]  }
0x215: {  	v4 =	vld [tilespmem:s24+$0x4820];
	[tilespmem:s4+$0x14860] =	vst v0  }
0x216: {  	v0 =	vadd.f32 v6, v1;
	v1 =	vld [tilespmem:s24+$0xC820]  }
0x217: {  	v6 =	vld [tilespmem:s24+$0x4830]  }
0x218: {  	v3 =	vadd.f32 v3, v7;
	[tilespmem:s24+$0x14870] =	vst v0;
	v0 =	vld [tilespmem:s24+$0xC830]  }
0x219: {  	v7 =	vld [tilespmem:s24+$0xC860]  }
0x21a: {  	[tilespmem:s24+$0x14800] =	vst v3;
	v2 =	vadd.f32 v2, v5;
	v3 =	vld [tilespmem:s24+$0x4840]  }
0x21b: {  	v5 =	vld [tilespmem:s24+$0xC840]  }
0x21c: {  	[tilespmem:s24+$0x14810] =	vst v2;
	v1 =	vadd.f32 v1, v4;
	v2 =	vld [tilespmem:s24+$0x4850]  }
0x21d: {  	v4 =	vld [tilespmem:s24+$0xC850]  }
0x21e: {  	[tilespmem:s24+$0x14820] =	vst v1;
	v1 =	vld [tilespmem:s24+$0x4860];
	_ =	sdelay $0x1  }
0x21f: {  	v0 =	vadd.f32 v0, v6  }
0x220: {  	v3 =	vadd.f32 v5, v3  }
0x221: {  	[tilespmem:s24+$0x14830] =	vst v0;
	v0 =	vadd.f32 v4, v2  }
0x222: {  	[tilespmem:s24+$0x14840] =	vst v3;
	v1 =	vadd.f32 v7, v1  }
0x223: {  	[tilespmem:s24+$0x14850] =	vst v0  }
0x224: {  	s4 =	simm.s32 $0x0;
	[tilespmem:s24+$0x14860] =	vst v1;
	s24 =	simm.s32 $0x0  }
0x225: {  	[hbm4b:s15+s24] =	stream.linear.scatter [tilespmem:s25], [sflag:$0x2], $0x2000, $0x38;
	[tilespmem:$0x1E800] =	vst v63  }
0x226: {  	v0 =	vld [tilespmem:s4+$0x6870]  }
0x227: {  	v1 =	vld [tilespmem:s4+$0xE870]  }
0x228: {  	v2 =	vld [tilespmem:s4+$0x6800]  }
0x229: {  	v3 =	vld [tilespmem:s4+$0xE800]  }
0x22a: {  	v4 =	vld [tilespmem:s4+$0x6810]  }
0x22b: {  	v5 =	vld [tilespmem:s4+$0xE810]  }
0x22c: {  	v6 =	vld [tilespmem:s4+$0x6820]  }
0x22d: {  	v7 =	vld [tilespmem:s4+$0x6830]  }
0x22e: {  	v0 =	vadd.f32 v1, v0;
	v1 =	vld [tilespmem:s4+$0xE820]  }
0x22f: {  	v8 =	vld [tilespmem:s4+$0xE830]  }
0x230: {  	v9 =	vld [tilespmem:s4+$0xE840];
	v2 =	vadd.f32 v3, v2  }
0x231: {  	[tilespmem:s4+$0x16870] =	vst v0;
	v0 =	vadd.f32 v5, v4;
	v5 =	vld [tilespmem:s4+$0x6840]  }
0x232: {  	v3 =	vld [tilespmem:s4+$0xE850];
	[tilespmem:s4+$0x16800] =	vst v2  }
0x233: {  	v2 =	vld [tilespmem:s4+$0x6850];
	[tilespmem:s4+$0x16810] =	vst v0;
	v0 =	vadd.f32 v1, v6  }
0x234: {  	v4 =	vld [tilespmem:s4+$0xE860];
	v6 =	vadd.f32 v8, v7  }
0x235: {  	s24 =	simm.s32 $0x80;
	[tilespmem:s4+$0x16820] =	vst v0;
	v0 =	vld [tilespmem:s4+$0x6860]  }
0x236: {  	s5 =	simm.s32 $0x400;
	v5 =	vadd.f32 v9, v5;
	v1 =	vld [tilespmem:s24+$0x6870];
	[tilespmem:s4+$0x16830] =	vst v6  }
.LBB2_16:
0x237: {  	p0 =	sne.s32 s5, $0x7E00;
	v6 =	vld [tilespmem:s24+$0xE870]  }
0x238: {  	v7 =	vld [tilespmem:s24+$0x6800];
	[tilespmem:s4+$0x16840] =	vst v5;
	v2 =	vadd.f32 v3, v2  }
0x239: {  	v3 =	vld [tilespmem:s24+$0xE800]  }
0x23a: {  	v5 =	vld [tilespmem:s24+$0x6810];
	[tilespmem:s4+$0x16850] =	vst v2;
	v0 =	vadd.f32 v4, v0  }
0x23b: {  	v2 =	vld [tilespmem:s24+$0xE810]  }
0x23c: {  	v4 =	vld [tilespmem:s24+$0x6820];
	v1 =	vadd.f32 v6, v1;
	[tilespmem:s4+$0x16860] =	vst v0;
	s4 =	smov.u32 s24  }
0x23d: {  	v0 =	vld [tilespmem:s4+$0xE820]  }
0x23e: {  	v3 =	vadd.f32 v3, v7;
	v6 =	vld [tilespmem:s4+$0x6830];
	[tilespmem:s4+$0x16870] =	vst v1  }
0x23f: {  	v1 =	vld [tilespmem:s4+$0xE830]  }
0x240: {  	[tilespmem:s4+$0x16800] =	vst v3;
	v2 =	vadd.f32 v2, v5;
	v5 =	vld [tilespmem:s4+$0x6840]  }
0x241: {  	v7 =	vld [tilespmem:s4+$0xE840]  }
.Ltmp7:
0x242: {  	[tilespmem:s4+$0x16810] =	vst v2;
	v0 =	vadd.f32 v0, v4;
	v2 =	vld [tilespmem:s4+$0x6850];
	(pc) =	sbr.rel @p0 .LBB2_16-.Ltmp7, $4  }
0x243: {  	v3 =	vld [tilespmem:s4+$0xE850]  }
0x244: {  	[tilespmem:s4+$0x16820] =	vst v0;
	v6 =	vadd.f32 v1, v6;
	v0 =	vld [tilespmem:s4+$0x6860]  }
0x245: {  	s24 =	sshra.s32 s5, $0x2;
	v4 =	vld [tilespmem:s4+$0xE860]  }
0x246: {  	s5 =	sadd.s32 $0x200, s5;
	v1 =	vld [tilespmem:s24+$0x6870];
	[tilespmem:s4+$0x16830] =	vst v6;
	v5 =	vadd.f32 v7, v5  }
0x247: {  	v6 =	vld [tilespmem:s24+$0xE870]  }
0x248: {  	v7 =	vld [tilespmem:s24+$0x6800];
	[tilespmem:s4+$0x16840] =	vst v5;
	v2 =	vadd.f32 v3, v2  }
0x249: {  	v51 =	vld [tilespmem:s24+$0xE800]  }
0x24a: {  	v5 =	vld [tilespmem:s24+$0x6810];
	[tilespmem:s4+$0x16850] =	vst v2;
	v0 =	vadd.f32 v4, v0  }
0x24b: {  	v2 =	vld [tilespmem:s24+$0xE810]  }
0x24c: {  	v52 =	vld [tilespmem:s24+$0x6820];
	[tilespmem:s4+$0x16860] =	vst v0  }
0x24d: {  	v54 =	vld [tilespmem:s24+$0xE820]  }
0x24e: {  	v55 =	vld [tilespmem:s24+$0x6830]  }
0x24f: {  	v56 =	vld [tilespmem:s24+$0xE830]  }
0x250: {  	v57 =	vld [tilespmem:s24+$0x6840]  }
0x251: {  	v58 =	vld [tilespmem:s24+$0xE840]  }
0x252: {  	v59 =	vld [tilespmem:s24+$0x6850]  }
0x253: {  	v53 =	vadd.f32 v6, v1;
	v60 =	vld [tilespmem:s24+$0xE850]  }
0x254: {  	v61 =	vld [tilespmem:s24+$0x6860];
	v3 =	vadd.f32 v51, v7  }
0x255: {  	v62 =	vld [tilespmem:s24+$0xE860];
	[tilespmem:s24+$0x16870] =	vst v53;
	v2 =	vadd.f32 v2, v5  }
0x256: {  	[tilespmem:s24+$0x16800] =	vst v3;
	v1 =	vadd.f32 v54, v52  }
0x257: {  	[tilespmem:s24+$0x16810] =	vst v2;
	v0 =	vadd.f32 v56, v55  }
0x258: {  	v3 =	vadd.f32 v58, v57;
	[tilespmem:s24+$0x16820] =	vst v1  }
0x259: {  	v63 =	vadd.f32 v60, v59;
	[tilespmem:s24+$0x16830] =	vst v0  }
0x25a: {  	[tilespmem:s24+$0x16840] =	vst v3;
	v1 =	vadd.f32 v62, v61  }
0x25b: {  	[tilespmem:s24+$0x16850] =	vst v63  }
0x25c: {  	[tilespmem:s24+$0x16860] =	vst v1  }
0x25d: {  	[hbm4b:s16+s3] =	stream.linear.scatter [tilespmem:s29], [sflag:$0x2], $0x2000, $0x38;
	[tilespmem:$0x1E800] =	vst v63  }
0x25e: {  	_ =	swait.ge [sflag:s20], $0x2000  }
0x25f: {  	[sflag:s20] =	ssyncset.done $0x0  }
0x260: {  	[sflag:s20] =	ssyncadd.s32 $0xFFFFE000  }
0x261: {  	_ =	swait.ge [sflag:s20], $0x2000  }
0x262: {  	[sflag:s20] =	ssyncset.done $0x0  }
0x263: {  	s21 =	sadd.s32 $0x1, s21;
	[sflag:s20] =	ssyncadd.s32 $0xFFFFE000  }
0x264: {  	p0 =	sne.s32 s21, s17;
	_ =	swait.ge [sflag:s20], $0x2000  }
.Ltmp8:
0x265: {  	[sflag:s20] =	ssyncset.done $0x0;
	(pc) =	sbr.rel @p0 .LBB2_1-.Ltmp8, $4  }
0x266: {  	[sflag:s20] =	ssyncadd.s32 $0xFFFFE000  }
0x267: {  	_ =	swait.ge [sflag:s20], $0x2000  }
0x268: {  	[sflag:s20] =	ssyncset.done $0x0  }
0x269: {  	[sflag:s20] =	ssyncadd.s32 $0xFFFFE000  }
0x26a: {  	_ =	sfence.sel $0x180000  }
0x26b: {  	[bflag:$0x0] =	sbarrier.arrive $0xFFFF  }
0x26c: {  	_ =	strace $0x90000047  }
0x26d: {  	s0 =	stileid.u32;
	[bflag:$0x2] =	sbarrier.arrive $0xFFFF  }
0x26e: {  	p0 =	sne.s32 s0, $0x0;
	s0 =	rddreg [dreg:$0x6]  }
0x26f: {  	s0 =	sadd.s32 @!p0 $0x100000, s0  }
0x270: {  	[sflag:s0] =	ssyncadd.tile.s32 @!p0 $0x1;
	_ =	shalt  }
.Lfunc_end2:
_tile_overlayer_lowered:
.L_overlay_start_2:
0x271: {  	(tag) =	ssettag $0x2  }
0x272: {  	s0 =	rddreg [dreg:$0x0];
	s2 =	stileid.u32  }
0x273: {  	s1 =	rddreg [dreg:$0x1];
	p0 =	sne.s32 s2, $0x0  }
0x274: {  	s3 =	rddreg [dreg:$0x2];
	[bflag:$0x3] =	sbarrier.arrive $0xFFFF;
	s2 =	simm.s32 @!p0 $0x1C04  }
0x275: {  	[timem:s3], [sflag:s2] =	dma.local @!p0 [hbm:s0], s1  }
0x276: {  	s0 =	simm.s32 @!p0 $0x4  }
0x277: {  	_ =	swait.ge @!p0 [sflag:s0], s1  }
0x278: {  	s1 =	ssub.s32 @!p0 $0x0, s1;
	[sflag:s0] =	ssyncset.done @!p0 $0x0  }
0x279: {  	[sflag:s0] =	ssyncadd.s32 @!p0 s1  }
0x27a: {  	[bflag:$0x3] =	sbarrier.arrive $0xFFFF  }
0x27b: {  	_ =	shalt  }

</sc_bundles>
